<compile_context>
chip_gen: v7x
topology: tpu7x:2x2x1
jax: 0.10.2.dev20260603
libtpu: 0.0.44.dev20260713+nightly
codegen_flags: <defaults>
</compile_context>

<pallas_src>
import functools

import jax
import jax.numpy as jnp
from jax import lax
from jax.experimental import pallas as pl
from jax.experimental.pallas import tpu as pltpu
from jax.experimental.pallas import tpu_sc as plsc

_BN_EPS = 1e-5

_NC = 2
_NS = 16
_W = 128



def _encoder_body(x_ref, w_ref, b_ref, o_ref):
    o_ref[...] = jnp.dot(x_ref[...], w_ref[...],
                         preferred_element_type=jnp.float32) + b_ref[...]


def _encoder(x, enc_W, enc_b):
    n, _ = x.shape
    hd = enc_W.shape[1]
    return pl.pallas_call(
        _encoder_body,
        out_shape=jax.ShapeDtypeStruct((n, hd), jnp.float32),
    )(x, enc_W, enc_b.reshape(1, hd))


def _mlp_bn(h_ref, agg_ref, eps_ref, w1_ref, b1_ref, w2_ref, b2_ref,
            g_ref, be_ref, i, hd):
    h = h_ref[...]
    agg = agg_ref[0, :, :hd] + agg_ref[1, :, :hd]
    h2 = (1.0 + eps_ref[0, i]) * h + agg
    t = jnp.maximum(jnp.dot(h2, w1_ref[i],
                            preferred_element_type=jnp.float32)
                    + b1_ref[i][None, :], 0.0)
    h2 = (jnp.dot(t, w2_ref[i], preferred_element_type=jnp.float32)
          + b2_ref[i][None, :])
    mean = jnp.mean(h2, axis=0, keepdims=True)
    c = h2 - mean
    var = jnp.mean(c * c, axis=0, keepdims=True)
    h2 = c * lax.rsqrt(var + _BN_EPS) * g_ref[i][None, :] + be_ref[i][None, :]
    return jnp.maximum(h2, 0.0)


def _layer_body(h_ref, agg_ref, eps_ref, w1_ref, b1_ref, w2_ref, b2_ref,
                g_ref, be_ref, o_ref, *, i, hd):
    o_ref[...] = _mlp_bn(h_ref, agg_ref, eps_ref, w1_ref, b1_ref, w2_ref,
                         b2_ref, g_ref, be_ref, i, hd)


def _layer(h, agg, i, hd, eps2, W1, b1, W2, b2, gamma, beta):
    n = h.shape[0]
    return pl.pallas_call(
        functools.partial(_layer_body, i=i, hd=hd),
        out_shape=jax.ShapeDtypeStruct((n, hd), jnp.float32),
    )(h, agg, eps2, W1, b1, W2, b2, gamma, beta)


def _layer_pool_body(h_ref, agg_ref, eps_ref, w1_ref, b1_ref, w2_ref,
                     b2_ref, g_ref, be_ref, batch_ref, lw_ref, lb_ref,
                     o_ref, *, i, hd, g):
    n = h_ref.shape[0]
    hl = _mlp_bn(h_ref, agg_ref, eps_ref, w1_ref, b1_ref, w2_ref, b2_ref,
                 g_ref, be_ref, i, hd)
    b = batch_ref[...]
    gid = lax.broadcasted_iota(jnp.int32, (n, g), 1)
    onehot = jnp.where(b == gid, 1.0, 0.0)
    sums = lax.dot_general(onehot, hl, (((0,), (0,)), ((), ())),
                           preferred_element_type=jnp.float32)
    counts = jnp.sum(onehot, axis=0)[:, None]
    pooled = sums / jnp.maximum(counts, 1.0)
    o_ref[...] = jnp.dot(pooled, lw_ref[...],
                         preferred_element_type=jnp.float32) + lb_ref[...]


def _layer_pool(h, agg, i, hd, eps2, W1, b1, W2, b2, gamma, beta,
                batch, lin_W, lin_b, g):
    n = h.shape[0]
    c = lin_W.shape[1]
    return pl.pallas_call(
        functools.partial(_layer_pool_body, i=i, hd=hd, g=g),
        out_shape=jax.ShapeDtypeStruct((g, c), jnp.float32),
    )(h, agg, eps2, W1, b1, W2, b2, gamma, beta,
      batch.reshape(n, 1), lin_W, lin_b.reshape(1, c))



_K = 125
_SLAB = 632


def _seg_body(h_hbm, src_hbm, dst_hbm, out_hbm,
              sidx, didx, rows, zbuf, accum, gsem, ssem, *, n, h, e):
    c = lax.axis_index("c")
    s = lax.axis_index("s")
    tile = c * _NS + s
    chunks = e // (_NC * _NS * _K)
    zrows = zbuf.shape[0]
    last = n - (_NS - 1) * _SLAB

    ebase = pl.multiple_of(tile * chunks, 8)
    pltpu.sync_copy(src_hbm.at[pl.ds(ebase, chunks)], sidx)
    pltpu.sync_copy(dst_hbm.at[pl.ds(ebase, chunks)], didx)

    z16 = jnp.zeros((16,), jnp.float32)
    for i in range(zrows):
        for j in range(h // 16):
            zbuf[i, pl.ds(j * 16, 16)] = z16
    row0 = pl.multiple_of(s * _SLAB, 8)
    myrows = jnp.where(s == _NS - 1, last, _SLAB)

    def zc(k, carry):
        pltpu.sync_copy(zbuf,
                        accum.at[pl.ds(pl.multiple_of(row0 + k * zrows, 8),
                                       zrows)])
        return carry
    lax.fori_loop(0, myrows // zrows, zc, 0)
    plsc.subcore_barrier()

    nbuf = rows.shape[0]

    def gstart(g):
        slot = lax.rem(g, nbuf)
        pltpu.async_copy(h_hbm.at[sidx.at[g]], rows.at[slot], gsem.at[slot])

    def swait(g):
        slot = lax.rem(g, nbuf)
        pltpu.make_async_copy(rows.at[slot], accum.at[didx.at[g]],
                              ssem.at[slot]).wait()

    gstart(0)
    gstart(1)
    gstart(2)

    def body(g, carry):
        slot = lax.rem(g, nbuf)
        pltpu.make_async_copy(h_hbm.at[sidx.at[g]], rows.at[slot],
                              gsem.at[slot]).wait()
        pltpu.async_copy(rows.at[slot], accum.at[didx.at[g]],
                         ssem.at[slot], add=True)

        @pl.when(g == 0)
        def _():
            gstart(3)

        @pl.when(jnp.logical_and(g >= 1, g + 3 < chunks))
        def _():
            swait(g - 1)
            gstart(g + 3)

        return carry
    lax.fori_loop(0, chunks, body, 0)
    swait(chunks - 4)
    swait(chunks - 3)
    swait(chunks - 2)
    swait(chunks - 1)
    plsc.subcore_barrier()

    @pl.when(s < _NS - 1)
    def _():
        pltpu.sync_copy(accum.at[pl.ds(row0, _SLAB)],
                        out_hbm.at[c, pl.ds(row0, _SLAB), pl.ds(0, h)])

    @pl.when(s == _NS - 1)
    def _():
        base = (_NS - 1) * _SLAB
        pltpu.sync_copy(accum.at[pl.ds(base, last)],
                        out_hbm.at[c, pl.ds(base, last), pl.ds(0, h)])


def _segment_sum(h, src2, dst2, n, hd):
    e = src2.shape[0] * src2.shape[1]
    chunks = e // (_NC * _NS * _K)
    mesh = plsc.VectorSubcoreMesh(core_axis_name="c", subcore_axis_name="s")
    f = pl.kernel(
        functools.partial(_seg_body, n=n, h=hd, e=e),
        out_type=jax.ShapeDtypeStruct((_NC, n, _W), jnp.float32),
        mesh=mesh,
        scratch_types=[
            pltpu.VMEM((chunks, _K), jnp.int32),
            pltpu.VMEM((chunks, _K), jnp.int32),
            pltpu.VMEM((4, _K, hd), jnp.float32),
            pltpu.VMEM((8, hd), jnp.float32),
            pltpu.VMEM_SHARED((n, hd), jnp.float32),
            pltpu.SemaphoreType.DMA((4,)),
            pltpu.SemaphoreType.DMA((4,)),
        ],
        compiler_params=pltpu.CompilerParams(use_tc_tiling_on_sc=False),
    )
    return f(h, src2, dst2)



def kernel(x, edge_index, batch, enc_W, enc_b, eps, W1, b1, W2, b2, gamma,
           beta, lin_W, lin_b):
    n = x.shape[0]
    g = 64
    L = W1.shape[0]
    hd = enc_W.shape[1]
    e = edge_index.shape[1]
    src2 = edge_index[0].reshape(e // _K, _K)
    dst2 = edge_index[1].reshape(e // _K, _K)
    eps2 = eps.reshape(1, L)
    h = _encoder(x, enc_W, enc_b)
    for i in range(L - 1):
        agg = _segment_sum(h, src2, dst2, n, hd)
        h = _layer(h, agg, i, hd, eps2, W1, b1, W2, b2, gamma, beta)
    agg = _segment_sum(h, src2, dst2, n, hd)
    return _layer_pool(h, agg, L - 1, hd, eps2, W1, b1, W2, b2, gamma,
                       beta, batch, lin_W, lin_b, g)

# --- scband reference (transcript-rebuilt; emitter-appended) ---
"""Pipeline reference for scband-gin-26645977105018 (READ-ONLY COPY).

The authoritative reference and input builder live on the scoring server;
editing this copy changes nothing except your own understanding.
"""

import jax, jax.numpy as jnp
import numpy as np

N = 10000
E = 320000
F_IN = 128
H = 64
L = 3
C = 10
G = 64
BN_EPS = 1e-5


def setup_inputs(seed: int = 0) -> dict:
    key = jax.random.key(seed)
    ks = jax.random.split(key, 12)
    x = jax.random.normal(ks[0], (N, F_IN), dtype=jnp.float32)
    edge_index = jax.random.randint(ks[1], (2, E), 0, N, dtype=jnp.int32)
    batch = jnp.sort(jax.random.randint(ks[2], (N,), 0, G, dtype=jnp.int32))
    enc_W = jax.random.normal(ks[3], (F_IN, H), dtype=jnp.float32) * 0.05
    enc_b = jnp.zeros((H,), dtype=jnp.float32)
    eps = jnp.zeros((L,), dtype=jnp.float32)
    W1 = jax.random.normal(ks[4], (L, H, H), dtype=jnp.float32) * 0.05
    b1 = jnp.zeros((L, H), dtype=jnp.float32)
    W2 = jax.random.normal(ks[5], (L, H, H), dtype=jnp.float32) * 0.05
    b2 = jnp.zeros((L, H), dtype=jnp.float32)
    gamma = jnp.ones((L, H), dtype=jnp.float32)
    beta = jnp.zeros((L, H), dtype=jnp.float32)
    lin_W = jax.random.normal(ks[6], (H, C), dtype=jnp.float32) * 0.05
    lin_b = jnp.zeros((C,), dtype=jnp.float32)
    return {"x": x, "edge_index": edge_index, "batch": batch,
            "enc_W": enc_W, "enc_b": enc_b, "eps": eps,
            "W1": W1, "b1": b1, "W2": W2, "b2": b2,
            "gamma": gamma, "beta": beta, "lin_W": lin_W, "lin_b": lin_b}


def reference(x, edge_index, batch, enc_W, enc_b, eps, W1, b1, W2, b2, gamma, beta, lin_W, lin_b):
    src = edge_index[0]
    dst = edge_index[1]
    h = x @ enc_W + enc_b
    for i in range(L):
        # GINConv: mlp((1+eps)*x + sum_{j in N(i)} x_j)
        agg = jax.ops.segment_sum(h[src], dst, num_segments=N)
        h2 = (1.0 + eps[i]) * h + agg
        h2 = jax.nn.relu(h2 @ W1[i] + b1[i]) @ W2[i] + b2[i]
        # BatchNorm1d (batch statistics)
        mean = jnp.mean(h2, axis=0)
        var = jnp.var(h2, axis=0)
        h2 = (h2 - mean) / jnp.sqrt(var + BN_EPS) * gamma[i] + beta[i]
        h = jax.nn.relu(h2)
        # dropout is identity in eval mode
    # global mean pool over graphs
    sums = jax.ops.segment_sum(h, batch, num_segments=G)
    counts = jax.ops.segment_sum(jnp.ones((N, 1), dtype=h.dtype), batch, num_segments=G)
    pooled = sums / jnp.maximum(counts, 1.0)
    return pooled @ lin_W + lin_b

if __name__ == "__main__":
    import jax
    _d = setup_inputs()
    print(jax.jit(kernel)(*tuple(_d.values())))

</pallas_src>

<mosaic_0001>
#map = affine_map<(d0, d1) -> (0, 0)>
#map1 = affine_map<(d0, d1) -> (0, 0, 0)>
module attributes {stable_mosaic.version = 14 : i64} {
  func.func @_seg_body(%arg0: i32, %arg1: i32, %arg2: memref<10000x64xf32, #tpu.memory_space<hbm>>, %arg3: memref<2560x125xi32, #tpu.memory_space<hbm>>, %arg4: memref<2560x125xi32, #tpu.memory_space<hbm>>, %arg5: memref<2x10000x128xf32, #tpu.memory_space<hbm>>, %arg6: memref<80x125xi32, #tpu.memory_space<vmem>>, %arg7: memref<80x125xi32, #tpu.memory_space<vmem>>, %arg8: memref<4x125x64xf32, #tpu.memory_space<vmem>>, %arg9: memref<8x64xf32, #tpu.memory_space<vmem>>, %arg10: memref<10000x64xf32, #tpu.memory_space<vmem_shared>>, %arg11: memref<4x!tpu.dma_semaphore, #tpu.memory_space<semaphore_mem>>, %arg12: memref<4x!tpu.dma_semaphore, #tpu.memory_space<semaphore_mem>>) attributes {dimension_semantics = [#tpu.dimension_semantics<core_parallel>, #tpu.dimension_semantics<subcore_parallel>], iteration_bounds = array<i64: 2, 16>, scalar_prefetch = 0 : i64, scratch_operands = 7 : i64, tpu.core_type = #tpu.core_type<sc_vector_subcore>, window_params = [{transform_indices = #map}, {transform_indices = #map}, {transform_indices = #map}, {transform_indices = #map1}]} {
    %mul3A = arith.constant 16 : i32
    %mul3A_0 = arith.muli %arg0, %mul3A : i32
    %add3A = arith.addi %mul3A_0, %arg1 : i32
    %mul3A_1 = arith.constant 80 : i32
    %mul3A_2 = arith.muli %add3A, %mul3A_1 : i32
    %multiple_of3A = tpu.assume_multiple %mul3A_2, 8 : i32
    "tpu.region"() ({
      %run_scoped3A = tpu.sem_alloc : memref<!tpu.dma_semaphore, #tpu.memory_space<semaphore_mem>>
      %dma_start3A_350 = arith.constant 0 : i32
      %dma_start3A_351 = tpu.memref_slice %arg3[%multiple_of3A, %dma_start3A_350] : memref<2560x125xi32, #tpu.memory_space<hbm>> -> memref<80x125xi32, #tpu.memory_space<hbm>>
      %dma_start3A_352 = arith.constant 0 : i32
      %dma_start3A_353 = tpu.memref_slice %arg3[%multiple_of3A, %dma_start3A_352] : memref<2560x125xi32, #tpu.memory_space<hbm>> -> memref<80x125xi32, #tpu.memory_space<hbm>>
      tpu.enqueue_dma source(%dma_start3A_353 : memref<80x125xi32, #tpu.memory_space<hbm>>) target(%arg6 : memref<80x125xi32, #tpu.memory_space<vmem>>) target_semaphore(%run_scoped3A : memref<!tpu.dma_semaphore, #tpu.memory_space<semaphore_mem>>)
      %dma_wait3A_354 = arith.constant 0 : i32
      %dma_wait3A_355 = tpu.memref_slice %arg3[%multiple_of3A, %dma_wait3A_354] : memref<2560x125xi32, #tpu.memory_space<hbm>> -> memref<80x125xi32, #tpu.memory_space<hbm>>
      %dma_wait3A_356 = arith.constant 0 : i32
      %dma_wait3A_357 = tpu.memref_slice %arg3[%multiple_of3A, %dma_wait3A_356] : memref<2560x125xi32, #tpu.memory_space<hbm>> -> memref<80x125xi32, #tpu.memory_space<hbm>>
      tpu.wait_dma2 semaphore(%run_scoped3A : memref<!tpu.dma_semaphore, #tpu.memory_space<semaphore_mem>>) src(%dma_wait3A_357 : memref<80x125xi32, #tpu.memory_space<hbm>>) dst(%arg6 : memref<80x125xi32, #tpu.memory_space<vmem>>)
      tpu.yield
    }) : () -> ()
    "tpu.region"() ({
      %run_scoped3A = tpu.sem_alloc : memref<!tpu.dma_semaphore, #tpu.memory_space<semaphore_mem>>
      %dma_start3A_350 = arith.constant 0 : i32
      %dma_start3A_351 = tpu.memref_slice %arg4[%multiple_of3A, %dma_start3A_350] : memref<2560x125xi32, #tpu.memory_space<hbm>> -> memref<80x125xi32, #tpu.memory_space<hbm>>
      %dma_start3A_352 = arith.constant 0 : i32
      %dma_start3A_353 = tpu.memref_slice %arg4[%multiple_of3A, %dma_start3A_352] : memref<2560x125xi32, #tpu.memory_space<hbm>> -> memref<80x125xi32, #tpu.memory_space<hbm>>
      tpu.enqueue_dma source(%dma_start3A_353 : memref<80x125xi32, #tpu.memory_space<hbm>>) target(%arg7 : memref<80x125xi32, #tpu.memory_space<vmem>>) target_semaphore(%run_scoped3A : memref<!tpu.dma_semaphore, #tpu.memory_space<semaphore_mem>>)
      %dma_wait3A_354 = arith.constant 0 : i32
      %dma_wait3A_355 = tpu.memref_slice %arg4[%multiple_of3A, %dma_wait3A_354] : memref<2560x125xi32, #tpu.memory_space<hbm>> -> memref<80x125xi32, #tpu.memory_space<hbm>>
      %dma_wait3A_356 = arith.constant 0 : i32
      %dma_wait3A_357 = tpu.memref_slice %arg4[%multiple_of3A, %dma_wait3A_356] : memref<2560x125xi32, #tpu.memory_space<hbm>> -> memref<80x125xi32, #tpu.memory_space<hbm>>
      tpu.wait_dma2 semaphore(%run_scoped3A : memref<!tpu.dma_semaphore, #tpu.memory_space<semaphore_mem>>) src(%dma_wait3A_357 : memref<80x125xi32, #tpu.memory_space<hbm>>) dst(%arg7 : memref<80x125xi32, #tpu.memory_space<vmem>>)
      tpu.yield
    }) : () -> ()
    %broadcast_in_dim3A = arith.constant 0.000000e+00 : f32
    %broadcast_in_dim3A_3 = vector.broadcast %broadcast_in_dim3A : f32 to vector<16xf32>
    %swap3A = arith.constant 0 : i32
    %swap3A_4 = arith.index_cast %swap3A : i32 to index
    %swap3A_5 = arith.constant 0 : index
    %swap3A_6 = tpu.vector_load %arg9[%swap3A_4, %swap3A_5] {strides = array<i32>} : memref<8x64xf32, #tpu.memory_space<vmem>>, vector<1x16xf32>,
    %swap3A_7 = vector.shape_cast %swap3A_6 : vector<1x16xf32> to vector<16xf32>
    %swap3A_8 = vector.shape_cast %broadcast_in_dim3A_3 : vector<16xf32> to vector<1x16xf32>
    tpu.vector_store %arg9[%swap3A_4, %swap3A_5], %swap3A_8 {strides = array<i32>} : memref<8x64xf32, #tpu.memory_space<vmem>>, vector<1x16xf32>,
    %swap3A_9 = arith.constant 0 : i32
    %swap3A_10 = arith.index_cast %swap3A_9 : i32 to index
    %swap3A_11 = arith.constant 16 : index
    %swap3A_12 = tpu.vector_load %arg9[%swap3A_10, %swap3A_11] {strides = array<i32>} : memref<8x64xf32, #tpu.memory_space<vmem>>, vector<1x16xf32>,
    %swap3A_13 = vector.shape_cast %swap3A_12 : vector<1x16xf32> to vector<16xf32>
    %swap3A_14 = vector.shape_cast %broadcast_in_dim3A_3 : vector<16xf32> to vector<1x16xf32>
    tpu.vector_store %arg9[%swap3A_10, %swap3A_11], %swap3A_14 {strides = array<i32>} : memref<8x64xf32, #tpu.memory_space<vmem>>, vector<1x16xf32>,
    %swap3A_15 = arith.constant 0 : i32
    %swap3A_16 = arith.index_cast %swap3A_15 : i32 to index
    %swap3A_17 = arith.constant 32 : index
    %swap3A_18 = tpu.vector_load %arg9[%swap3A_16, %swap3A_17] {strides = array<i32>} : memref<8x64xf32, #tpu.memory_space<vmem>>, vector<1x16xf32>,
    %swap3A_19 = vector.shape_cast %swap3A_18 : vector<1x16xf32> to vector<16xf32>
    %swap3A_20 = vector.shape_cast %broadcast_in_dim3A_3 : vector<16xf32> to vector<1x16xf32>
    tpu.vector_store %arg9[%swap3A_16, %swap3A_17], %swap3A_20 {strides = array<i32>} : memref<8x64xf32, #tpu.memory_space<vmem>>, vector<1x16xf32>,
    %swap3A_21 = arith.constant 0 : i32
    %swap3A_22 = arith.index_cast %swap3A_21 : i32 to index
    %swap3A_23 = arith.constant 48 : index
    %swap3A_24 = tpu.vector_load %arg9[%swap3A_22, %swap3A_23] {strides = array<i32>} : memref<8x64xf32, #tpu.memory_space<vmem>>, vector<1x16xf32>,
    %swap3A_25 = vector.shape_cast %swap3A_24 : vector<1x16xf32> to vector<16xf32>
    %swap3A_26 = vector.shape_cast %broadcast_in_dim3A_3 : vector<16xf32> to vector<1x16xf32>
    tpu.vector_store %arg9[%swap3A_22, %swap3A_23], %swap3A_26 {strides = array<i32>} : memref<8x64xf32, #tpu.memory_space<vmem>>, vector<1x16xf32>,
    %swap3A_27 = arith.constant 1 : i32
    %swap3A_28 = arith.index_cast %swap3A_27 : i32 to index
    %swap3A_29 = arith.constant 0 : index
    %swap3A_30 = tpu.vector_load %arg9[%swap3A_28, %swap3A_29] {strides = array<i32>} : memref<8x64xf32, #tpu.memory_space<vmem>>, vector<1x16xf32>,
    %swap3A_31 = vector.shape_cast %swap3A_30 : vector<1x16xf32> to vector<16xf32>
    %swap3A_32 = vector.shape_cast %broadcast_in_dim3A_3 : vector<16xf32> to vector<1x16xf32>
    tpu.vector_store %arg9[%swap3A_28, %swap3A_29], %swap3A_32 {strides = array<i32>} : memref<8x64xf32, #tpu.memory_space<vmem>>, vector<1x16xf32>,
    %swap3A_33 = arith.constant 1 : i32
    %swap3A_34 = arith.index_cast %swap3A_33 : i32 to index
    %swap3A_35 = arith.constant 16 : index
    %swap3A_36 = tpu.vector_load %arg9[%swap3A_34, %swap3A_35] {strides = array<i32>} : memref<8x64xf32, #tpu.memory_space<vmem>>, vector<1x16xf32>,
    %swap3A_37 = vector.shape_cast %swap3A_36 : vector<1x16xf32> to vector<16xf32>
    %swap3A_38 = vector.shape_cast %broadcast_in_dim3A_3 : vector<16xf32> to vector<1x16xf32>
    tpu.vector_store %arg9[%swap3A_34, %swap3A_35], %swap3A_38 {strides = array<i32>} : memref<8x64xf32, #tpu.memory_space<vmem>>, vector<1x16xf32>,
    %swap3A_39 = arith.constant 1 : i32
    %swap3A_40 = arith.index_cast %swap3A_39 : i32 to index
    %swap3A_41 = arith.constant 32 : index
    %swap3A_42 = tpu.vector_load %arg9[%swap3A_40, %swap3A_41] {strides = array<i32>} : memref<8x64xf32, #tpu.memory_space<vmem>>, vector<1x16xf32>,
    %swap3A_43 = vector.shape_cast %swap3A_42 : vector<1x16xf32> to vector<16xf32>
    %swap3A_44 = vector.shape_cast %broadcast_in_dim3A_3 : vector<16xf32> to vector<1x16xf32>
    tpu.vector_store %arg9[%swap3A_40, %swap3A_41], %swap3A_44 {strides = array<i32>} : memref<8x64xf32, #tpu.memory_space<vmem>>, vector<1x16xf32>,
    %swap3A_45 = arith.constant 1 : i32
    %swap3A_46 = arith.index_cast %swap3A_45 : i32 to index
    %swap3A_47 = arith.constant 48 : index
    %swap3A_48 = tpu.vector_load %arg9[%swap3A_46, %swap3A_47] {strides = array<i32>} : memref<8x64xf32, #tpu.memory_space<vmem>>, vector<1x16xf32>,
    %swap3A_49 = vector.shape_cast %swap3A_48 : vector<1x16xf32> to vector<16xf32>
    %swap3A_50 = vector.shape_cast %broadcast_in_dim3A_3 : vector<16xf32> to vector<1x16xf32>
    tpu.vector_store %arg9[%swap3A_46, %swap3A_47], %swap3A_50 {strides = array<i32>} : memref<8x64xf32, #tpu.memory_space<vmem>>, vector<1x16xf32>,
    %swap3A_51 = arith.constant 2 : i32
    %swap3A_52 = arith.index_cast %swap3A_51 : i32 to index
    %swap3A_53 = arith.constant 0 : index
    %swap3A_54 = tpu.vector_load %arg9[%swap3A_52, %swap3A_53] {strides = array<i32>} : memref<8x64xf32, #tpu.memory_space<vmem>>, vector<1x16xf32>,
    %swap3A_55 = vector.shape_cast %swap3A_54 : vector<1x16xf32> to vector<16xf32>
    %swap3A_56 = vector.shape_cast %broadcast_in_dim3A_3 : vector<16xf32> to vector<1x16xf32>
    tpu.vector_store %arg9[%swap3A_52, %swap3A_53], %swap3A_56 {strides = array<i32>} : memref<8x64xf32, #tpu.memory_space<vmem>>, vector<1x16xf32>,
    %swap3A_57 = arith.constant 2 : i32
    %swap3A_58 = arith.index_cast %swap3A_57 : i32 to index
    %swap3A_59 = arith.constant 16 : index
    %swap3A_60 = tpu.vector_load %arg9[%swap3A_58, %swap3A_59] {strides = array<i32>} : memref<8x64xf32, #tpu.memory_space<vmem>>, vector<1x16xf32>,
    %swap3A_61 = vector.shape_cast %swap3A_60 : vector<1x16xf32> to vector<16xf32>
    %swap3A_62 = vector.shape_cast %broadcast_in_dim3A_3 : vector<16xf32> to vector<1x16xf32>
    tpu.vector_store %arg9[%swap3A_58, %swap3A_59], %swap3A_62 {strides = array<i32>} : memref<8x64xf32, #tpu.memory_space<vmem>>, vector<1x16xf32>,
    %swap3A_63 = arith.constant 2 : i32
    %swap3A_64 = arith.index_cast %swap3A_63 : i32 to index
    %swap3A_65 = arith.constant 32 : index
    %swap3A_66 = tpu.vector_load %arg9[%swap3A_64, %swap3A_65] {strides = array<i32>} : memref<8x64xf32, #tpu.memory_space<vmem>>, vector<1x16xf32>,
    %swap3A_67 = vector.shape_cast %swap3A_66 : vector<1x16xf32> to vector<16xf32>
    %swap3A_68 = vector.shape_cast %broadcast_in_dim3A_3 : vector<16xf32> to vector<1x16xf32>
    tpu.vector_store %arg9[%swap3A_64, %swap3A_65], %swap3A_68 {strides = array<i32>} : memref<8x64xf32, #tpu.memory_space<vmem>>, vector<1x16xf32>,
    %swap3A_69 = arith.constant 2 : i32
    %swap3A_70 = arith.index_cast %swap3A_69 : i32 to index
    %swap3A_71 = arith.constant 48 : index
    %swap3A_72 = tpu.vector_load %arg9[%swap3A_70, %swap3A_71] {strides = array<i32>} : memref<8x64xf32, #tpu.memory_space<vmem>>, vector<1x16xf32>,
    %swap3A_73 = vector.shape_cast %swap3A_72 : vector<1x16xf32> to vector<16xf32>
    %swap3A_74 = vector.shape_cast %broadcast_in_dim3A_3 : vector<16xf32> to vector<1x16xf32>
    tpu.vector_store %arg9[%swap3A_70, %swap3A_71], %swap3A_74 {strides = array<i32>} : memref<8x64xf32, #tpu.memory_space<vmem>>, vector<1x16xf32>,
    %swap3A_75 = arith.constant 3 : i32
    %swap3A_76 = arith.index_cast %swap3A_75 : i32 to index
    %swap3A_77 = arith.constant 0 : index
    %swap3A_78 = tpu.vector_load %arg9[%swap3A_76, %swap3A_77] {strides = array<i32>} : memref<8x64xf32, #tpu.memory_space<vmem>>, vector<1x16xf32>,
    %swap3A_79 = vector.shape_cast %swap3A_78 : vector<1x16xf32> to vector<16xf32>
    %swap3A_80 = vector.shape_cast %broadcast_in_dim3A_3 : vector<16xf32> to vector<1x16xf32>
    tpu.vector_store %arg9[%swap3A_76, %swap3A_77], %swap3A_80 {strides = array<i32>} : memref<8x64xf32, #tpu.memory_space<vmem>>, vector<1x16xf32>,
    %swap3A_81 = arith.constant 3 : i32
    %swap3A_82 = arith.index_cast %swap3A_81 : i32 to index
    %swap3A_83 = arith.constant 16 : index
    %swap3A_84 = tpu.vector_load %arg9[%swap3A_82, %swap3A_83] {strides = array<i32>} : memref<8x64xf32, #tpu.memory_space<vmem>>, vector<1x16xf32>,
    %swap3A_85 = vector.shape_cast %swap3A_84 : vector<1x16xf32> to vector<16xf32>
    %swap3A_86 = vector.shape_cast %broadcast_in_dim3A_3 : vector<16xf32> to vector<1x16xf32>
    tpu.vector_store %arg9[%swap3A_82, %swap3A_83], %swap3A_86 {strides = array<i32>} : memref<8x64xf32, #tpu.memory_space<vmem>>, vector<1x16xf32>,
    %swap3A_87 = arith.constant 3 : i32
    %swap3A_88 = arith.index_cast %swap3A_87 : i32 to index
    %swap3A_89 = arith.constant 32 : index
    %swap3A_90 = tpu.vector_load %arg9[%swap3A_88, %swap3A_89] {strides = array<i32>} : memref<8x64xf32, #tpu.memory_space<vmem>>, vector<1x16xf32>,
    %swap3A_91 = vector.shape_cast %swap3A_90 : vector<1x16xf32> to vector<16xf32>
    %swap3A_92 = vector.shape_cast %broadcast_in_dim3A_3 : vector<16xf32> to vector<1x16xf32>
    tpu.vector_store %arg9[%swap3A_88, %swap3A_89], %swap3A_92 {strides = array<i32>} : memref<8x64xf32, #tpu.memory_space<vmem>>, vector<1x16xf32>,
    %swap3A_93 = arith.constant 3 : i32
    %swap3A_94 = arith.index_cast %swap3A_93 : i32 to index
    %swap3A_95 = arith.constant 48 : index
    %swap3A_96 = tpu.vector_load %arg9[%swap3A_94, %swap3A_95] {strides = array<i32>} : memref<8x64xf32, #tpu.memory_space<vmem>>, vector<1x16xf32>,
    %swap3A_97 = vector.shape_cast %swap3A_96 : vector<1x16xf32> to vector<16xf32>
    %swap3A_98 = vector.shape_cast %broadcast_in_dim3A_3 : vector<16xf32> to vector<1x16xf32>
    tpu.vector_store %arg9[%swap3A_94, %swap3A_95], %swap3A_98 {strides = array<i32>} : memref<8x64xf32, #tpu.memory_space<vmem>>, vector<1x16xf32>,
    %swap3A_99 = arith.constant 4 : i32
    %swap3A_100 = arith.index_cast %swap3A_99 : i32 to index
    %swap3A_101 = arith.constant 0 : index
    %swap3A_102 = tpu.vector_load %arg9[%swap3A_100, %swap3A_101] {strides = array<i32>} : memref<8x64xf32, #tpu.memory_space<vmem>>, vector<1x16xf32>,
    %swap3A_103 = vector.shape_cast %swap3A_102 : vector<1x16xf32> to vector<16xf32>
    %swap3A_104 = vector.shape_cast %broadcast_in_dim3A_3 : vector<16xf32> to vector<1x16xf32>
    tpu.vector_store %arg9[%swap3A_100, %swap3A_101], %swap3A_104 {strides = array<i32>} : memref<8x64xf32, #tpu.memory_space<vmem>>, vector<1x16xf32>,
    %swap3A_105 = arith.constant 4 : i32
    %swap3A_106 = arith.index_cast %swap3A_105 : i32 to index
    %swap3A_107 = arith.constant 16 : index
    %swap3A_108 = tpu.vector_load %arg9[%swap3A_106, %swap3A_107] {strides = array<i32>} : memref<8x64xf32, #tpu.memory_space<vmem>>, vector<1x16xf32>,
    %swap3A_109 = vector.shape_cast %swap3A_108 : vector<1x16xf32> to vector<16xf32>
    %swap3A_110 = vector.shape_cast %broadcast_in_dim3A_3 : vector<16xf32> to vector<1x16xf32>
    tpu.vector_store %arg9[%swap3A_106, %swap3A_107], %swap3A_110 {strides = array<i32>} : memref<8x64xf32, #tpu.memory_space<vmem>>, vector<1x16xf32>,
    %swap3A_111 = arith.constant 4 : i32
    %swap3A_112 = arith.index_cast %swap3A_111 : i32 to index
    %swap3A_113 = arith.constant 32 : index
    %swap3A_114 = tpu.vector_load %arg9[%swap3A_112, %swap3A_113] {strides = array<i32>} : memref<8x64xf32, #tpu.memory_space<vmem>>, vector<1x16xf32>,
    %swap3A_115 = vector.shape_cast %swap3A_114 : vector<1x16xf32> to vector<16xf32>
    %swap3A_116 = vector.shape_cast %broadcast_in_dim3A_3 : vector<16xf32> to vector<1x16xf32>
    tpu.vector_store %arg9[%swap3A_112, %swap3A_113], %swap3A_116 {strides = array<i32>} : memref<8x64xf32, #tpu.memory_space<vmem>>, vector<1x16xf32>,
    %swap3A_117 = arith.constant 4 : i32
    %swap3A_118 = arith.index_cast %swap3A_117 : i32 to index
    %swap3A_119 = arith.constant 48 : index
    %swap3A_120 = tpu.vector_load %arg9[%swap3A_118, %swap3A_119] {strides = array<i32>} : memref<8x64xf32, #tpu.memory_space<vmem>>, vector<1x16xf32>,
    %swap3A_121 = vector.shape_cast %swap3A_120 : vector<1x16xf32> to vector<16xf32>
    %swap3A_122 = vector.shape_cast %broadcast_in_dim3A_3 : vector<16xf32> to vector<1x16xf32>
    tpu.vector_store %arg9[%swap3A_118, %swap3A_119], %swap3A_122 {strides = array<i32>} : memref<8x64xf32, #tpu.memory_space<vmem>>, vector<1x16xf32>,
    %swap3A_123 = arith.constant 5 : i32
    %swap3A_124 = arith.index_cast %swap3A_123 : i32 to index
    %swap3A_125 = arith.constant 0 : index
    %swap3A_126 = tpu.vector_load %arg9[%swap3A_124, %swap3A_125] {strides = array<i32>} : memref<8x64xf32, #tpu.memory_space<vmem>>, vector<1x16xf32>,
    %swap3A_127 = vector.shape_cast %swap3A_126 : vector<1x16xf32> to vector<16xf32>
    %swap3A_128 = vector.shape_cast %broadcast_in_dim3A_3 : vector<16xf32> to vector<1x16xf32>
    tpu.vector_store %arg9[%swap3A_124, %swap3A_125], %swap3A_128 {strides = array<i32>} : memref<8x64xf32, #tpu.memory_space<vmem>>, vector<1x16xf32>,
    %swap3A_129 = arith.constant 5 : i32
    %swap3A_130 = arith.index_cast %swap3A_129 : i32 to index
    %swap3A_131 = arith.constant 16 : index
    %swap3A_132 = tpu.vector_load %arg9[%swap3A_130, %swap3A_131] {strides = array<i32>} : memref<8x64xf32, #tpu.memory_space<vmem>>, vector<1x16xf32>,
    %swap3A_133 = vector.shape_cast %swap3A_132 : vector<1x16xf32> to vector<16xf32>
    %swap3A_134 = vector.shape_cast %broadcast_in_dim3A_3 : vector<16xf32> to vector<1x16xf32>
    tpu.vector_store %arg9[%swap3A_130, %swap3A_131], %swap3A_134 {strides = array<i32>} : memref<8x64xf32, #tpu.memory_space<vmem>>, vector<1x16xf32>,
    %swap3A_135 = arith.constant 5 : i32
    %swap3A_136 = arith.index_cast %swap3A_135 : i32 to index
    %swap3A_137 = arith.constant 32 : index
    %swap3A_138 = tpu.vector_load %arg9[%swap3A_136, %swap3A_137] {strides = array<i32>} : memref<8x64xf32, #tpu.memory_space<vmem>>, vector<1x16xf32>,
    %swap3A_139 = vector.shape_cast %swap3A_138 : vector<1x16xf32> to vector<16xf32>
    %swap3A_140 = vector.shape_cast %broadcast_in_dim3A_3 : vector<16xf32> to vector<1x16xf32>
    tpu.vector_store %arg9[%swap3A_136, %swap3A_137], %swap3A_140 {strides = array<i32>} : memref<8x64xf32, #tpu.memory_space<vmem>>, vector<1x16xf32>,
    %swap3A_141 = arith.constant 5 : i32
    %swap3A_142 = arith.index_cast %swap3A_141 : i32 to index
    %swap3A_143 = arith.constant 48 : index
    %swap3A_144 = tpu.vector_load %arg9[%swap3A_142, %swap3A_143] {strides = array<i32>} : memref<8x64xf32, #tpu.memory_space<vmem>>, vector<1x16xf32>,
    %swap3A_145 = vector.shape_cast %swap3A_144 : vector<1x16xf32> to vector<16xf32>
    %swap3A_146 = vector.shape_cast %broadcast_in_dim3A_3 : vector<16xf32> to vector<1x16xf32>
    tpu.vector_store %arg9[%swap3A_142, %swap3A_143], %swap3A_146 {strides = array<i32>} : memref<8x64xf32, #tpu.memory_space<vmem>>, vector<1x16xf32>,
    %swap3A_147 = arith.constant 6 : i32
    %swap3A_148 = arith.index_cast %swap3A_147 : i32 to index
    %swap3A_149 = arith.constant 0 : index
    %swap3A_150 = tpu.vector_load %arg9[%swap3A_148, %swap3A_149] {strides = array<i32>} : memref<8x64xf32, #tpu.memory_space<vmem>>, vector<1x16xf32>,
    %swap3A_151 = vector.shape_cast %swap3A_150 : vector<1x16xf32> to vector<16xf32>
    %swap3A_152 = vector.shape_cast %broadcast_in_dim3A_3 : vector<16xf32> to vector<1x16xf32>
    tpu.vector_store %arg9[%swap3A_148, %swap3A_149], %swap3A_152 {strides = array<i32>} : memref<8x64xf32, #tpu.memory_space<vmem>>, vector<1x16xf32>,
    %swap3A_153 = arith.constant 6 : i32
    %swap3A_154 = arith.index_cast %swap3A_153 : i32 to index
    %swap3A_155 = arith.constant 16 : index
    %swap3A_156 = tpu.vector_load %arg9[%swap3A_154, %swap3A_155] {strides = array<i32>} : memref<8x64xf32, #tpu.memory_space<vmem>>, vector<1x16xf32>,
    %swap3A_157 = vector.shape_cast %swap3A_156 : vector<1x16xf32> to vector<16xf32>
    %swap3A_158 = vector.shape_cast %broadcast_in_dim3A_3 : vector<16xf32> to vector<1x16xf32>
    tpu.vector_store %arg9[%swap3A_154, %swap3A_155], %swap3A_158 {strides = array<i32>} : memref<8x64xf32, #tpu.memory_space<vmem>>, vector<1x16xf32>,
    %swap3A_159 = arith.constant 6 : i32
    %swap3A_160 = arith.index_cast %swap3A_159 : i32 to index
    %swap3A_161 = arith.constant 32 : index
    %swap3A_162 = tpu.vector_load %arg9[%swap3A_160, %swap3A_161] {strides = array<i32>} : memref<8x64xf32, #tpu.memory_space<vmem>>, vector<1x16xf32>,
    %swap3A_163 = vector.shape_cast %swap3A_162 : vector<1x16xf32> to vector<16xf32>
    %swap3A_164 = vector.shape_cast %broadcast_in_dim3A_3 : vector<16xf32> to vector<1x16xf32>
    tpu.vector_store %arg9[%swap3A_160, %swap3A_161], %swap3A_164 {strides = array<i32>} : memref<8x64xf32, #tpu.memory_space<vmem>>, vector<1x16xf32>,
    %swap3A_165 = arith.constant 6 : i32
    %swap3A_166 = arith.index_cast %swap3A_165 : i32 to index
    %swap3A_167 = arith.constant 48 : index
    %swap3A_168 = tpu.vector_load %arg9[%swap3A_166, %swap3A_167] {strides = array<i32>} : memref<8x64xf32, #tpu.memory_space<vmem>>, vector<1x16xf32>,
    %swap3A_169 = vector.shape_cast %swap3A_168 : vector<1x16xf32> to vector<16xf32>
    %swap3A_170 = vector.shape_cast %broadcast_in_dim3A_3 : vector<16xf32> to vector<1x16xf32>
    tpu.vector_store %arg9[%swap3A_166, %swap3A_167], %swap3A_170 {strides = array<i32>} : memref<8x64xf32, #tpu.memory_space<vmem>>, vector<1x16xf32>,
    %swap3A_171 = arith.constant 7 : i32
    %swap3A_172 = arith.index_cast %swap3A_171 : i32 to index
    %swap3A_173 = arith.constant 0 : index
    %swap3A_174 = tpu.vector_load %arg9[%swap3A_172, %swap3A_173] {strides = array<i32>} : memref<8x64xf32, #tpu.memory_space<vmem>>, vector<1x16xf32>,
    %swap3A_175 = vector.shape_cast %swap3A_174 : vector<1x16xf32> to vector<16xf32>
    %swap3A_176 = vector.shape_cast %broadcast_in_dim3A_3 : vector<16xf32> to vector<1x16xf32>
    tpu.vector_store %arg9[%swap3A_172, %swap3A_173], %swap3A_176 {strides = array<i32>} : memref<8x64xf32, #tpu.memory_space<vmem>>, vector<1x16xf32>,
    %swap3A_177 = arith.constant 7 : i32
    %swap3A_178 = arith.index_cast %swap3A_177 : i32 to index
    %swap3A_179 = arith.constant 16 : index
    %swap3A_180 = tpu.vector_load %arg9[%swap3A_178, %swap3A_179] {strides = array<i32>} : memref<8x64xf32, #tpu.memory_space<vmem>>, vector<1x16xf32>,
    %swap3A_181 = vector.shape_cast %swap3A_180 : vector<1x16xf32> to vector<16xf32>
    %swap3A_182 = vector.shape_cast %broadcast_in_dim3A_3 : vector<16xf32> to vector<1x16xf32>
    tpu.vector_store %arg9[%swap3A_178, %swap3A_179], %swap3A_182 {strides = array<i32>} : memref<8x64xf32, #tpu.memory_space<vmem>>, vector<1x16xf32>,
    %swap3A_183 = arith.constant 7 : i32
    %swap3A_184 = arith.index_cast %swap3A_183 : i32 to index
    %swap3A_185 = arith.constant 32 : index
    %swap3A_186 = tpu.vector_load %arg9[%swap3A_184, %swap3A_185] {strides = array<i32>} : memref<8x64xf32, #tpu.memory_space<vmem>>, vector<1x16xf32>,
    %swap3A_187 = vector.shape_cast %swap3A_186 : vector<1x16xf32> to vector<16xf32>
    %swap3A_188 = vector.shape_cast %broadcast_in_dim3A_3 : vector<16xf32> to vector<1x16xf32>
    tpu.vector_store %arg9[%swap3A_184, %swap3A_185], %swap3A_188 {strides = array<i32>} : memref<8x64xf32, #tpu.memory_space<vmem>>, vector<1x16xf32>,
    %swap3A_189 = arith.constant 7 : i32
    %swap3A_190 = arith.index_cast %swap3A_189 : i32 to index
    %swap3A_191 = arith.constant 48 : index
    %swap3A_192 = tpu.vector_load %arg9[%swap3A_190, %swap3A_191] {strides = array<i32>} : memref<8x64xf32, #tpu.memory_space<vmem>>, vector<1x16xf32>,
    %swap3A_193 = vector.shape_cast %swap3A_192 : vector<1x16xf32> to vector<16xf32>
    %swap3A_194 = vector.shape_cast %broadcast_in_dim3A_3 : vector<16xf32> to vector<1x16xf32>
    tpu.vector_store %arg9[%swap3A_190, %swap3A_191], %swap3A_194 {strides = array<i32>} : memref<8x64xf32, #tpu.memory_space<vmem>>, vector<1x16xf32>,
    %mul3A_195 = arith.constant 632 : i32
    %mul3A_196 = arith.muli %arg1, %mul3A_195 : i32
    %multiple_of3A_197 = tpu.assume_multiple %mul3A_196, 8 : i32
    %eq3A = arith.constant 15 : i32
    %eq3A_198 = arith.cmpi eq, %arg1, %eq3A : i32
    %jit3A = arith.constant 520 : i32
    %jit3A_199 = arith.constant 632 : i32
    %select_n3A = arith.select %eq3A_198, %jit3A, %jit3A_199 : i32
    %jit3A_200 = arith.constant 8 : i32
    %div3A = arith.divsi %select_n3A, %jit3A_200 : i32
    %sign3A = arith.constant 0 : i32
    %sign3A_201 = arith.cmpi sgt, %select_n3A, %sign3A : i32
    %sign3A_202 = arith.extui %sign3A_201 : i1 to i32
    %sign3A_203 = arith.constant 0 : i32
    %sign3A_204 = arith.cmpi slt, %select_n3A, %sign3A_203 : i32
    %sign3A_205 = arith.extui %sign3A_204 : i1 to i32
    %sign3A_206 = arith.subi %sign3A_202, %sign3A_205 : i32
    %sign3A_207 = arith.constant 0 : i32
    %sign3A_208 = arith.cmpi sgt, %jit3A_200, %sign3A_207 : i32
    %sign3A_209 = arith.extui %sign3A_208 : i1 to i32
    %sign3A_210 = arith.constant 0 : i32
    %sign3A_211 = arith.cmpi slt, %jit3A_200, %sign3A_210 : i32
    %sign3A_212 = arith.extui %sign3A_211 : i1 to i32
    %sign3A_213 = arith.subi %sign3A_209, %sign3A_212 : i32
    %ne3A = arith.cmpi ne, %sign3A_206, %sign3A_213 : i32
    %rem3A = arith.remsi %select_n3A, %jit3A_200 : i32
    %ne3A_214 = arith.constant 0 : i32
    %ne3A_215 = arith.cmpi ne, %rem3A, %ne3A_214 : i32
    %and3A = arith.andi %ne3A, %ne3A_215 : i1
    %sub3A = arith.constant 1 : i32
    %sub3A_216 = arith.subi %div3A, %sub3A : i32
    %select_n3A_217 = arith.select %and3A, %sub3A_216, %div3A : i32
    %while3A = arith.constant 0 : i32
    %while3A_218 = arith.constant 0 : i32
    %while3A_219 = arith.subi %select_n3A_217, %while3A_218 : i32
    %while3A_220 = arith.addi %while3A_218, %while3A_219 : i32
    %while3A_221 = arith.constant 1 : i32
    %while3A_222 = arith.divsi %while3A_219, %while3A_221 : i32
    %while3A_223 = arith.muli %while3A_222, %while3A_221 : i32
    %while3A_224 = arith.addi %while3A_218, %while3A_223 : i32
    %while3A_225 = arith.constant 1 : i32
    scf.for %while3A_350 = %while3A_218 to %while3A_224 step %while3A_225  : i32 {
      %mul3A_351 = arith.constant 8 : i32
      %mul3A_352 = arith.muli %while3A_350, %mul3A_351 : i32
      %add3A_353 = arith.addi %multiple_of3A_197, %mul3A_352 : i32
      %multiple_of3A_354 = tpu.assume_multiple %add3A_353, 8 : i32
      "tpu.region"() ({
        %run_scoped3A = tpu.sem_alloc : memref<!tpu.dma_semaphore, #tpu.memory_space<semaphore_mem>>
        %dma_start3A_355 = arith.constant 0 : i32
        %dma_start3A_356 = tpu.memref_slice %arg10[%multiple_of3A_354, %dma_start3A_355] : memref<10000x64xf32, #tpu.memory_space<vmem_shared>> -> memref<8x64xf32, #tpu.memory_space<vmem_shared>>
        %dma_start3A_357 = arith.constant 0 : i32
        %dma_start3A_358 = tpu.memref_slice %arg10[%multiple_of3A_354, %dma_start3A_357] : memref<10000x64xf32, #tpu.memory_space<vmem_shared>> -> memref<8x64xf32, #tpu.memory_space<vmem_shared>>
        tpu.enqueue_dma source(%arg9 : memref<8x64xf32, #tpu.memory_space<vmem>>) target(%dma_start3A_358 : memref<8x64xf32, #tpu.memory_space<vmem_shared>>) target_semaphore(%run_scoped3A : memref<!tpu.dma_semaphore, #tpu.memory_space<semaphore_mem>>)
        %dma_wait3A_359 = arith.constant 0 : i32
        %dma_wait3A_360 = tpu.memref_slice %arg10[%multiple_of3A_354, %dma_wait3A_359] : memref<10000x64xf32, #tpu.memory_space<vmem_shared>> -> memref<8x64xf32, #tpu.memory_space<vmem_shared>>
        %dma_wait3A_361 = arith.constant 0 : i32
        %dma_wait3A_362 = tpu.memref_slice %arg10[%multiple_of3A_354, %dma_wait3A_361] : memref<10000x64xf32, #tpu.memory_space<vmem_shared>> -> memref<8x64xf32, #tpu.memory_space<vmem_shared>>
        tpu.wait_dma2 semaphore(%run_scoped3A : memref<!tpu.dma_semaphore, #tpu.memory_space<semaphore_mem>>) src(%arg9 : memref<8x64xf32, #tpu.memory_space<vmem>>) dst(%dma_wait3A_362 : memref<8x64xf32, #tpu.memory_space<vmem_shared>>)
        tpu.yield
      }) : () -> ()
    }
    %while3A_226 = arith.constant 1 : i32
    scf.for %while3A_350 = %while3A_224 to %while3A_220 step %while3A_226  : i32 {
      %mul3A_351 = arith.constant 8 : i32
      %mul3A_352 = arith.muli %while3A_350, %mul3A_351 : i32
      %add3A_353 = arith.addi %multiple_of3A_197, %mul3A_352 : i32
      %multiple_of3A_354 = tpu.assume_multiple %add3A_353, 8 : i32
      "tpu.region"() ({
        %run_scoped3A = tpu.sem_alloc : memref<!tpu.dma_semaphore, #tpu.memory_space<semaphore_mem>>
        %dma_start3A_355 = arith.constant 0 : i32
        %dma_start3A_356 = tpu.memref_slice %arg10[%multiple_of3A_354, %dma_start3A_355] : memref<10000x64xf32, #tpu.memory_space<vmem_shared>> -> memref<8x64xf32, #tpu.memory_space<vmem_shared>>
        %dma_start3A_357 = arith.constant 0 : i32
        %dma_start3A_358 = tpu.memref_slice %arg10[%multiple_of3A_354, %dma_start3A_357] : memref<10000x64xf32, #tpu.memory_space<vmem_shared>> -> memref<8x64xf32, #tpu.memory_space<vmem_shared>>
        tpu.enqueue_dma source(%arg9 : memref<8x64xf32, #tpu.memory_space<vmem>>) target(%dma_start3A_358 : memref<8x64xf32, #tpu.memory_space<vmem_shared>>) target_semaphore(%run_scoped3A : memref<!tpu.dma_semaphore, #tpu.memory_space<semaphore_mem>>)
        %dma_wait3A_359 = arith.constant 0 : i32
        %dma_wait3A_360 = tpu.memref_slice %arg10[%multiple_of3A_354, %dma_wait3A_359] : memref<10000x64xf32, #tpu.memory_space<vmem_shared>> -> memref<8x64xf32, #tpu.memory_space<vmem_shared>>
        %dma_wait3A_361 = arith.constant 0 : i32
        %dma_wait3A_362 = tpu.memref_slice %arg10[%multiple_of3A_354, %dma_wait3A_361] : memref<10000x64xf32, #tpu.memory_space<vmem_shared>> -> memref<8x64xf32, #tpu.memory_space<vmem_shared>>
        tpu.wait_dma2 semaphore(%run_scoped3A : memref<!tpu.dma_semaphore, #tpu.memory_space<semaphore_mem>>) src(%arg9 : memref<8x64xf32, #tpu.memory_space<vmem>>) dst(%dma_wait3A_362 : memref<8x64xf32, #tpu.memory_space<vmem_shared>>)
        tpu.yield
      }) : () -> ()
    }
    %barrier3A = arith.constant 0 : index
    tpu.barrier barrier_id(%barrier3A)
    %rem3A_227 = arith.constant 0 : i32
    %rem3A_228 = arith.constant 4 : i32
    %rem3A_229 = arith.remsi %rem3A_227, %rem3A_228 : i32
    %dma_start3A = arith.constant 0 : i32
    %dma_start3A_230 = arith.constant 0 : i32
    %dma_start3A_231 = arith.constant 0 : i32
    %dma_start3A_232 = tpu.memref_slice %arg8[%rem3A_229, %dma_start3A_230, %dma_start3A_231] : memref<4x125x64xf32, #tpu.memory_space<vmem>> -> memref<1x125x64xf32, #tpu.memory_space<vmem>>
    %dma_start3A_233 = tpu.memref_squeeze %dma_start3A_232 : memref<1x125x64xf32, #tpu.memory_space<vmem>> -> memref<125x64xf32, #tpu.memory_space<vmem>>
    %dma_start3A_234 = arith.constant 0 : i32
    %dma_start3A_235 = tpu.memref_slice %arg6[%dma_start3A, %dma_start3A_234] : memref<80x125xi32, #tpu.memory_space<vmem>> -> memref<1x125xi32, #tpu.memory_space<vmem>>
    %dma_start3A_236 = tpu.memref_squeeze %dma_start3A_235 : memref<1x125xi32, #tpu.memory_space<vmem>> -> memref<125xi32, #tpu.memory_space<vmem>>
    %dma_start3A_237 = arith.constant 0 : i32
    %dma_start3A_238 = arith.constant 0 : i32
    %dma_start3A_239 = tpu.memref_slice %arg2[%dma_start3A_237, %dma_start3A_238] : memref<10000x64xf32, #tpu.memory_space<hbm>> -> memref<10000x64xf32, #tpu.memory_space<hbm>>
    %dma_start3A_240 = tpu.memref_slice %arg11[%rem3A_229] : memref<4x!tpu.dma_semaphore, #tpu.memory_space<semaphore_mem>> -> memref<1x!tpu.dma_semaphore, #tpu.memory_space<semaphore_mem>>
    %dma_start3A_241 = tpu.memref_squeeze %dma_start3A_240 : memref<1x!tpu.dma_semaphore, #tpu.memory_space<semaphore_mem>> -> memref<!tpu.dma_semaphore, #tpu.memory_space<semaphore_mem>>
    tpu.enqueue_indirect_dma source(%dma_start3A_239 : memref<10000x64xf32, #tpu.memory_space<hbm>>) target(%dma_start3A_233 : memref<125x64xf32, #tpu.memory_space<vmem>>) offsets(%dma_start3A_236 : memref<125xi32, #tpu.memory_space<vmem>>) semaphore(%dma_start3A_241 : memref<!tpu.dma_semaphore, #tpu.memory_space<semaphore_mem>>)
    %rem3A_242 = arith.constant 1 : i32
    %rem3A_243 = arith.constant 4 : i32
    %rem3A_244 = arith.remsi %rem3A_242, %rem3A_243 : i32
    %dma_start3A_245 = arith.constant 1 : i32
    %dma_start3A_246 = arith.constant 0 : i32
    %dma_start3A_247 = arith.constant 0 : i32
    %dma_start3A_248 = tpu.memref_slice %arg8[%rem3A_244, %dma_start3A_246, %dma_start3A_247] : memref<4x125x64xf32, #tpu.memory_space<vmem>> -> memref<1x125x64xf32, #tpu.memory_space<vmem>>
    %dma_start3A_249 = tpu.memref_squeeze %dma_start3A_248 : memref<1x125x64xf32, #tpu.memory_space<vmem>> -> memref<125x64xf32, #tpu.memory_space<vmem>>
    %dma_start3A_250 = arith.constant 0 : i32
    %dma_start3A_251 = tpu.memref_slice %arg6[%dma_start3A_245, %dma_start3A_250] : memref<80x125xi32, #tpu.memory_space<vmem>> -> memref<1x125xi32, #tpu.memory_space<vmem>>
    %dma_start3A_252 = tpu.memref_squeeze %dma_start3A_251 : memref<1x125xi32, #tpu.memory_space<vmem>> -> memref<125xi32, #tpu.memory_space<vmem>>
    %dma_start3A_253 = arith.constant 0 : i32
    %dma_start3A_254 = arith.constant 0 : i32
    %dma_start3A_255 = tpu.memref_slice %arg2[%dma_start3A_253, %dma_start3A_254] : memref<10000x64xf32, #tpu.memory_space<hbm>> -> memref<10000x64xf32, #tpu.memory_space<hbm>>
    %dma_start3A_256 = tpu.memref_slice %arg11[%rem3A_244] : memref<4x!tpu.dma_semaphore, #tpu.memory_space<semaphore_mem>> -> memref<1x!tpu.dma_semaphore, #tpu.memory_space<semaphore_mem>>
    %dma_start3A_257 = tpu.memref_squeeze %dma_start3A_256 : memref<1x!tpu.dma_semaphore, #tpu.memory_space<semaphore_mem>> -> memref<!tpu.dma_semaphore, #tpu.memory_space<semaphore_mem>>
    tpu.enqueue_indirect_dma source(%dma_start3A_255 : memref<10000x64xf32, #tpu.memory_space<hbm>>) target(%dma_start3A_249 : memref<125x64xf32, #tpu.memory_space<vmem>>) offsets(%dma_start3A_252 : memref<125xi32, #tpu.memory_space<vmem>>) semaphore(%dma_start3A_257 : memref<!tpu.dma_semaphore, #tpu.memory_space<semaphore_mem>>)
    %rem3A_258 = arith.constant 2 : i32
    %rem3A_259 = arith.constant 4 : i32
    %rem3A_260 = arith.remsi %rem3A_258, %rem3A_259 : i32
    %dma_start3A_261 = arith.constant 2 : i32
    %dma_start3A_262 = arith.constant 0 : i32
    %dma_start3A_263 = arith.constant 0 : i32
    %dma_start3A_264 = tpu.memref_slice %arg8[%rem3A_260, %dma_start3A_262, %dma_start3A_263] : memref<4x125x64xf32, #tpu.memory_space<vmem>> -> memref<1x125x64xf32, #tpu.memory_space<vmem>>
    %dma_start3A_265 = tpu.memref_squeeze %dma_start3A_264 : memref<1x125x64xf32, #tpu.memory_space<vmem>> -> memref<125x64xf32, #tpu.memory_space<vmem>>
    %dma_start3A_266 = arith.constant 0 : i32
    %dma_start3A_267 = tpu.memref_slice %arg6[%dma_start3A_261, %dma_start3A_266] : memref<80x125xi32, #tpu.memory_space<vmem>> -> memref<1x125xi32, #tpu.memory_space<vmem>>
    %dma_start3A_268 = tpu.memref_squeeze %dma_start3A_267 : memref<1x125xi32, #tpu.memory_space<vmem>> -> memref<125xi32, #tpu.memory_space<vmem>>
    %dma_start3A_269 = arith.constant 0 : i32
    %dma_start3A_270 = arith.constant 0 : i32
    %dma_start3A_271 = tpu.memref_slice %arg2[%dma_start3A_269, %dma_start3A_270] : memref<10000x64xf32, #tpu.memory_space<hbm>> -> memref<10000x64xf32, #tpu.memory_space<hbm>>
    %dma_start3A_272 = tpu.memref_slice %arg11[%rem3A_260] : memref<4x!tpu.dma_semaphore, #tpu.memory_space<semaphore_mem>> -> memref<1x!tpu.dma_semaphore, #tpu.memory_space<semaphore_mem>>
    %dma_start3A_273 = tpu.memref_squeeze %dma_start3A_272 : memref<1x!tpu.dma_semaphore, #tpu.memory_space<semaphore_mem>> -> memref<!tpu.dma_semaphore, #tpu.memory_space<semaphore_mem>>
    tpu.enqueue_indirect_dma source(%dma_start3A_271 : memref<10000x64xf32, #tpu.memory_space<hbm>>) target(%dma_start3A_265 : memref<125x64xf32, #tpu.memory_space<vmem>>) offsets(%dma_start3A_268 : memref<125xi32, #tpu.memory_space<vmem>>) semaphore(%dma_start3A_273 : memref<!tpu.dma_semaphore, #tpu.memory_space<semaphore_mem>>)
    %scan3A = arith.constant 0 : i32
    %scan3A_274 = arith.constant 0 : i32
    %scan3A_275 = arith.constant 80 : i32
    %scan3A_276 = arith.addi %scan3A_274, %scan3A_275 : i32
    %scan3A_277 = arith.constant 1 : i32
    scf.for %scan3A_350 = %scan3A_274 to %scan3A_276 step %scan3A_277  : i32 {
      %rem3A_351 = arith.constant 4 : i32
      %rem3A_352 = arith.remsi %scan3A_350, %rem3A_351 : i32
      %dma_wait3A_353 = arith.constant 0 : i32
      %dma_wait3A_354 = arith.constant 0 : i32
      %dma_wait3A_355 = tpu.memref_slice %arg8[%rem3A_352, %dma_wait3A_353, %dma_wait3A_354] : memref<4x125x64xf32, #tpu.memory_space<vmem>> -> memref<1x125x64xf32, #tpu.memory_space<vmem>>
      %dma_wait3A_356 = tpu.memref_squeeze %dma_wait3A_355 : memref<1x125x64xf32, #tpu.memory_space<vmem>> -> memref<125x64xf32, #tpu.memory_space<vmem>>
      %dma_wait3A_357 = arith.constant 0 : i32
      %dma_wait3A_358 = tpu.memref_slice %arg6[%scan3A_350, %dma_wait3A_357] : memref<80x125xi32, #tpu.memory_space<vmem>> -> memref<1x125xi32, #tpu.memory_space<vmem>>
      %dma_wait3A_359 = tpu.memref_squeeze %dma_wait3A_358 : memref<1x125xi32, #tpu.memory_space<vmem>> -> memref<125xi32, #tpu.memory_space<vmem>>
      %dma_wait3A_360 = arith.constant 0 : i32
      %dma_wait3A_361 = arith.constant 0 : i32
      %dma_wait3A_362 = tpu.memref_slice %arg2[%dma_wait3A_360, %dma_wait3A_361] : memref<10000x64xf32, #tpu.memory_space<hbm>> -> memref<10000x64xf32, #tpu.memory_space<hbm>>
      %dma_wait3A_363 = tpu.memref_slice %arg11[%rem3A_352] : memref<4x!tpu.dma_semaphore, #tpu.memory_space<semaphore_mem>> -> memref<1x!tpu.dma_semaphore, #tpu.memory_space<semaphore_mem>>
      %dma_wait3A_364 = tpu.memref_squeeze %dma_wait3A_363 : memref<1x!tpu.dma_semaphore, #tpu.memory_space<semaphore_mem>> -> memref<!tpu.dma_semaphore, #tpu.memory_space<semaphore_mem>>
      tpu.wait_indirect_dma semaphore(%dma_wait3A_364 : memref<!tpu.dma_semaphore, #tpu.memory_space<semaphore_mem>>) src(%dma_wait3A_362 : memref<10000x64xf32, #tpu.memory_space<hbm>>) dst(%dma_wait3A_356 : memref<125x64xf32, #tpu.memory_space<vmem>>)
      %dma_start3A_365 = arith.constant 0 : i32
      %dma_start3A_366 = arith.constant 0 : i32
      %dma_start3A_367 = tpu.memref_slice %arg8[%rem3A_352, %dma_start3A_365, %dma_start3A_366] : memref<4x125x64xf32, #tpu.memory_space<vmem>> -> memref<1x125x64xf32, #tpu.memory_space<vmem>>
      %dma_start3A_368 = tpu.memref_squeeze %dma_start3A_367 : memref<1x125x64xf32, #tpu.memory_space<vmem>> -> memref<125x64xf32, #tpu.memory_space<vmem>>
      %dma_start3A_369 = arith.constant 0 : i32
      %dma_start3A_370 = tpu.memref_slice %arg7[%scan3A_350, %dma_start3A_369] : memref<80x125xi32, #tpu.memory_space<vmem>> -> memref<1x125xi32, #tpu.memory_space<vmem>>
      %dma_start3A_371 = tpu.memref_squeeze %dma_start3A_370 : memref<1x125xi32, #tpu.memory_space<vmem>> -> memref<125xi32, #tpu.memory_space<vmem>>
      %dma_start3A_372 = arith.constant 0 : i32
      %dma_start3A_373 = arith.constant 0 : i32
      %dma_start3A_374 = tpu.memref_slice %arg10[%dma_start3A_372, %dma_start3A_373] : memref<10000x64xf32, #tpu.memory_space<vmem_shared>> -> memref<10000x64xf32, #tpu.memory_space<vmem_shared>>
      %dma_start3A_375 = tpu.memref_slice %arg12[%rem3A_352] : memref<4x!tpu.dma_semaphore, #tpu.memory_space<semaphore_mem>> -> memref<1x!tpu.dma_semaphore, #tpu.memory_space<semaphore_mem>>
      %dma_start3A_376 = tpu.memref_squeeze %dma_start3A_375 : memref<1x!tpu.dma_semaphore, #tpu.memory_space<semaphore_mem>> -> memref<!tpu.dma_semaphore, #tpu.memory_space<semaphore_mem>>
      tpu.enqueue_indirect_dma source(%dma_start3A_368 : memref<125x64xf32, #tpu.memory_space<vmem>>) target(%dma_start3A_374 : memref<10000x64xf32, #tpu.memory_space<vmem_shared>>) offsets(%dma_start3A_371 : memref<125xi32, #tpu.memory_space<vmem>>) semaphore(%dma_start3A_376 : memref<!tpu.dma_semaphore, #tpu.memory_space<semaphore_mem>>) {add = true}
      %eq3A_377 = arith.constant 0 : i32
      %eq3A_378 = arith.cmpi eq, %scan3A_350, %eq3A_377 : i32
      %convert_element_type3A_379 = arith.extui %eq3A_378 : i1 to i32
      %cond3A_380 = arith.constant 0 : i32
      %cond3A_381 = arith.cmpi ne, %convert_element_type3A_379, %cond3A_380 : i32
      scf.if %cond3A_381 {
        %rem3A_391 = arith.constant 3 : i32
        %rem3A_392 = arith.constant 4 : i32
        %rem3A_393 = arith.remsi %rem3A_391, %rem3A_392 : i32
        %dma_start3A_394 = arith.constant 3 : i32
        %dma_start3A_395 = arith.constant 0 : i32
        %dma_start3A_396 = arith.constant 0 : i32
        %dma_start3A_397 = tpu.memref_slice %arg8[%rem3A_393, %dma_start3A_395, %dma_start3A_396] : memref<4x125x64xf32, #tpu.memory_space<vmem>> -> memref<1x125x64xf32, #tpu.memory_space<vmem>>
        %dma_start3A_398 = tpu.memref_squeeze %dma_start3A_397 : memref<1x125x64xf32, #tpu.memory_space<vmem>> -> memref<125x64xf32, #tpu.memory_space<vmem>>
        %dma_start3A_399 = arith.constant 0 : i32
        %dma_start3A_400 = tpu.memref_slice %arg6[%dma_start3A_394, %dma_start3A_399] : memref<80x125xi32, #tpu.memory_space<vmem>> -> memref<1x125xi32, #tpu.memory_space<vmem>>
        %dma_start3A_401 = tpu.memref_squeeze %dma_start3A_400 : memref<1x125xi32, #tpu.memory_space<vmem>> -> memref<125xi32, #tpu.memory_space<vmem>>
        %dma_start3A_402 = arith.constant 0 : i32
        %dma_start3A_403 = arith.constant 0 : i32
        %dma_start3A_404 = tpu.memref_slice %arg2[%dma_start3A_402, %dma_start3A_403] : memref<10000x64xf32, #tpu.memory_space<hbm>> -> memref<10000x64xf32, #tpu.memory_space<hbm>>
        %dma_start3A_405 = tpu.memref_slice %arg11[%rem3A_393] : memref<4x!tpu.dma_semaphore, #tpu.memory_space<semaphore_mem>> -> memref<1x!tpu.dma_semaphore, #tpu.memory_space<semaphore_mem>>
        %dma_start3A_406 = tpu.memref_squeeze %dma_start3A_405 : memref<1x!tpu.dma_semaphore, #tpu.memory_space<semaphore_mem>> -> memref<!tpu.dma_semaphore, #tpu.memory_space<semaphore_mem>>
        tpu.enqueue_indirect_dma source(%dma_start3A_404 : memref<10000x64xf32, #tpu.memory_space<hbm>>) target(%dma_start3A_398 : memref<125x64xf32, #tpu.memory_space<vmem>>) offsets(%dma_start3A_401 : memref<125xi32, #tpu.memory_space<vmem>>) semaphore(%dma_start3A_406 : memref<!tpu.dma_semaphore, #tpu.memory_space<semaphore_mem>>)
      } else {
      }
      %ge3A = arith.constant 1 : i32
      %ge3A_382 = arith.cmpi sge, %scan3A_350, %ge3A : i32
      %add3A_383 = arith.constant 3 : i32
      %add3A_384 = arith.addi %scan3A_350, %add3A_383 : i32
      %lt3A_385 = arith.constant 80 : i32
      %lt3A_386 = arith.cmpi slt, %add3A_384, %lt3A_385 : i32
      %and3A_387 = arith.andi %ge3A_382, %lt3A_386 : i1
      %convert_element_type3A_388 = arith.extui %and3A_387 : i1 to i32
      %cond3A_389 = arith.constant 0 : i32
      %cond3A_390 = arith.cmpi ne, %convert_element_type3A_388, %cond3A_389 : i32
      scf.if %cond3A_390 {
        %sub3A_391 = arith.constant 1 : i32
        %sub3A_392 = arith.subi %scan3A_350, %sub3A_391 : i32
        %rem3A_393 = arith.constant 4 : i32
        %rem3A_394 = arith.remsi %sub3A_392, %rem3A_393 : i32
        %dma_wait3A_395 = arith.constant 0 : i32
        %dma_wait3A_396 = arith.constant 0 : i32
        %dma_wait3A_397 = tpu.memref_slice %arg8[%rem3A_394, %dma_wait3A_395, %dma_wait3A_396] : memref<4x125x64xf32, #tpu.memory_space<vmem>> -> memref<1x125x64xf32, #tpu.memory_space<vmem>>
        %dma_wait3A_398 = tpu.memref_squeeze %dma_wait3A_397 : memref<1x125x64xf32, #tpu.memory_space<vmem>> -> memref<125x64xf32, #tpu.memory_space<vmem>>
        %dma_wait3A_399 = arith.constant 0 : i32
        %dma_wait3A_400 = tpu.memref_slice %arg7[%sub3A_392, %dma_wait3A_399] : memref<80x125xi32, #tpu.memory_space<vmem>> -> memref<1x125xi32, #tpu.memory_space<vmem>>
        %dma_wait3A_401 = tpu.memref_squeeze %dma_wait3A_400 : memref<1x125xi32, #tpu.memory_space<vmem>> -> memref<125xi32, #tpu.memory_space<vmem>>
        %dma_wait3A_402 = arith.constant 0 : i32
        %dma_wait3A_403 = arith.constant 0 : i32
        %dma_wait3A_404 = tpu.memref_slice %arg10[%dma_wait3A_402, %dma_wait3A_403] : memref<10000x64xf32, #tpu.memory_space<vmem_shared>> -> memref<10000x64xf32, #tpu.memory_space<vmem_shared>>
        %dma_wait3A_405 = tpu.memref_slice %arg12[%rem3A_394] : memref<4x!tpu.dma_semaphore, #tpu.memory_space<semaphore_mem>> -> memref<1x!tpu.dma_semaphore, #tpu.memory_space<semaphore_mem>>
        %dma_wait3A_406 = tpu.memref_squeeze %dma_wait3A_405 : memref<1x!tpu.dma_semaphore, #tpu.memory_space<semaphore_mem>> -> memref<!tpu.dma_semaphore, #tpu.memory_space<semaphore_mem>>
        tpu.wait_indirect_dma semaphore(%dma_wait3A_406 : memref<!tpu.dma_semaphore, #tpu.memory_space<semaphore_mem>>) src(%dma_wait3A_398 : memref<125x64xf32, #tpu.memory_space<vmem>>) dst(%dma_wait3A_404 : memref<10000x64xf32, #tpu.memory_space<vmem_shared>>)
        %add3A_407 = arith.constant 3 : i32
        %add3A_408 = arith.addi %scan3A_350, %add3A_407 : i32
        %rem3A_409 = arith.constant 4 : i32
        %rem3A_410 = arith.remsi %add3A_408, %rem3A_409 : i32
        %dma_start3A_411 = arith.constant 0 : i32
        %dma_start3A_412 = arith.constant 0 : i32
        %dma_start3A_413 = tpu.memref_slice %arg8[%rem3A_410, %dma_start3A_411, %dma_start3A_412] : memref<4x125x64xf32, #tpu.memory_space<vmem>> -> memref<1x125x64xf32, #tpu.memory_space<vmem>>
        %dma_start3A_414 = tpu.memref_squeeze %dma_start3A_413 : memref<1x125x64xf32, #tpu.memory_space<vmem>> -> memref<125x64xf32, #tpu.memory_space<vmem>>
        %dma_start3A_415 = arith.constant 0 : i32
        %dma_start3A_416 = tpu.memref_slice %arg6[%add3A_408, %dma_start3A_415] : memref<80x125xi32, #tpu.memory_space<vmem>> -> memref<1x125xi32, #tpu.memory_space<vmem>>
        %dma_start3A_417 = tpu.memref_squeeze %dma_start3A_416 : memref<1x125xi32, #tpu.memory_space<vmem>> -> memref<125xi32, #tpu.memory_space<vmem>>
        %dma_start3A_418 = arith.constant 0 : i32
        %dma_start3A_419 = arith.constant 0 : i32
        %dma_start3A_420 = tpu.memref_slice %arg2[%dma_start3A_418, %dma_start3A_419] : memref<10000x64xf32, #tpu.memory_space<hbm>> -> memref<10000x64xf32, #tpu.memory_space<hbm>>
        %dma_start3A_421 = tpu.memref_slice %arg11[%rem3A_410] : memref<4x!tpu.dma_semaphore, #tpu.memory_space<semaphore_mem>> -> memref<1x!tpu.dma_semaphore, #tpu.memory_space<semaphore_mem>>
        %dma_start3A_422 = tpu.memref_squeeze %dma_start3A_421 : memref<1x!tpu.dma_semaphore, #tpu.memory_space<semaphore_mem>> -> memref<!tpu.dma_semaphore, #tpu.memory_space<semaphore_mem>>
        tpu.enqueue_indirect_dma source(%dma_start3A_420 : memref<10000x64xf32, #tpu.memory_space<hbm>>) target(%dma_start3A_414 : memref<125x64xf32, #tpu.memory_space<vmem>>) offsets(%dma_start3A_417 : memref<125xi32, #tpu.memory_space<vmem>>) semaphore(%dma_start3A_422 : memref<!tpu.dma_semaphore, #tpu.memory_space<semaphore_mem>>)
      } else {
      }
    }
    %scan3A_278 = arith.constant 80 : i32
    %rem3A_279 = arith.constant 76 : i32
    %rem3A_280 = arith.constant 4 : i32
    %rem3A_281 = arith.remsi %rem3A_279, %rem3A_280 : i32
    %dma_wait3A = arith.constant 76 : i32
    %dma_wait3A_282 = arith.constant 0 : i32
    %dma_wait3A_283 = arith.constant 0 : i32
    %dma_wait3A_284 = tpu.memref_slice %arg8[%rem3A_281, %dma_wait3A_282, %dma_wait3A_283] : memref<4x125x64xf32, #tpu.memory_space<vmem>> -> memref<1x125x64xf32, #tpu.memory_space<vmem>>
    %dma_wait3A_285 = tpu.memref_squeeze %dma_wait3A_284 : memref<1x125x64xf32, #tpu.memory_space<vmem>> -> memref<125x64xf32, #tpu.memory_space<vmem>>
    %dma_wait3A_286 = arith.constant 0 : i32
    %dma_wait3A_287 = tpu.memref_slice %arg7[%dma_wait3A, %dma_wait3A_286] : memref<80x125xi32, #tpu.memory_space<vmem>> -> memref<1x125xi32, #tpu.memory_space<vmem>>
    %dma_wait3A_288 = tpu.memref_squeeze %dma_wait3A_287 : memref<1x125xi32, #tpu.memory_space<vmem>> -> memref<125xi32, #tpu.memory_space<vmem>>
    %dma_wait3A_289 = arith.constant 0 : i32
    %dma_wait3A_290 = arith.constant 0 : i32
    %dma_wait3A_291 = tpu.memref_slice %arg10[%dma_wait3A_289, %dma_wait3A_290] : memref<10000x64xf32, #tpu.memory_space<vmem_shared>> -> memref<10000x64xf32, #tpu.memory_space<vmem_shared>>
    %dma_wait3A_292 = tpu.memref_slice %arg12[%rem3A_281] : memref<4x!tpu.dma_semaphore, #tpu.memory_space<semaphore_mem>> -> memref<1x!tpu.dma_semaphore, #tpu.memory_space<semaphore_mem>>
    %dma_wait3A_293 = tpu.memref_squeeze %dma_wait3A_292 : memref<1x!tpu.dma_semaphore, #tpu.memory_space<semaphore_mem>> -> memref<!tpu.dma_semaphore, #tpu.memory_space<semaphore_mem>>
    tpu.wait_indirect_dma semaphore(%dma_wait3A_293 : memref<!tpu.dma_semaphore, #tpu.memory_space<semaphore_mem>>) src(%dma_wait3A_285 : memref<125x64xf32, #tpu.memory_space<vmem>>) dst(%dma_wait3A_291 : memref<10000x64xf32, #tpu.memory_space<vmem_shared>>)
    %rem3A_294 = arith.constant 77 : i32
    %rem3A_295 = arith.constant 4 : i32
    %rem3A_296 = arith.remsi %rem3A_294, %rem3A_295 : i32
    %dma_wait3A_297 = arith.constant 77 : i32
    %dma_wait3A_298 = arith.constant 0 : i32
    %dma_wait3A_299 = arith.constant 0 : i32
    %dma_wait3A_300 = tpu.memref_slice %arg8[%rem3A_296, %dma_wait3A_298, %dma_wait3A_299] : memref<4x125x64xf32, #tpu.memory_space<vmem>> -> memref<1x125x64xf32, #tpu.memory_space<vmem>>
    %dma_wait3A_301 = tpu.memref_squeeze %dma_wait3A_300 : memref<1x125x64xf32, #tpu.memory_space<vmem>> -> memref<125x64xf32, #tpu.memory_space<vmem>>
    %dma_wait3A_302 = arith.constant 0 : i32
    %dma_wait3A_303 = tpu.memref_slice %arg7[%dma_wait3A_297, %dma_wait3A_302] : memref<80x125xi32, #tpu.memory_space<vmem>> -> memref<1x125xi32, #tpu.memory_space<vmem>>
    %dma_wait3A_304 = tpu.memref_squeeze %dma_wait3A_303 : memref<1x125xi32, #tpu.memory_space<vmem>> -> memref<125xi32, #tpu.memory_space<vmem>>
    %dma_wait3A_305 = arith.constant 0 : i32
    %dma_wait3A_306 = arith.constant 0 : i32
    %dma_wait3A_307 = tpu.memref_slice %arg10[%dma_wait3A_305, %dma_wait3A_306] : memref<10000x64xf32, #tpu.memory_space<vmem_shared>> -> memref<10000x64xf32, #tpu.memory_space<vmem_shared>>
    %dma_wait3A_308 = tpu.memref_slice %arg12[%rem3A_296] : memref<4x!tpu.dma_semaphore, #tpu.memory_space<semaphore_mem>> -> memref<1x!tpu.dma_semaphore, #tpu.memory_space<semaphore_mem>>
    %dma_wait3A_309 = tpu.memref_squeeze %dma_wait3A_308 : memref<1x!tpu.dma_semaphore, #tpu.memory_space<semaphore_mem>> -> memref<!tpu.dma_semaphore, #tpu.memory_space<semaphore_mem>>
    tpu.wait_indirect_dma semaphore(%dma_wait3A_309 : memref<!tpu.dma_semaphore, #tpu.memory_space<semaphore_mem>>) src(%dma_wait3A_301 : memref<125x64xf32, #tpu.memory_space<vmem>>) dst(%dma_wait3A_307 : memref<10000x64xf32, #tpu.memory_space<vmem_shared>>)
    %rem3A_310 = arith.constant 78 : i32
    %rem3A_311 = arith.constant 4 : i32
    %rem3A_312 = arith.remsi %rem3A_310, %rem3A_311 : i32
    %dma_wait3A_313 = arith.constant 78 : i32
    %dma_wait3A_314 = arith.constant 0 : i32
    %dma_wait3A_315 = arith.constant 0 : i32
    %dma_wait3A_316 = tpu.memref_slice %arg8[%rem3A_312, %dma_wait3A_314, %dma_wait3A_315] : memref<4x125x64xf32, #tpu.memory_space<vmem>> -> memref<1x125x64xf32, #tpu.memory_space<vmem>>
    %dma_wait3A_317 = tpu.memref_squeeze %dma_wait3A_316 : memref<1x125x64xf32, #tpu.memory_space<vmem>> -> memref<125x64xf32, #tpu.memory_space<vmem>>
    %dma_wait3A_318 = arith.constant 0 : i32
    %dma_wait3A_319 = tpu.memref_slice %arg7[%dma_wait3A_313, %dma_wait3A_318] : memref<80x125xi32, #tpu.memory_space<vmem>> -> memref<1x125xi32, #tpu.memory_space<vmem>>
    %dma_wait3A_320 = tpu.memref_squeeze %dma_wait3A_319 : memref<1x125xi32, #tpu.memory_space<vmem>> -> memref<125xi32, #tpu.memory_space<vmem>>
    %dma_wait3A_321 = arith.constant 0 : i32
    %dma_wait3A_322 = arith.constant 0 : i32
    %dma_wait3A_323 = tpu.memref_slice %arg10[%dma_wait3A_321, %dma_wait3A_322] : memref<10000x64xf32, #tpu.memory_space<vmem_shared>> -> memref<10000x64xf32, #tpu.memory_space<vmem_shared>>
    %dma_wait3A_324 = tpu.memref_slice %arg12[%rem3A_312] : memref<4x!tpu.dma_semaphore, #tpu.memory_space<semaphore_mem>> -> memref<1x!tpu.dma_semaphore, #tpu.memory_space<semaphore_mem>>
    %dma_wait3A_325 = tpu.memref_squeeze %dma_wait3A_324 : memref<1x!tpu.dma_semaphore, #tpu.memory_space<semaphore_mem>> -> memref<!tpu.dma_semaphore, #tpu.memory_space<semaphore_mem>>
    tpu.wait_indirect_dma semaphore(%dma_wait3A_325 : memref<!tpu.dma_semaphore, #tpu.memory_space<semaphore_mem>>) src(%dma_wait3A_317 : memref<125x64xf32, #tpu.memory_space<vmem>>) dst(%dma_wait3A_323 : memref<10000x64xf32, #tpu.memory_space<vmem_shared>>)
    %rem3A_326 = arith.constant 79 : i32
    %rem3A_327 = arith.constant 4 : i32
    %rem3A_328 = arith.remsi %rem3A_326, %rem3A_327 : i32
    %dma_wait3A_329 = arith.constant 79 : i32
    %dma_wait3A_330 = arith.constant 0 : i32
    %dma_wait3A_331 = arith.constant 0 : i32
    %dma_wait3A_332 = tpu.memref_slice %arg8[%rem3A_328, %dma_wait3A_330, %dma_wait3A_331] : memref<4x125x64xf32, #tpu.memory_space<vmem>> -> memref<1x125x64xf32, #tpu.memory_space<vmem>>
    %dma_wait3A_333 = tpu.memref_squeeze %dma_wait3A_332 : memref<1x125x64xf32, #tpu.memory_space<vmem>> -> memref<125x64xf32, #tpu.memory_space<vmem>>
    %dma_wait3A_334 = arith.constant 0 : i32
    %dma_wait3A_335 = tpu.memref_slice %arg7[%dma_wait3A_329, %dma_wait3A_334] : memref<80x125xi32, #tpu.memory_space<vmem>> -> memref<1x125xi32, #tpu.memory_space<vmem>>
    %dma_wait3A_336 = tpu.memref_squeeze %dma_wait3A_335 : memref<1x125xi32, #tpu.memory_space<vmem>> -> memref<125xi32, #tpu.memory_space<vmem>>
    %dma_wait3A_337 = arith.constant 0 : i32
    %dma_wait3A_338 = arith.constant 0 : i32
    %dma_wait3A_339 = tpu.memref_slice %arg10[%dma_wait3A_337, %dma_wait3A_338] : memref<10000x64xf32, #tpu.memory_space<vmem_shared>> -> memref<10000x64xf32, #tpu.memory_space<vmem_shared>>
    %dma_wait3A_340 = tpu.memref_slice %arg12[%rem3A_328] : memref<4x!tpu.dma_semaphore, #tpu.memory_space<semaphore_mem>> -> memref<1x!tpu.dma_semaphore, #tpu.memory_space<semaphore_mem>>
    %dma_wait3A_341 = tpu.memref_squeeze %dma_wait3A_340 : memref<1x!tpu.dma_semaphore, #tpu.memory_space<semaphore_mem>> -> memref<!tpu.dma_semaphore, #tpu.memory_space<semaphore_mem>>
    tpu.wait_indirect_dma semaphore(%dma_wait3A_341 : memref<!tpu.dma_semaphore, #tpu.memory_space<semaphore_mem>>) src(%dma_wait3A_333 : memref<125x64xf32, #tpu.memory_space<vmem>>) dst(%dma_wait3A_339 : memref<10000x64xf32, #tpu.memory_space<vmem_shared>>)
    %barrier3A_342 = arith.constant 0 : index
    tpu.barrier barrier_id(%barrier3A_342)
    %lt3A = arith.constant 15 : i32
    %lt3A_343 = arith.cmpi slt, %arg1, %lt3A : i32
    %convert_element_type3A = arith.extui %lt3A_343 : i1 to i32
    %cond3A = arith.constant 0 : i32
    %cond3A_344 = arith.cmpi ne, %convert_element_type3A, %cond3A : i32
    scf.if %cond3A_344 {
      "tpu.region"() ({
        %run_scoped3A = tpu.sem_alloc : memref<!tpu.dma_semaphore, #tpu.memory_space<semaphore_mem>>
        %dma_start3A_350 = arith.constant 0 : i32
        %dma_start3A_351 = tpu.memref_slice %arg5[%arg0, %multiple_of3A_197, %dma_start3A_350] : memref<2x10000x128xf32, #tpu.memory_space<hbm>> -> memref<1x632x64xf32, #tpu.memory_space<hbm>>
        %dma_start3A_352 = tpu.memref_squeeze %dma_start3A_351 : memref<1x632x64xf32, #tpu.memory_space<hbm>> -> memref<632x64xf32, #tpu.memory_space<hbm>>
        %dma_start3A_353 = arith.constant 0 : i32
        %dma_start3A_354 = tpu.memref_slice %arg10[%multiple_of3A_197, %dma_start3A_353] : memref<10000x64xf32, #tpu.memory_space<vmem_shared>> -> memref<632x64xf32, #tpu.memory_space<vmem_shared>>
        tpu.enqueue_dma source(%dma_start3A_354 : memref<632x64xf32, #tpu.memory_space<vmem_shared>>) target(%dma_start3A_352 : memref<632x64xf32, #tpu.memory_space<hbm>>) target_semaphore(%run_scoped3A : memref<!tpu.dma_semaphore, #tpu.memory_space<semaphore_mem>>)
        %dma_wait3A_355 = arith.constant 0 : i32
        %dma_wait3A_356 = tpu.memref_slice %arg5[%arg0, %multiple_of3A_197, %dma_wait3A_355] : memref<2x10000x128xf32, #tpu.memory_space<hbm>> -> memref<1x632x64xf32, #tpu.memory_space<hbm>>
        %dma_wait3A_357 = tpu.memref_squeeze %dma_wait3A_356 : memref<1x632x64xf32, #tpu.memory_space<hbm>> -> memref<632x64xf32, #tpu.memory_space<hbm>>
        %dma_wait3A_358 = arith.constant 0 : i32
        %dma_wait3A_359 = tpu.memref_slice %arg10[%multiple_of3A_197, %dma_wait3A_358] : memref<10000x64xf32, #tpu.memory_space<vmem_shared>> -> memref<632x64xf32, #tpu.memory_space<vmem_shared>>
        tpu.wait_dma2 semaphore(%run_scoped3A : memref<!tpu.dma_semaphore, #tpu.memory_space<semaphore_mem>>) src(%dma_wait3A_359 : memref<632x64xf32, #tpu.memory_space<vmem_shared>>) dst(%dma_wait3A_357 : memref<632x64xf32, #tpu.memory_space<hbm>>)
        tpu.yield
      }) : () -> ()
    } else {
    }
    %eq3A_345 = arith.constant 15 : i32
    %eq3A_346 = arith.cmpi eq, %arg1, %eq3A_345 : i32
    %convert_element_type3A_347 = arith.extui %eq3A_346 : i1 to i32
    %cond3A_348 = arith.constant 0 : i32
    %cond3A_349 = arith.cmpi ne, %convert_element_type3A_347, %cond3A_348 : i32
    scf.if %cond3A_349 {
      "tpu.region"() ({
        %run_scoped3A = tpu.sem_alloc : memref<!tpu.dma_semaphore, #tpu.memory_space<semaphore_mem>>
        %dma_start3A_350 = arith.constant 9480 : i32
        %dma_start3A_351 = arith.constant 0 : i32
        %dma_start3A_352 = tpu.memref_slice %arg5[%arg0, %dma_start3A_350, %dma_start3A_351] : memref<2x10000x128xf32, #tpu.memory_space<hbm>> -> memref<1x520x64xf32, #tpu.memory_space<hbm>>
        %dma_start3A_353 = tpu.memref_squeeze %dma_start3A_352 : memref<1x520x64xf32, #tpu.memory_space<hbm>> -> memref<520x64xf32, #tpu.memory_space<hbm>>
        %dma_start3A_354 = arith.constant 9480 : i32
        %dma_start3A_355 = arith.constant 0 : i32
        %dma_start3A_356 = tpu.memref_slice %arg10[%dma_start3A_354, %dma_start3A_355] : memref<10000x64xf32, #tpu.memory_space<vmem_shared>> -> memref<520x64xf32, #tpu.memory_space<vmem_shared>>
        tpu.enqueue_dma source(%dma_start3A_356 : memref<520x64xf32, #tpu.memory_space<vmem_shared>>) target(%dma_start3A_353 : memref<520x64xf32, #tpu.memory_space<hbm>>) target_semaphore(%run_scoped3A : memref<!tpu.dma_semaphore, #tpu.memory_space<semaphore_mem>>)
        %dma_wait3A_357 = arith.constant 9480 : i32
        %dma_wait3A_358 = arith.constant 0 : i32
        %dma_wait3A_359 = tpu.memref_slice %arg5[%arg0, %dma_wait3A_357, %dma_wait3A_358] : memref<2x10000x128xf32, #tpu.memory_space<hbm>> -> memref<1x520x64xf32, #tpu.memory_space<hbm>>
        %dma_wait3A_360 = tpu.memref_squeeze %dma_wait3A_359 : memref<1x520x64xf32, #tpu.memory_space<hbm>> -> memref<520x64xf32, #tpu.memory_space<hbm>>
        %dma_wait3A_361 = arith.constant 9480 : i32
        %dma_wait3A_362 = arith.constant 0 : i32
        %dma_wait3A_363 = tpu.memref_slice %arg10[%dma_wait3A_361, %dma_wait3A_362] : memref<10000x64xf32, #tpu.memory_space<vmem_shared>> -> memref<520x64xf32, #tpu.memory_space<vmem_shared>>
        tpu.wait_dma2 semaphore(%run_scoped3A : memref<!tpu.dma_semaphore, #tpu.memory_space<semaphore_mem>>) src(%dma_wait3A_363 : memref<520x64xf32, #tpu.memory_space<vmem_shared>>) dst(%dma_wait3A_360 : memref<520x64xf32, #tpu.memory_space<hbm>>)
        tpu.yield
      }) : () -> ()
    } else {
    }
    return
  }
}

#map = affine_map<(d0, d1) -> (0, 0)>
#map1 = affine_map<(d0, d1) -> (0, 0, 0)>
module attributes {stable_mosaic.version = 14 : i64} {
  func.func @_seg_body(%arg0: i32, %arg1: i32, %arg2: memref<10000x64xf32, #tpu.memory_space<hbm>>, %arg3: memref<2560x125xi32, #tpu.memory_space<hbm>>, %arg4: memref<2560x125xi32, #tpu.memory_space<hbm>>, %arg5: memref<2x10000x128xf32, #tpu.memory_space<hbm>>, %arg6: memref<80x125xi32, #tpu.memory_space<vmem>>, %arg7: memref<80x125xi32, #tpu.memory_space<vmem>>, %arg8: memref<4x125x64xf32, #tpu.memory_space<vmem>>, %arg9: memref<8x64xf32, #tpu.memory_space<vmem>>, %arg10: memref<10000x64xf32, #tpu.memory_space<vmem_shared>>, %arg11: memref<4x!tpu.dma_semaphore, #tpu.memory_space<semaphore_mem>>, %arg12: memref<4x!tpu.dma_semaphore, #tpu.memory_space<semaphore_mem>>) attributes {dimension_semantics = [#tpu.dimension_semantics<core_parallel>, #tpu.dimension_semantics<subcore_parallel>], iteration_bounds = array<i64: 2, 16>, scalar_prefetch = 0 : i64, scratch_operands = 7 : i64, tpu.core_type = #tpu.core_type<sc_vector_subcore>, window_params = [{transform_indices = #map}, {transform_indices = #map}, {transform_indices = #map}, {transform_indices = #map1}]} {
    %mul3A = arith.constant 16 : i32
    %mul3A_0 = arith.muli %arg0, %mul3A : i32
    %add3A = arith.addi %mul3A_0, %arg1 : i32
    %mul3A_1 = arith.constant 80 : i32
    %mul3A_2 = arith.muli %add3A, %mul3A_1 : i32
    %multiple_of3A = tpu.assume_multiple %mul3A_2, 8 : i32
    "tpu.region"() ({
      %run_scoped3A = tpu.sem_alloc : memref<!tpu.dma_semaphore, #tpu.memory_space<semaphore_mem>>
      %dma_start3A_350 = arith.constant 0 : i32
      %dma_start3A_351 = tpu.memref_slice %arg3[%multiple_of3A, %dma_start3A_350] : memref<2560x125xi32, #tpu.memory_space<hbm>> -> memref<80x125xi32, #tpu.memory_space<hbm>>
      %dma_start3A_352 = arith.constant 0 : i32
      %dma_start3A_353 = tpu.memref_slice %arg3[%multiple_of3A, %dma_start3A_352] : memref<2560x125xi32, #tpu.memory_space<hbm>> -> memref<80x125xi32, #tpu.memory_space<hbm>>
      tpu.enqueue_dma source(%dma_start3A_353 : memref<80x125xi32, #tpu.memory_space<hbm>>) target(%arg6 : memref<80x125xi32, #tpu.memory_space<vmem>>) target_semaphore(%run_scoped3A : memref<!tpu.dma_semaphore, #tpu.memory_space<semaphore_mem>>)
      %dma_wait3A_354 = arith.constant 0 : i32
      %dma_wait3A_355 = tpu.memref_slice %arg3[%multiple_of3A, %dma_wait3A_354] : memref<2560x125xi32, #tpu.memory_space<hbm>> -> memref<80x125xi32, #tpu.memory_space<hbm>>
      %dma_wait3A_356 = arith.constant 0 : i32
      %dma_wait3A_357 = tpu.memref_slice %arg3[%multiple_of3A, %dma_wait3A_356] : memref<2560x125xi32, #tpu.memory_space<hbm>> -> memref<80x125xi32, #tpu.memory_space<hbm>>
      tpu.wait_dma2 semaphore(%run_scoped3A : memref<!tpu.dma_semaphore, #tpu.memory_space<semaphore_mem>>) src(%dma_wait3A_357 : memref<80x125xi32, #tpu.memory_space<hbm>>) dst(%arg6 : memref<80x125xi32, #tpu.memory_space<vmem>>)
      tpu.yield
    }) : () -> ()
    "tpu.region"() ({
      %run_scoped3A = tpu.sem_alloc : memref<!tpu.dma_semaphore, #tpu.memory_space<semaphore_mem>>
      %dma_start3A_350 = arith.constant 0 : i32
      %dma_start3A_351 = tpu.memref_slice %arg4[%multiple_of3A, %dma_start3A_350] : memref<2560x125xi32, #tpu.memory_space<hbm>> -> memref<80x125xi32, #tpu.memory_space<hbm>>
      %dma_start3A_352 = arith.constant 0 : i32
      %dma_start3A_353 = tpu.memref_slice %arg4[%multiple_of3A, %dma_start3A_352] : memref<2560x125xi32, #tpu.memory_space<hbm>> -> memref<80x125xi32, #tpu.memory_space<hbm>>
      tpu.enqueue_dma source(%dma_start3A_353 : memref<80x125xi32, #tpu.memory_space<hbm>>) target(%arg7 : memref<80x125xi32, #tpu.memory_space<vmem>>) target_semaphore(%run_scoped3A : memref<!tpu.dma_semaphore, #tpu.memory_space<semaphore_mem>>)
      %dma_wait3A_354 = arith.constant 0 : i32
      %dma_wait3A_355 = tpu.memref_slice %arg4[%multiple_of3A, %dma_wait3A_354] : memref<2560x125xi32, #tpu.memory_space<hbm>> -> memref<80x125xi32, #tpu.memory_space<hbm>>
      %dma_wait3A_356 = arith.constant 0 : i32
      %dma_wait3A_357 = tpu.memref_slice %arg4[%multiple_of3A, %dma_wait3A_356] : memref<2560x125xi32, #tpu.memory_space<hbm>> -> memref<80x125xi32, #tpu.memory_space<hbm>>
      tpu.wait_dma2 semaphore(%run_scoped3A : memref<!tpu.dma_semaphore, #tpu.memory_space<semaphore_mem>>) src(%dma_wait3A_357 : memref<80x125xi32, #tpu.memory_space<hbm>>) dst(%arg7 : memref<80x125xi32, #tpu.memory_space<vmem>>)
      tpu.yield
    }) : () -> ()
    %broadcast_in_dim3A = arith.constant 0.000000e+00 : f32
    %broadcast_in_dim3A_3 = vector.broadcast %broadcast_in_dim3A : f32 to vector<16xf32>
    %swap3A = arith.constant 0 : i32
    %swap3A_4 = arith.index_cast %swap3A : i32 to index
    %swap3A_5 = arith.constant 0 : index
    %swap3A_6 = tpu.vector_load %arg9[%swap3A_4, %swap3A_5] {strides = array<i32>} : memref<8x64xf32, #tpu.memory_space<vmem>>, vector<1x16xf32>,
    %swap3A_7 = vector.shape_cast %swap3A_6 : vector<1x16xf32> to vector<16xf32>
    %swap3A_8 = vector.shape_cast %broadcast_in_dim3A_3 : vector<16xf32> to vector<1x16xf32>
    tpu.vector_store %arg9[%swap3A_4, %swap3A_5], %swap3A_8 {strides = array<i32>} : memref<8x64xf32, #tpu.memory_space<vmem>>, vector<1x16xf32>,
    %swap3A_9 = arith.constant 0 : i32
    %swap3A_10 = arith.index_cast %swap3A_9 : i32 to index
    %swap3A_11 = arith.constant 16 : index
    %swap3A_12 = tpu.vector_load %arg9[%swap3A_10, %swap3A_11] {strides = array<i32>} : memref<8x64xf32, #tpu.memory_space<vmem>>, vector<1x16xf32>,
    %swap3A_13 = vector.shape_cast %swap3A_12 : vector<1x16xf32> to vector<16xf32>
    %swap3A_14 = vector.shape_cast %broadcast_in_dim3A_3 : vector<16xf32> to vector<1x16xf32>
    tpu.vector_store %arg9[%swap3A_10, %swap3A_11], %swap3A_14 {strides = array<i32>} : memref<8x64xf32, #tpu.memory_space<vmem>>, vector<1x16xf32>,
    %swap3A_15 = arith.constant 0 : i32
    %swap3A_16 = arith.index_cast %swap3A_15 : i32 to index
    %swap3A_17 = arith.constant 32 : index
    %swap3A_18 = tpu.vector_load %arg9[%swap3A_16, %swap3A_17] {strides = array<i32>} : memref<8x64xf32, #tpu.memory_space<vmem>>, vector<1x16xf32>,
    %swap3A_19 = vector.shape_cast %swap3A_18 : vector<1x16xf32> to vector<16xf32>
    %swap3A_20 = vector.shape_cast %broadcast_in_dim3A_3 : vector<16xf32> to vector<1x16xf32>
    tpu.vector_store %arg9[%swap3A_16, %swap3A_17], %swap3A_20 {strides = array<i32>} : memref<8x64xf32, #tpu.memory_space<vmem>>, vector<1x16xf32>,
    %swap3A_21 = arith.constant 0 : i32
    %swap3A_22 = arith.index_cast %swap3A_21 : i32 to index
    %swap3A_23 = arith.constant 48 : index
    %swap3A_24 = tpu.vector_load %arg9[%swap3A_22, %swap3A_23] {strides = array<i32>} : memref<8x64xf32, #tpu.memory_space<vmem>>, vector<1x16xf32>,
    %swap3A_25 = vector.shape_cast %swap3A_24 : vector<1x16xf32> to vector<16xf32>
    %swap3A_26 = vector.shape_cast %broadcast_in_dim3A_3 : vector<16xf32> to vector<1x16xf32>
    tpu.vector_store %arg9[%swap3A_22, %swap3A_23], %swap3A_26 {strides = array<i32>} : memref<8x64xf32, #tpu.memory_space<vmem>>, vector<1x16xf32>,
    %swap3A_27 = arith.constant 1 : i32
    %swap3A_28 = arith.index_cast %swap3A_27 : i32 to index
    %swap3A_29 = arith.constant 0 : index
    %swap3A_30 = tpu.vector_load %arg9[%swap3A_28, %swap3A_29] {strides = array<i32>} : memref<8x64xf32, #tpu.memory_space<vmem>>, vector<1x16xf32>,
    %swap3A_31 = vector.shape_cast %swap3A_30 : vector<1x16xf32> to vector<16xf32>
    %swap3A_32 = vector.shape_cast %broadcast_in_dim3A_3 : vector<16xf32> to vector<1x16xf32>
    tpu.vector_store %arg9[%swap3A_28, %swap3A_29], %swap3A_32 {strides = array<i32>} : memref<8x64xf32, #tpu.memory_space<vmem>>, vector<1x16xf32>,
    %swap3A_33 = arith.constant 1 : i32
    %swap3A_34 = arith.index_cast %swap3A_33 : i32 to index
    %swap3A_35 = arith.constant 16 : index
    %swap3A_36 = tpu.vector_load %arg9[%swap3A_34, %swap3A_35] {strides = array<i32>} : memref<8x64xf32, #tpu.memory_space<vmem>>, vector<1x16xf32>,
    %swap3A_37 = vector.shape_cast %swap3A_36 : vector<1x16xf32> to vector<16xf32>
    %swap3A_38 = vector.shape_cast %broadcast_in_dim3A_3 : vector<16xf32> to vector<1x16xf32>
    tpu.vector_store %arg9[%swap3A_34, %swap3A_35], %swap3A_38 {strides = array<i32>} : memref<8x64xf32, #tpu.memory_space<vmem>>, vector<1x16xf32>,
    %swap3A_39 = arith.constant 1 : i32
    %swap3A_40 = arith.index_cast %swap3A_39 : i32 to index
    %swap3A_41 = arith.constant 32 : index
    %swap3A_42 = tpu.vector_load %arg9[%swap3A_40, %swap3A_41] {strides = array<i32>} : memref<8x64xf32, #tpu.memory_space<vmem>>, vector<1x16xf32>,
    %swap3A_43 = vector.shape_cast %swap3A_42 : vector<1x16xf32> to vector<16xf32>
    %swap3A_44 = vector.shape_cast %broadcast_in_dim3A_3 : vector<16xf32> to vector<1x16xf32>
    tpu.vector_store %arg9[%swap3A_40, %swap3A_41], %swap3A_44 {strides = array<i32>} : memref<8x64xf32, #tpu.memory_space<vmem>>, vector<1x16xf32>,
    %swap3A_45 = arith.constant 1 : i32
    %swap3A_46 = arith.index_cast %swap3A_45 : i32 to index
    %swap3A_47 = arith.constant 48 : index
    %swap3A_48 = tpu.vector_load %arg9[%swap3A_46, %swap3A_47] {strides = array<i32>} : memref<8x64xf32, #tpu.memory_space<vmem>>, vector<1x16xf32>,
    %swap3A_49 = vector.shape_cast %swap3A_48 : vector<1x16xf32> to vector<16xf32>
    %swap3A_50 = vector.shape_cast %broadcast_in_dim3A_3 : vector<16xf32> to vector<1x16xf32>
    tpu.vector_store %arg9[%swap3A_46, %swap3A_47], %swap3A_50 {strides = array<i32>} : memref<8x64xf32, #tpu.memory_space<vmem>>, vector<1x16xf32>,
    %swap3A_51 = arith.constant 2 : i32
    %swap3A_52 = arith.index_cast %swap3A_51 : i32 to index
    %swap3A_53 = arith.constant 0 : index
    %swap3A_54 = tpu.vector_load %arg9[%swap3A_52, %swap3A_53] {strides = array<i32>} : memref<8x64xf32, #tpu.memory_space<vmem>>, vector<1x16xf32>,
    %swap3A_55 = vector.shape_cast %swap3A_54 : vector<1x16xf32> to vector<16xf32>
    %swap3A_56 = vector.shape_cast %broadcast_in_dim3A_3 : vector<16xf32> to vector<1x16xf32>
    tpu.vector_store %arg9[%swap3A_52, %swap3A_53], %swap3A_56 {strides = array<i32>} : memref<8x64xf32, #tpu.memory_space<vmem>>, vector<1x16xf32>,
    %swap3A_57 = arith.constant 2 : i32
    %swap3A_58 = arith.index_cast %swap3A_57 : i32 to index
    %swap3A_59 = arith.constant 16 : index
    %swap3A_60 = tpu.vector_load %arg9[%swap3A_58, %swap3A_59] {strides = array<i32>} : memref<8x64xf32, #tpu.memory_space<vmem>>, vector<1x16xf32>,
    %swap3A_61 = vector.shape_cast %swap3A_60 : vector<1x16xf32> to vector<16xf32>
    %swap3A_62 = vector.shape_cast %broadcast_in_dim3A_3 : vector<16xf32> to vector<1x16xf32>
    tpu.vector_store %arg9[%swap3A_58, %swap3A_59], %swap3A_62 {strides = array<i32>} : memref<8x64xf32, #tpu.memory_space<vmem>>, vector<1x16xf32>,
    %swap3A_63 = arith.constant 2 : i32
    %swap3A_64 = arith.index_cast %swap3A_63 : i32 to index
    %swap3A_65 = arith.constant 32 : index
    %swap3A_66 = tpu.vector_load %arg9[%swap3A_64, %swap3A_65] {strides = array<i32>} : memref<8x64xf32, #tpu.memory_space<vmem>>, vector<1x16xf32>,
    %swap3A_67 = vector.shape_cast %swap3A_66 : vector<1x16xf32> to vector<16xf32>
    %swap3A_68 = vector.shape_cast %broadcast_in_dim3A_3 : vector<16xf32> to vector<1x16xf32>
    tpu.vector_store %arg9[%swap3A_64, %swap3A_65], %swap3A_68 {strides = array<i32>} : memref<8x64xf32, #tpu.memory_space<vmem>>, vector<1x16xf32>,
    %swap3A_69 = arith.constant 2 : i32
    %swap3A_70 = arith.index_cast %swap3A_69 : i32 to index
    %swap3A_71 = arith.constant 48 : index
    %swap3A_72 = tpu.vector_load %arg9[%swap3A_70, %swap3A_71] {strides = array<i32>} : memref<8x64xf32, #tpu.memory_space<vmem>>, vector<1x16xf32>,
    %swap3A_73 = vector.shape_cast %swap3A_72 : vector<1x16xf32> to vector<16xf32>
    %swap3A_74 = vector.shape_cast %broadcast_in_dim3A_3 : vector<16xf32> to vector<1x16xf32>
    tpu.vector_store %arg9[%swap3A_70, %swap3A_71], %swap3A_74 {strides = array<i32>} : memref<8x64xf32, #tpu.memory_space<vmem>>, vector<1x16xf32>,
    %swap3A_75 = arith.constant 3 : i32
    %swap3A_76 = arith.index_cast %swap3A_75 : i32 to index
    %swap3A_77 = arith.constant 0 : index
    %swap3A_78 = tpu.vector_load %arg9[%swap3A_76, %swap3A_77] {strides = array<i32>} : memref<8x64xf32, #tpu.memory_space<vmem>>, vector<1x16xf32>,
    %swap3A_79 = vector.shape_cast %swap3A_78 : vector<1x16xf32> to vector<16xf32>
    %swap3A_80 = vector.shape_cast %broadcast_in_dim3A_3 : vector<16xf32> to vector<1x16xf32>
    tpu.vector_store %arg9[%swap3A_76, %swap3A_77], %swap3A_80 {strides = array<i32>} : memref<8x64xf32, #tpu.memory_space<vmem>>, vector<1x16xf32>,
    %swap3A_81 = arith.constant 3 : i32
    %swap3A_82 = arith.index_cast %swap3A_81 : i32 to index
    %swap3A_83 = arith.constant 16 : index
    %swap3A_84 = tpu.vector_load %arg9[%swap3A_82, %swap3A_83] {strides = array<i32>} : memref<8x64xf32, #tpu.memory_space<vmem>>, vector<1x16xf32>,
    %swap3A_85 = vector.shape_cast %swap3A_84 : vector<1x16xf32> to vector<16xf32>
    %swap3A_86 = vector.shape_cast %broadcast_in_dim3A_3 : vector<16xf32> to vector<1x16xf32>
    tpu.vector_store %arg9[%swap3A_82, %swap3A_83], %swap3A_86 {strides = array<i32>} : memref<8x64xf32, #tpu.memory_space<vmem>>, vector<1x16xf32>,
    %swap3A_87 = arith.constant 3 : i32
    %swap3A_88 = arith.index_cast %swap3A_87 : i32 to index
    %swap3A_89 = arith.constant 32 : index
    %swap3A_90 = tpu.vector_load %arg9[%swap3A_88, %swap3A_89] {strides = array<i32>} : memref<8x64xf32, #tpu.memory_space<vmem>>, vector<1x16xf32>,
    %swap3A_91 = vector.shape_cast %swap3A_90 : vector<1x16xf32> to vector<16xf32>
    %swap3A_92 = vector.shape_cast %broadcast_in_dim3A_3 : vector<16xf32> to vector<1x16xf32>
    tpu.vector_store %arg9[%swap3A_88, %swap3A_89], %swap3A_92 {strides = array<i32>} : memref<8x64xf32, #tpu.memory_space<vmem>>, vector<1x16xf32>,
    %swap3A_93 = arith.constant 3 : i32
    %swap3A_94 = arith.index_cast %swap3A_93 : i32 to index
    %swap3A_95 = arith.constant 48 : index
    %swap3A_96 = tpu.vector_load %arg9[%swap3A_94, %swap3A_95] {strides = array<i32>} : memref<8x64xf32, #tpu.memory_space<vmem>>, vector<1x16xf32>,
    %swap3A_97 = vector.shape_cast %swap3A_96 : vector<1x16xf32> to vector<16xf32>
    %swap3A_98 = vector.shape_cast %broadcast_in_dim3A_3 : vector<16xf32> to vector<1x16xf32>
    tpu.vector_store %arg9[%swap3A_94, %swap3A_95], %swap3A_98 {strides = array<i32>} : memref<8x64xf32, #tpu.memory_space<vmem>>, vector<1x16xf32>,
    %swap3A_99 = arith.constant 4 : i32
    %swap3A_100 = arith.index_cast %swap3A_99 : i32 to index
    %swap3A_101 = arith.constant 0 : index
    %swap3A_102 = tpu.vector_load %arg9[%swap3A_100, %swap3A_101] {strides = array<i32>} : memref<8x64xf32, #tpu.memory_space<vmem>>, vector<1x16xf32>,
    %swap3A_103 = vector.shape_cast %swap3A_102 : vector<1x16xf32> to vector<16xf32>
    %swap3A_104 = vector.shape_cast %broadcast_in_dim3A_3 : vector<16xf32> to vector<1x16xf32>
    tpu.vector_store %arg9[%swap3A_100, %swap3A_101], %swap3A_104 {strides = array<i32>} : memref<8x64xf32, #tpu.memory_space<vmem>>, vector<1x16xf32>,
    %swap3A_105 = arith.constant 4 : i32
    %swap3A_106 = arith.index_cast %swap3A_105 : i32 to index
    %swap3A_107 = arith.constant 16 : index
    %swap3A_108 = tpu.vector_load %arg9[%swap3A_106, %swap3A_107] {strides = array<i32>} : memref<8x64xf32, #tpu.memory_space<vmem>>, vector<1x16xf32>,
    %swap3A_109 = vector.shape_cast %swap3A_108 : vector<1x16xf32> to vector<16xf32>
    %swap3A_110 = vector.shape_cast %broadcast_in_dim3A_3 : vector<16xf32> to vector<1x16xf32>
    tpu.vector_store %arg9[%swap3A_106, %swap3A_107], %swap3A_110 {strides = array<i32>} : memref<8x64xf32, #tpu.memory_space<vmem>>, vector<1x16xf32>,
    %swap3A_111 = arith.constant 4 : i32
    %swap3A_112 = arith.index_cast %swap3A_111 : i32 to index
    %swap3A_113 = arith.constant 32 : index
    %swap3A_114 = tpu.vector_load %arg9[%swap3A_112, %swap3A_113] {strides = array<i32>} : memref<8x64xf32, #tpu.memory_space<vmem>>, vector<1x16xf32>,
    %swap3A_115 = vector.shape_cast %swap3A_114 : vector<1x16xf32> to vector<16xf32>
    %swap3A_116 = vector.shape_cast %broadcast_in_dim3A_3 : vector<16xf32> to vector<1x16xf32>
    tpu.vector_store %arg9[%swap3A_112, %swap3A_113], %swap3A_116 {strides = array<i32>} : memref<8x64xf32, #tpu.memory_space<vmem>>, vector<1x16xf32>,
    %swap3A_117 = arith.constant 4 : i32
    %swap3A_118 = arith.index_cast %swap3A_117 : i32 to index
    %swap3A_119 = arith.constant 48 : index
    %swap3A_120 = tpu.vector_load %arg9[%swap3A_118, %swap3A_119] {strides = array<i32>} : memref<8x64xf32, #tpu.memory_space<vmem>>, vector<1x16xf32>,
    %swap3A_121 = vector.shape_cast %swap3A_120 : vector<1x16xf32> to vector<16xf32>
    %swap3A_122 = vector.shape_cast %broadcast_in_dim3A_3 : vector<16xf32> to vector<1x16xf32>
    tpu.vector_store %arg9[%swap3A_118, %swap3A_119], %swap3A_122 {strides = array<i32>} : memref<8x64xf32, #tpu.memory_space<vmem>>, vector<1x16xf32>,
    %swap3A_123 = arith.constant 5 : i32
    %swap3A_124 = arith.index_cast %swap3A_123 : i32 to index
    %swap3A_125 = arith.constant 0 : index
    %swap3A_126 = tpu.vector_load %arg9[%swap3A_124, %swap3A_125] {strides = array<i32>} : memref<8x64xf32, #tpu.memory_space<vmem>>, vector<1x16xf32>,
    %swap3A_127 = vector.shape_cast %swap3A_126 : vector<1x16xf32> to vector<16xf32>
    %swap3A_128 = vector.shape_cast %broadcast_in_dim3A_3 : vector<16xf32> to vector<1x16xf32>
    tpu.vector_store %arg9[%swap3A_124, %swap3A_125], %swap3A_128 {strides = array<i32>} : memref<8x64xf32, #tpu.memory_space<vmem>>, vector<1x16xf32>,
    %swap3A_129 = arith.constant 5 : i32
    %swap3A_130 = arith.index_cast %swap3A_129 : i32 to index
    %swap3A_131 = arith.constant 16 : index
    %swap3A_132 = tpu.vector_load %arg9[%swap3A_130, %swap3A_131] {strides = array<i32>} : memref<8x64xf32, #tpu.memory_space<vmem>>, vector<1x16xf32>,
    %swap3A_133 = vector.shape_cast %swap3A_132 : vector<1x16xf32> to vector<16xf32>
    %swap3A_134 = vector.shape_cast %broadcast_in_dim3A_3 : vector<16xf32> to vector<1x16xf32>
    tpu.vector_store %arg9[%swap3A_130, %swap3A_131], %swap3A_134 {strides = array<i32>} : memref<8x64xf32, #tpu.memory_space<vmem>>, vector<1x16xf32>,
    %swap3A_135 = arith.constant 5 : i32
    %swap3A_136 = arith.index_cast %swap3A_135 : i32 to index
    %swap3A_137 = arith.constant 32 : index
    %swap3A_138 = tpu.vector_load %arg9[%swap3A_136, %swap3A_137] {strides = array<i32>} : memref<8x64xf32, #tpu.memory_space<vmem>>, vector<1x16xf32>,
    %swap3A_139 = vector.shape_cast %swap3A_138 : vector<1x16xf32> to vector<16xf32>
    %swap3A_140 = vector.shape_cast %broadcast_in_dim3A_3 : vector<16xf32> to vector<1x16xf32>
    tpu.vector_store %arg9[%swap3A_136, %swap3A_137], %swap3A_140 {strides = array<i32>} : memref<8x64xf32, #tpu.memory_space<vmem>>, vector<1x16xf32>,
    %swap3A_141 = arith.constant 5 : i32
    %swap3A_142 = arith.index_cast %swap3A_141 : i32 to index
    %swap3A_143 = arith.constant 48 : index
    %swap3A_144 = tpu.vector_load %arg9[%swap3A_142, %swap3A_143] {strides = array<i32>} : memref<8x64xf32, #tpu.memory_space<vmem>>, vector<1x16xf32>,
    %swap3A_145 = vector.shape_cast %swap3A_144 : vector<1x16xf32> to vector<16xf32>
    %swap3A_146 = vector.shape_cast %broadcast_in_dim3A_3 : vector<16xf32> to vector<1x16xf32>
    tpu.vector_store %arg9[%swap3A_142, %swap3A_143], %swap3A_146 {strides = array<i32>} : memref<8x64xf32, #tpu.memory_space<vmem>>, vector<1x16xf32>,
    %swap3A_147 = arith.constant 6 : i32
    %swap3A_148 = arith.index_cast %swap3A_147 : i32 to index
    %swap3A_149 = arith.constant 0 : index
    %swap3A_150 = tpu.vector_load %arg9[%swap3A_148, %swap3A_149] {strides = array<i32>} : memref<8x64xf32, #tpu.memory_space<vmem>>, vector<1x16xf32>,
    %swap3A_151 = vector.shape_cast %swap3A_150 : vector<1x16xf32> to vector<16xf32>
    %swap3A_152 = vector.shape_cast %broadcast_in_dim3A_3 : vector<16xf32> to vector<1x16xf32>
    tpu.vector_store %arg9[%swap3A_148, %swap3A_149], %swap3A_152 {strides = array<i32>} : memref<8x64xf32, #tpu.memory_space<vmem>>, vector<1x16xf32>,
    %swap3A_153 = arith.constant 6 : i32
    %swap3A_154 = arith.index_cast %swap3A_153 : i32 to index
    %swap3A_155 = arith.constant 16 : index
    %swap3A_156 = tpu.vector_load %arg9[%swap3A_154, %swap3A_155] {strides = array<i32>} : memref<8x64xf32, #tpu.memory_space<vmem>>, vector<1x16xf32>,
    %swap3A_157 = vector.shape_cast %swap3A_156 : vector<1x16xf32> to vector<16xf32>
    %swap3A_158 = vector.shape_cast %broadcast_in_dim3A_3 : vector<16xf32> to vector<1x16xf32>
    tpu.vector_store %arg9[%swap3A_154, %swap3A_155], %swap3A_158 {strides = array<i32>} : memref<8x64xf32, #tpu.memory_space<vmem>>, vector<1x16xf32>,
    %swap3A_159 = arith.constant 6 : i32
    %swap3A_160 = arith.index_cast %swap3A_159 : i32 to index
    %swap3A_161 = arith.constant 32 : index
    %swap3A_162 = tpu.vector_load %arg9[%swap3A_160, %swap3A_161] {strides = array<i32>} : memref<8x64xf32, #tpu.memory_space<vmem>>, vector<1x16xf32>,
    %swap3A_163 = vector.shape_cast %swap3A_162 : vector<1x16xf32> to vector<16xf32>
    %swap3A_164 = vector.shape_cast %broadcast_in_dim3A_3 : vector<16xf32> to vector<1x16xf32>
    tpu.vector_store %arg9[%swap3A_160, %swap3A_161], %swap3A_164 {strides = array<i32>} : memref<8x64xf32, #tpu.memory_space<vmem>>, vector<1x16xf32>,
    %swap3A_165 = arith.constant 6 : i32
    %swap3A_166 = arith.index_cast %swap3A_165 : i32 to index
    %swap3A_167 = arith.constant 48 : index
    %swap3A_168 = tpu.vector_load %arg9[%swap3A_166, %swap3A_167] {strides = array<i32>} : memref<8x64xf32, #tpu.memory_space<vmem>>, vector<1x16xf32>,
    %swap3A_169 = vector.shape_cast %swap3A_168 : vector<1x16xf32> to vector<16xf32>
    %swap3A_170 = vector.shape_cast %broadcast_in_dim3A_3 : vector<16xf32> to vector<1x16xf32>
    tpu.vector_store %arg9[%swap3A_166, %swap3A_167], %swap3A_170 {strides = array<i32>} : memref<8x64xf32, #tpu.memory_space<vmem>>, vector<1x16xf32>,
    %swap3A_171 = arith.constant 7 : i32
    %swap3A_172 = arith.index_cast %swap3A_171 : i32 to index
    %swap3A_173 = arith.constant 0 : index
    %swap3A_174 = tpu.vector_load %arg9[%swap3A_172, %swap3A_173] {strides = array<i32>} : memref<8x64xf32, #tpu.memory_space<vmem>>, vector<1x16xf32>,
    %swap3A_175 = vector.shape_cast %swap3A_174 : vector<1x16xf32> to vector<16xf32>
    %swap3A_176 = vector.shape_cast %broadcast_in_dim3A_3 : vector<16xf32> to vector<1x16xf32>
    tpu.vector_store %arg9[%swap3A_172, %swap3A_173], %swap3A_176 {strides = array<i32>} : memref<8x64xf32, #tpu.memory_space<vmem>>, vector<1x16xf32>,
    %swap3A_177 = arith.constant 7 : i32
    %swap3A_178 = arith.index_cast %swap3A_177 : i32 to index
    %swap3A_179 = arith.constant 16 : index
    %swap3A_180 = tpu.vector_load %arg9[%swap3A_178, %swap3A_179] {strides = array<i32>} : memref<8x64xf32, #tpu.memory_space<vmem>>, vector<1x16xf32>,
    %swap3A_181 = vector.shape_cast %swap3A_180 : vector<1x16xf32> to vector<16xf32>
    %swap3A_182 = vector.shape_cast %broadcast_in_dim3A_3 : vector<16xf32> to vector<1x16xf32>
    tpu.vector_store %arg9[%swap3A_178, %swap3A_179], %swap3A_182 {strides = array<i32>} : memref<8x64xf32, #tpu.memory_space<vmem>>, vector<1x16xf32>,
    %swap3A_183 = arith.constant 7 : i32
    %swap3A_184 = arith.index_cast %swap3A_183 : i32 to index
    %swap3A_185 = arith.constant 32 : index
    %swap3A_186 = tpu.vector_load %arg9[%swap3A_184, %swap3A_185] {strides = array<i32>} : memref<8x64xf32, #tpu.memory_space<vmem>>, vector<1x16xf32>,
    %swap3A_187 = vector.shape_cast %swap3A_186 : vector<1x16xf32> to vector<16xf32>
    %swap3A_188 = vector.shape_cast %broadcast_in_dim3A_3 : vector<16xf32> to vector<1x16xf32>
    tpu.vector_store %arg9[%swap3A_184, %swap3A_185], %swap3A_188 {strides = array<i32>} : memref<8x64xf32, #tpu.memory_space<vmem>>, vector<1x16xf32>,
    %swap3A_189 = arith.constant 7 : i32
    %swap3A_190 = arith.index_cast %swap3A_189 : i32 to index
    %swap3A_191 = arith.constant 48 : index
    %swap3A_192 = tpu.vector_load %arg9[%swap3A_190, %swap3A_191] {strides = array<i32>} : memref<8x64xf32, #tpu.memory_space<vmem>>, vector<1x16xf32>,
    %swap3A_193 = vector.shape_cast %swap3A_192 : vector<1x16xf32> to vector<16xf32>
    %swap3A_194 = vector.shape_cast %broadcast_in_dim3A_3 : vector<16xf32> to vector<1x16xf32>
    tpu.vector_store %arg9[%swap3A_190, %swap3A_191], %swap3A_194 {strides = array<i32>} : memref<8x64xf32, #tpu.memory_space<vmem>>, vector<1x16xf32>,
    %mul3A_195 = arith.constant 632 : i32
    %mul3A_196 = arith.muli %arg1, %mul3A_195 : i32
    %multiple_of3A_197 = tpu.assume_multiple %mul3A_196, 8 : i32
    %eq3A = arith.constant 15 : i32
    %eq3A_198 = arith.cmpi eq, %arg1, %eq3A : i32
    %jit3A = arith.constant 520 : i32
    %jit3A_199 = arith.constant 632 : i32
    %select_n3A = arith.select %eq3A_198, %jit3A, %jit3A_199 : i32
    %jit3A_200 = arith.constant 8 : i32
    %div3A = arith.divsi %select_n3A, %jit3A_200 : i32
    %sign3A = arith.constant 0 : i32
    %sign3A_201 = arith.cmpi sgt, %select_n3A, %sign3A : i32
    %sign3A_202 = arith.extui %sign3A_201 : i1 to i32
    %sign3A_203 = arith.constant 0 : i32
    %sign3A_204 = arith.cmpi slt, %select_n3A, %sign3A_203 : i32
    %sign3A_205 = arith.extui %sign3A_204 : i1 to i32
    %sign3A_206 = arith.subi %sign3A_202, %sign3A_205 : i32
    %sign3A_207 = arith.constant 0 : i32
    %sign3A_208 = arith.cmpi sgt, %jit3A_200, %sign3A_207 : i32
    %sign3A_209 = arith.extui %sign3A_208 : i1 to i32
    %sign3A_210 = arith.constant 0 : i32
    %sign3A_211 = arith.cmpi slt, %jit3A_200, %sign3A_210 : i32
    %sign3A_212 = arith.extui %sign3A_211 : i1 to i32
    %sign3A_213 = arith.subi %sign3A_209, %sign3A_212 : i32
    %ne3A = arith.cmpi ne, %sign3A_206, %sign3A_213 : i32
    %rem3A = arith.remsi %select_n3A, %jit3A_200 : i32
    %ne3A_214 = arith.constant 0 : i32
    %ne3A_215 = arith.cmpi ne, %rem3A, %ne3A_214 : i32
    %and3A = arith.andi %ne3A, %ne3A_215 : i1
    %sub3A = arith.constant 1 : i32
    %sub3A_216 = arith.subi %div3A, %sub3A : i32
    %select_n3A_217 = arith.select %and3A, %sub3A_216, %div3A : i32
    %while3A = arith.constant 0 : i32
    %while3A_218 = arith.constant 0 : i32
    %while3A_219 = arith.subi %select_n3A_217, %while3A_218 : i32
    %while3A_220 = arith.addi %while3A_218, %while3A_219 : i32
    %while3A_221 = arith.constant 1 : i32
    %while3A_222 = arith.divsi %while3A_219, %while3A_221 : i32
    %while3A_223 = arith.muli %while3A_222, %while3A_221 : i32
    %while3A_224 = arith.addi %while3A_218, %while3A_223 : i32
    %while3A_225 = arith.constant 1 : i32
    scf.for %while3A_350 = %while3A_218 to %while3A_224 step %while3A_225  : i32 {
      %mul3A_351 = arith.constant 8 : i32
      %mul3A_352 = arith.muli %while3A_350, %mul3A_351 : i32
      %add3A_353 = arith.addi %multiple_of3A_197, %mul3A_352 : i32
      %multiple_of3A_354 = tpu.assume_multiple %add3A_353, 8 : i32
      "tpu.region"() ({
        %run_scoped3A = tpu.sem_alloc : memref<!tpu.dma_semaphore, #tpu.memory_space<semaphore_mem>>
        %dma_start3A_355 = arith.constant 0 : i32
        %dma_start3A_356 = tpu.memref_slice %arg10[%multiple_of3A_354, %dma_start3A_355] : memref<10000x64xf32, #tpu.memory_space<vmem_shared>> -> memref<8x64xf32, #tpu.memory_space<vmem_shared>>
        %dma_start3A_357 = arith.constant 0 : i32
        %dma_start3A_358 = tpu.memref_slice %arg10[%multiple_of3A_354, %dma_start3A_357] : memref<10000x64xf32, #tpu.memory_space<vmem_shared>> -> memref<8x64xf32, #tpu.memory_space<vmem_shared>>
        tpu.enqueue_dma source(%arg9 : memref<8x64xf32, #tpu.memory_space<vmem>>) target(%dma_start3A_358 : memref<8x64xf32, #tpu.memory_space<vmem_shared>>) target_semaphore(%run_scoped3A : memref<!tpu.dma_semaphore, #tpu.memory_space<semaphore_mem>>)
        %dma_wait3A_359 = arith.constant 0 : i32
        %dma_wait3A_360 = tpu.memref_slice %arg10[%multiple_of3A_354, %dma_wait3A_359] : memref<10000x64xf32, #tpu.memory_space<vmem_shared>> -> memref<8x64xf32, #tpu.memory_space<vmem_shared>>
        %dma_wait3A_361 = arith.constant 0 : i32
        %dma_wait3A_362 = tpu.memref_slice %arg10[%multiple_of3A_354, %dma_wait3A_361] : memref<10000x64xf32, #tpu.memory_space<vmem_shared>> -> memref<8x64xf32, #tpu.memory_space<vmem_shared>>
        tpu.wait_dma2 semaphore(%run_scoped3A : memref<!tpu.dma_semaphore, #tpu.memory_space<semaphore_mem>>) src(%arg9 : memref<8x64xf32, #tpu.memory_space<vmem>>) dst(%dma_wait3A_362 : memref<8x64xf32, #tpu.memory_space<vmem_shared>>)
        tpu.yield
      }) : () -> ()
    }
    %while3A_226 = arith.constant 1 : i32
    scf.for %while3A_350 = %while3A_224 to %while3A_220 step %while3A_226  : i32 {
      %mul3A_351 = arith.constant 8 : i32
      %mul3A_352 = arith.muli %while3A_350, %mul3A_351 : i32
      %add3A_353 = arith.addi %multiple_of3A_197, %mul3A_352 : i32
      %multiple_of3A_354 = tpu.assume_multiple %add3A_353, 8 : i32
      "tpu.region"() ({
        %run_scoped3A = tpu.sem_alloc : memref<!tpu.dma_semaphore, #tpu.memory_space<semaphore_mem>>
        %dma_start3A_355 = arith.constant 0 : i32
        %dma_start3A_356 = tpu.memref_slice %arg10[%multiple_of3A_354, %dma_start3A_355] : memref<10000x64xf32, #tpu.memory_space<vmem_shared>> -> memref<8x64xf32, #tpu.memory_space<vmem_shared>>
        %dma_start3A_357 = arith.constant 0 : i32
        %dma_start3A_358 = tpu.memref_slice %arg10[%multiple_of3A_354, %dma_start3A_357] : memref<10000x64xf32, #tpu.memory_space<vmem_shared>> -> memref<8x64xf32, #tpu.memory_space<vmem_shared>>
        tpu.enqueue_dma source(%arg9 : memref<8x64xf32, #tpu.memory_space<vmem>>) target(%dma_start3A_358 : memref<8x64xf32, #tpu.memory_space<vmem_shared>>) target_semaphore(%run_scoped3A : memref<!tpu.dma_semaphore, #tpu.memory_space<semaphore_mem>>)
        %dma_wait3A_359 = arith.constant 0 : i32
        %dma_wait3A_360 = tpu.memref_slice %arg10[%multiple_of3A_354, %dma_wait3A_359] : memref<10000x64xf32, #tpu.memory_space<vmem_shared>> -> memref<8x64xf32, #tpu.memory_space<vmem_shared>>
        %dma_wait3A_361 = arith.constant 0 : i32
        %dma_wait3A_362 = tpu.memref_slice %arg10[%multiple_of3A_354, %dma_wait3A_361] : memref<10000x64xf32, #tpu.memory_space<vmem_shared>> -> memref<8x64xf32, #tpu.memory_space<vmem_shared>>
        tpu.wait_dma2 semaphore(%run_scoped3A : memref<!tpu.dma_semaphore, #tpu.memory_space<semaphore_mem>>) src(%arg9 : memref<8x64xf32, #tpu.memory_space<vmem>>) dst(%dma_wait3A_362 : memref<8x64xf32, #tpu.memory_space<vmem_shared>>)
        tpu.yield
      }) : () -> ()
    }
    %barrier3A = arith.constant 0 : index
    tpu.barrier barrier_id(%barrier3A)
    %rem3A_227 = arith.constant 0 : i32
    %rem3A_228 = arith.constant 4 : i32
    %rem3A_229 = arith.remsi %rem3A_227, %rem3A_228 : i32
    %dma_start3A = arith.constant 0 : i32
    %dma_start3A_230 = arith.constant 0 : i32
    %dma_start3A_231 = arith.constant 0 : i32
    %dma_start3A_232 = tpu.memref_slice %arg8[%rem3A_229, %dma_start3A_230, %dma_start3A_231] : memref<4x125x64xf32, #tpu.memory_space<vmem>> -> memref<1x125x64xf32, #tpu.memory_space<vmem>>
    %dma_start3A_233 = tpu.memref_squeeze %dma_start3A_232 : memref<1x125x64xf32, #tpu.memory_space<vmem>> -> memref<125x64xf32, #tpu.memory_space<vmem>>
    %dma_start3A_234 = arith.constant 0 : i32
    %dma_start3A_235 = tpu.memref_slice %arg6[%dma_start3A, %dma_start3A_234] : memref<80x125xi32, #tpu.memory_space<vmem>> -> memref<1x125xi32, #tpu.memory_space<vmem>>
    %dma_start3A_236 = tpu.memref_squeeze %dma_start3A_235 : memref<1x125xi32, #tpu.memory_space<vmem>> -> memref<125xi32, #tpu.memory_space<vmem>>
    %dma_start3A_237 = arith.constant 0 : i32
    %dma_start3A_238 = arith.constant 0 : i32
    %dma_start3A_239 = tpu.memref_slice %arg2[%dma_start3A_237, %dma_start3A_238] : memref<10000x64xf32, #tpu.memory_space<hbm>> -> memref<10000x64xf32, #tpu.memory_space<hbm>>
    %dma_start3A_240 = tpu.memref_slice %arg11[%rem3A_229] : memref<4x!tpu.dma_semaphore, #tpu.memory_space<semaphore_mem>> -> memref<1x!tpu.dma_semaphore, #tpu.memory_space<semaphore_mem>>
    %dma_start3A_241 = tpu.memref_squeeze %dma_start3A_240 : memref<1x!tpu.dma_semaphore, #tpu.memory_space<semaphore_mem>> -> memref<!tpu.dma_semaphore, #tpu.memory_space<semaphore_mem>>
    tpu.enqueue_indirect_dma source(%dma_start3A_239 : memref<10000x64xf32, #tpu.memory_space<hbm>>) target(%dma_start3A_233 : memref<125x64xf32, #tpu.memory_space<vmem>>) offsets(%dma_start3A_236 : memref<125xi32, #tpu.memory_space<vmem>>) semaphore(%dma_start3A_241 : memref<!tpu.dma_semaphore, #tpu.memory_space<semaphore_mem>>)
    %rem3A_242 = arith.constant 1 : i32
    %rem3A_243 = arith.constant 4 : i32
    %rem3A_244 = arith.remsi %rem3A_242, %rem3A_243 : i32
    %dma_start3A_245 = arith.constant 1 : i32
    %dma_start3A_246 = arith.constant 0 : i32
    %dma_start3A_247 = arith.constant 0 : i32
    %dma_start3A_248 = tpu.memref_slice %arg8[%rem3A_244, %dma_start3A_246, %dma_start3A_247] : memref<4x125x64xf32, #tpu.memory_space<vmem>> -> memref<1x125x64xf32, #tpu.memory_space<vmem>>
    %dma_start3A_249 = tpu.memref_squeeze %dma_start3A_248 : memref<1x125x64xf32, #tpu.memory_space<vmem>> -> memref<125x64xf32, #tpu.memory_space<vmem>>
    %dma_start3A_250 = arith.constant 0 : i32
    %dma_start3A_251 = tpu.memref_slice %arg6[%dma_start3A_245, %dma_start3A_250] : memref<80x125xi32, #tpu.memory_space<vmem>> -> memref<1x125xi32, #tpu.memory_space<vmem>>
    %dma_start3A_252 = tpu.memref_squeeze %dma_start3A_251 : memref<1x125xi32, #tpu.memory_space<vmem>> -> memref<125xi32, #tpu.memory_space<vmem>>
    %dma_start3A_253 = arith.constant 0 : i32
    %dma_start3A_254 = arith.constant 0 : i32
    %dma_start3A_255 = tpu.memref_slice %arg2[%dma_start3A_253, %dma_start3A_254] : memref<10000x64xf32, #tpu.memory_space<hbm>> -> memref<10000x64xf32, #tpu.memory_space<hbm>>
    %dma_start3A_256 = tpu.memref_slice %arg11[%rem3A_244] : memref<4x!tpu.dma_semaphore, #tpu.memory_space<semaphore_mem>> -> memref<1x!tpu.dma_semaphore, #tpu.memory_space<semaphore_mem>>
    %dma_start3A_257 = tpu.memref_squeeze %dma_start3A_256 : memref<1x!tpu.dma_semaphore, #tpu.memory_space<semaphore_mem>> -> memref<!tpu.dma_semaphore, #tpu.memory_space<semaphore_mem>>
    tpu.enqueue_indirect_dma source(%dma_start3A_255 : memref<10000x64xf32, #tpu.memory_space<hbm>>) target(%dma_start3A_249 : memref<125x64xf32, #tpu.memory_space<vmem>>) offsets(%dma_start3A_252 : memref<125xi32, #tpu.memory_space<vmem>>) semaphore(%dma_start3A_257 : memref<!tpu.dma_semaphore, #tpu.memory_space<semaphore_mem>>)
    %rem3A_258 = arith.constant 2 : i32
    %rem3A_259 = arith.constant 4 : i32
    %rem3A_260 = arith.remsi %rem3A_258, %rem3A_259 : i32
    %dma_start3A_261 = arith.constant 2 : i32
    %dma_start3A_262 = arith.constant 0 : i32
    %dma_start3A_263 = arith.constant 0 : i32
    %dma_start3A_264 = tpu.memref_slice %arg8[%rem3A_260, %dma_start3A_262, %dma_start3A_263] : memref<4x125x64xf32, #tpu.memory_space<vmem>> -> memref<1x125x64xf32, #tpu.memory_space<vmem>>
    %dma_start3A_265 = tpu.memref_squeeze %dma_start3A_264 : memref<1x125x64xf32, #tpu.memory_space<vmem>> -> memref<125x64xf32, #tpu.memory_space<vmem>>
    %dma_start3A_266 = arith.constant 0 : i32
    %dma_start3A_267 = tpu.memref_slice %arg6[%dma_start3A_261, %dma_start3A_266] : memref<80x125xi32, #tpu.memory_space<vmem>> -> memref<1x125xi32, #tpu.memory_space<vmem>>
    %dma_start3A_268 = tpu.memref_squeeze %dma_start3A_267 : memref<1x125xi32, #tpu.memory_space<vmem>> -> memref<125xi32, #tpu.memory_space<vmem>>
    %dma_start3A_269 = arith.constant 0 : i32
    %dma_start3A_270 = arith.constant 0 : i32
    %dma_start3A_271 = tpu.memref_slice %arg2[%dma_start3A_269, %dma_start3A_270] : memref<10000x64xf32, #tpu.memory_space<hbm>> -> memref<10000x64xf32, #tpu.memory_space<hbm>>
    %dma_start3A_272 = tpu.memref_slice %arg11[%rem3A_260] : memref<4x!tpu.dma_semaphore, #tpu.memory_space<semaphore_mem>> -> memref<1x!tpu.dma_semaphore, #tpu.memory_space<semaphore_mem>>
    %dma_start3A_273 = tpu.memref_squeeze %dma_start3A_272 : memref<1x!tpu.dma_semaphore, #tpu.memory_space<semaphore_mem>> -> memref<!tpu.dma_semaphore, #tpu.memory_space<semaphore_mem>>
    tpu.enqueue_indirect_dma source(%dma_start3A_271 : memref<10000x64xf32, #tpu.memory_space<hbm>>) target(%dma_start3A_265 : memref<125x64xf32, #tpu.memory_space<vmem>>) offsets(%dma_start3A_268 : memref<125xi32, #tpu.memory_space<vmem>>) semaphore(%dma_start3A_273 : memref<!tpu.dma_semaphore, #tpu.memory_space<semaphore_mem>>)
    %scan3A = arith.constant 0 : i32
    %scan3A_274 = arith.constant 0 : i32
    %scan3A_275 = arith.constant 80 : i32
    %scan3A_276 = arith.addi %scan3A_274, %scan3A_275 : i32
    %scan3A_277 = arith.constant 1 : i32
    scf.for %scan3A_350 = %scan3A_274 to %scan3A_276 step %scan3A_277  : i32 {
      %rem3A_351 = arith.constant 4 : i32
      %rem3A_352 = arith.remsi %scan3A_350, %rem3A_351 : i32
      %dma_wait3A_353 = arith.constant 0 : i32
      %dma_wait3A_354 = arith.constant 0 : i32
      %dma_wait3A_355 = tpu.memref_slice %arg8[%rem3A_352, %dma_wait3A_353, %dma_wait3A_354] : memref<4x125x64xf32, #tpu.memory_space<vmem>> -> memref<1x125x64xf32, #tpu.memory_space<vmem>>
      %dma_wait3A_356 = tpu.memref_squeeze %dma_wait3A_355 : memref<1x125x64xf32, #tpu.memory_space<vmem>> -> memref<125x64xf32, #tpu.memory_space<vmem>>
      %dma_wait3A_357 = arith.constant 0 : i32
      %dma_wait3A_358 = tpu.memref_slice %arg6[%scan3A_350, %dma_wait3A_357] : memref<80x125xi32, #tpu.memory_space<vmem>> -> memref<1x125xi32, #tpu.memory_space<vmem>>
      %dma_wait3A_359 = tpu.memref_squeeze %dma_wait3A_358 : memref<1x125xi32, #tpu.memory_space<vmem>> -> memref<125xi32, #tpu.memory_space<vmem>>
      %dma_wait3A_360 = arith.constant 0 : i32
      %dma_wait3A_361 = arith.constant 0 : i32
      %dma_wait3A_362 = tpu.memref_slice %arg2[%dma_wait3A_360, %dma_wait3A_361] : memref<10000x64xf32, #tpu.memory_space<hbm>> -> memref<10000x64xf32, #tpu.memory_space<hbm>>
      %dma_wait3A_363 = tpu.memref_slice %arg11[%rem3A_352] : memref<4x!tpu.dma_semaphore, #tpu.memory_space<semaphore_mem>> -> memref<1x!tpu.dma_semaphore, #tpu.memory_space<semaphore_mem>>
      %dma_wait3A_364 = tpu.memref_squeeze %dma_wait3A_363 : memref<1x!tpu.dma_semaphore, #tpu.memory_space<semaphore_mem>> -> memref<!tpu.dma_semaphore, #tpu.memory_space<semaphore_mem>>
      tpu.wait_indirect_dma semaphore(%dma_wait3A_364 : memref<!tpu.dma_semaphore, #tpu.memory_space<semaphore_mem>>) src(%dma_wait3A_362 : memref<10000x64xf32, #tpu.memory_space<hbm>>) dst(%dma_wait3A_356 : memref<125x64xf32, #tpu.memory_space<vmem>>)
      %dma_start3A_365 = arith.constant 0 : i32
      %dma_start3A_366 = arith.constant 0 : i32
      %dma_start3A_367 = tpu.memref_slice %arg8[%rem3A_352, %dma_start3A_365, %dma_start3A_366] : memref<4x125x64xf32, #tpu.memory_space<vmem>> -> memref<1x125x64xf32, #tpu.memory_space<vmem>>
      %dma_start3A_368 = tpu.memref_squeeze %dma_start3A_367 : memref<1x125x64xf32, #tpu.memory_space<vmem>> -> memref<125x64xf32, #tpu.memory_space<vmem>>
      %dma_start3A_369 = arith.constant 0 : i32
      %dma_start3A_370 = tpu.memref_slice %arg7[%scan3A_350, %dma_start3A_369] : memref<80x125xi32, #tpu.memory_space<vmem>> -> memref<1x125xi32, #tpu.memory_space<vmem>>
      %dma_start3A_371 = tpu.memref_squeeze %dma_start3A_370 : memref<1x125xi32, #tpu.memory_space<vmem>> -> memref<125xi32, #tpu.memory_space<vmem>>
      %dma_start3A_372 = arith.constant 0 : i32
      %dma_start3A_373 = arith.constant 0 : i32
      %dma_start3A_374 = tpu.memref_slice %arg10[%dma_start3A_372, %dma_start3A_373] : memref<10000x64xf32, #tpu.memory_space<vmem_shared>> -> memref<10000x64xf32, #tpu.memory_space<vmem_shared>>
      %dma_start3A_375 = tpu.memref_slice %arg12[%rem3A_352] : memref<4x!tpu.dma_semaphore, #tpu.memory_space<semaphore_mem>> -> memref<1x!tpu.dma_semaphore, #tpu.memory_space<semaphore_mem>>
      %dma_start3A_376 = tpu.memref_squeeze %dma_start3A_375 : memref<1x!tpu.dma_semaphore, #tpu.memory_space<semaphore_mem>> -> memref<!tpu.dma_semaphore, #tpu.memory_space<semaphore_mem>>
      tpu.enqueue_indirect_dma source(%dma_start3A_368 : memref<125x64xf32, #tpu.memory_space<vmem>>) target(%dma_start3A_374 : memref<10000x64xf32, #tpu.memory_space<vmem_shared>>) offsets(%dma_start3A_371 : memref<125xi32, #tpu.memory_space<vmem>>) semaphore(%dma_start3A_376 : memref<!tpu.dma_semaphore, #tpu.memory_space<semaphore_mem>>) {add = true}
      %eq3A_377 = arith.constant 0 : i32
      %eq3A_378 = arith.cmpi eq, %scan3A_350, %eq3A_377 : i32
      %convert_element_type3A_379 = arith.extui %eq3A_378 : i1 to i32
      %cond3A_380 = arith.constant 0 : i32
      %cond3A_381 = arith.cmpi ne, %convert_element_type3A_379, %cond3A_380 : i32
      scf.if %cond3A_381 {
        %rem3A_391 = arith.constant 3 : i32
        %rem3A_392 = arith.constant 4 : i32
        %rem3A_393 = arith.remsi %rem3A_391, %rem3A_392 : i32
        %dma_start3A_394 = arith.constant 3 : i32
        %dma_start3A_395 = arith.constant 0 : i32
        %dma_start3A_396 = arith.constant 0 : i32
        %dma_start3A_397 = tpu.memref_slice %arg8[%rem3A_393, %dma_start3A_395, %dma_start3A_396] : memref<4x125x64xf32, #tpu.memory_space<vmem>> -> memref<1x125x64xf32, #tpu.memory_space<vmem>>
        %dma_start3A_398 = tpu.memref_squeeze %dma_start3A_397 : memref<1x125x64xf32, #tpu.memory_space<vmem>> -> memref<125x64xf32, #tpu.memory_space<vmem>>
        %dma_start3A_399 = arith.constant 0 : i32
        %dma_start3A_400 = tpu.memref_slice %arg6[%dma_start3A_394, %dma_start3A_399] : memref<80x125xi32, #tpu.memory_space<vmem>> -> memref<1x125xi32, #tpu.memory_space<vmem>>
        %dma_start3A_401 = tpu.memref_squeeze %dma_start3A_400 : memref<1x125xi32, #tpu.memory_space<vmem>> -> memref<125xi32, #tpu.memory_space<vmem>>
        %dma_start3A_402 = arith.constant 0 : i32
        %dma_start3A_403 = arith.constant 0 : i32
        %dma_start3A_404 = tpu.memref_slice %arg2[%dma_start3A_402, %dma_start3A_403] : memref<10000x64xf32, #tpu.memory_space<hbm>> -> memref<10000x64xf32, #tpu.memory_space<hbm>>
        %dma_start3A_405 = tpu.memref_slice %arg11[%rem3A_393] : memref<4x!tpu.dma_semaphore, #tpu.memory_space<semaphore_mem>> -> memref<1x!tpu.dma_semaphore, #tpu.memory_space<semaphore_mem>>
        %dma_start3A_406 = tpu.memref_squeeze %dma_start3A_405 : memref<1x!tpu.dma_semaphore, #tpu.memory_space<semaphore_mem>> -> memref<!tpu.dma_semaphore, #tpu.memory_space<semaphore_mem>>
        tpu.enqueue_indirect_dma source(%dma_start3A_404 : memref<10000x64xf32, #tpu.memory_space<hbm>>) target(%dma_start3A_398 : memref<125x64xf32, #tpu.memory_space<vmem>>) offsets(%dma_start3A_401 : memref<125xi32, #tpu.memory_space<vmem>>) semaphore(%dma_start3A_406 : memref<!tpu.dma_semaphore, #tpu.memory_space<semaphore_mem>>)
      } else {
      }
      %ge3A = arith.constant 1 : i32
      %ge3A_382 = arith.cmpi sge, %scan3A_350, %ge3A : i32
      %add3A_383 = arith.constant 3 : i32
      %add3A_384 = arith.addi %scan3A_350, %add3A_383 : i32
      %lt3A_385 = arith.constant 80 : i32
      %lt3A_386 = arith.cmpi slt, %add3A_384, %lt3A_385 : i32
      %and3A_387 = arith.andi %ge3A_382, %lt3A_386 : i1
      %convert_element_type3A_388 = arith.extui %and3A_387 : i1 to i32
      %cond3A_389 = arith.constant 0 : i32
      %cond3A_390 = arith.cmpi ne, %convert_element_type3A_388, %cond3A_389 : i32
      scf.if %cond3A_390 {
        %sub3A_391 = arith.constant 1 : i32
        %sub3A_392 = arith.subi %scan3A_350, %sub3A_391 : i32
        %rem3A_393 = arith.constant 4 : i32
        %rem3A_394 = arith.remsi %sub3A_392, %rem3A_393 : i32
        %dma_wait3A_395 = arith.constant 0 : i32
        %dma_wait3A_396 = arith.constant 0 : i32
        %dma_wait3A_397 = tpu.memref_slice %arg8[%rem3A_394, %dma_wait3A_395, %dma_wait3A_396] : memref<4x125x64xf32, #tpu.memory_space<vmem>> -> memref<1x125x64xf32, #tpu.memory_space<vmem>>
        %dma_wait3A_398 = tpu.memref_squeeze %dma_wait3A_397 : memref<1x125x64xf32, #tpu.memory_space<vmem>> -> memref<125x64xf32, #tpu.memory_space<vmem>>
        %dma_wait3A_399 = arith.constant 0 : i32
        %dma_wait3A_400 = tpu.memref_slice %arg7[%sub3A_392, %dma_wait3A_399] : memref<80x125xi32, #tpu.memory_space<vmem>> -> memref<1x125xi32, #tpu.memory_space<vmem>>
        %dma_wait3A_401 = tpu.memref_squeeze %dma_wait3A_400 : memref<1x125xi32, #tpu.memory_space<vmem>> -> memref<125xi32, #tpu.memory_space<vmem>>
        %dma_wait3A_402 = arith.constant 0 : i32
        %dma_wait3A_403 = arith.constant 0 : i32
        %dma_wait3A_404 = tpu.memref_slice %arg10[%dma_wait3A_402, %dma_wait3A_403] : memref<10000x64xf32, #tpu.memory_space<vmem_shared>> -> memref<10000x64xf32, #tpu.memory_space<vmem_shared>>
        %dma_wait3A_405 = tpu.memref_slice %arg12[%rem3A_394] : memref<4x!tpu.dma_semaphore, #tpu.memory_space<semaphore_mem>> -> memref<1x!tpu.dma_semaphore, #tpu.memory_space<semaphore_mem>>
        %dma_wait3A_406 = tpu.memref_squeeze %dma_wait3A_405 : memref<1x!tpu.dma_semaphore, #tpu.memory_space<semaphore_mem>> -> memref<!tpu.dma_semaphore, #tpu.memory_space<semaphore_mem>>
        tpu.wait_indirect_dma semaphore(%dma_wait3A_406 : memref<!tpu.dma_semaphore, #tpu.memory_space<semaphore_mem>>) src(%dma_wait3A_398 : memref<125x64xf32, #tpu.memory_space<vmem>>) dst(%dma_wait3A_404 : memref<10000x64xf32, #tpu.memory_space<vmem_shared>>)
        %add3A_407 = arith.constant 3 : i32
        %add3A_408 = arith.addi %scan3A_350, %add3A_407 : i32
        %rem3A_409 = arith.constant 4 : i32
        %rem3A_410 = arith.remsi %add3A_408, %rem3A_409 : i32
        %dma_start3A_411 = arith.constant 0 : i32
        %dma_start3A_412 = arith.constant 0 : i32
        %dma_start3A_413 = tpu.memref_slice %arg8[%rem3A_410, %dma_start3A_411, %dma_start3A_412] : memref<4x125x64xf32, #tpu.memory_space<vmem>> -> memref<1x125x64xf32, #tpu.memory_space<vmem>>
        %dma_start3A_414 = tpu.memref_squeeze %dma_start3A_413 : memref<1x125x64xf32, #tpu.memory_space<vmem>> -> memref<125x64xf32, #tpu.memory_space<vmem>>
        %dma_start3A_415 = arith.constant 0 : i32
        %dma_start3A_416 = tpu.memref_slice %arg6[%add3A_408, %dma_start3A_415] : memref<80x125xi32, #tpu.memory_space<vmem>> -> memref<1x125xi32, #tpu.memory_space<vmem>>
        %dma_start3A_417 = tpu.memref_squeeze %dma_start3A_416 : memref<1x125xi32, #tpu.memory_space<vmem>> -> memref<125xi32, #tpu.memory_space<vmem>>
        %dma_start3A_418 = arith.constant 0 : i32
        %dma_start3A_419 = arith.constant 0 : i32
        %dma_start3A_420 = tpu.memref_slice %arg2[%dma_start3A_418, %dma_start3A_419] : memref<10000x64xf32, #tpu.memory_space<hbm>> -> memref<10000x64xf32, #tpu.memory_space<hbm>>
        %dma_start3A_421 = tpu.memref_slice %arg11[%rem3A_410] : memref<4x!tpu.dma_semaphore, #tpu.memory_space<semaphore_mem>> -> memref<1x!tpu.dma_semaphore, #tpu.memory_space<semaphore_mem>>
        %dma_start3A_422 = tpu.memref_squeeze %dma_start3A_421 : memref<1x!tpu.dma_semaphore, #tpu.memory_space<semaphore_mem>> -> memref<!tpu.dma_semaphore, #tpu.memory_space<semaphore_mem>>
        tpu.enqueue_indirect_dma source(%dma_start3A_420 : memref<10000x64xf32, #tpu.memory_space<hbm>>) target(%dma_start3A_414 : memref<125x64xf32, #tpu.memory_space<vmem>>) offsets(%dma_start3A_417 : memref<125xi32, #tpu.memory_space<vmem>>) semaphore(%dma_start3A_422 : memref<!tpu.dma_semaphore, #tpu.memory_space<semaphore_mem>>)
      } else {
      }
    }
    %scan3A_278 = arith.constant 80 : i32
    %rem3A_279 = arith.constant 76 : i32
    %rem3A_280 = arith.constant 4 : i32
    %rem3A_281 = arith.remsi %rem3A_279, %rem3A_280 : i32
    %dma_wait3A = arith.constant 76 : i32
    %dma_wait3A_282 = arith.constant 0 : i32
    %dma_wait3A_283 = arith.constant 0 : i32
    %dma_wait3A_284 = tpu.memref_slice %arg8[%rem3A_281, %dma_wait3A_282, %dma_wait3A_283] : memref<4x125x64xf32, #tpu.memory_space<vmem>> -> memref<1x125x64xf32, #tpu.memory_space<vmem>>
    %dma_wait3A_285 = tpu.memref_squeeze %dma_wait3A_284 : memref<1x125x64xf32, #tpu.memory_space<vmem>> -> memref<125x64xf32, #tpu.memory_space<vmem>>
    %dma_wait3A_286 = arith.constant 0 : i32
    %dma_wait3A_287 = tpu.memref_slice %arg7[%dma_wait3A, %dma_wait3A_286] : memref<80x125xi32, #tpu.memory_space<vmem>> -> memref<1x125xi32, #tpu.memory_space<vmem>>
    %dma_wait3A_288 = tpu.memref_squeeze %dma_wait3A_287 : memref<1x125xi32, #tpu.memory_space<vmem>> -> memref<125xi32, #tpu.memory_space<vmem>>
    %dma_wait3A_289 = arith.constant 0 : i32
    %dma_wait3A_290 = arith.constant 0 : i32
    %dma_wait3A_291 = tpu.memref_slice %arg10[%dma_wait3A_289, %dma_wait3A_290] : memref<10000x64xf32, #tpu.memory_space<vmem_shared>> -> memref<10000x64xf32, #tpu.memory_space<vmem_shared>>
    %dma_wait3A_292 = tpu.memref_slice %arg12[%rem3A_281] : memref<4x!tpu.dma_semaphore, #tpu.memory_space<semaphore_mem>> -> memref<1x!tpu.dma_semaphore, #tpu.memory_space<semaphore_mem>>
    %dma_wait3A_293 = tpu.memref_squeeze %dma_wait3A_292 : memref<1x!tpu.dma_semaphore, #tpu.memory_space<semaphore_mem>> -> memref<!tpu.dma_semaphore, #tpu.memory_space<semaphore_mem>>
    tpu.wait_indirect_dma semaphore(%dma_wait3A_293 : memref<!tpu.dma_semaphore, #tpu.memory_space<semaphore_mem>>) src(%dma_wait3A_285 : memref<125x64xf32, #tpu.memory_space<vmem>>) dst(%dma_wait3A_291 : memref<10000x64xf32, #tpu.memory_space<vmem_shared>>)
    %rem3A_294 = arith.constant 77 : i32
    %rem3A_295 = arith.constant 4 : i32
    %rem3A_296 = arith.remsi %rem3A_294, %rem3A_295 : i32
    %dma_wait3A_297 = arith.constant 77 : i32
    %dma_wait3A_298 = arith.constant 0 : i32
    %dma_wait3A_299 = arith.constant 0 : i32
    %dma_wait3A_300 = tpu.memref_slice %arg8[%rem3A_296, %dma_wait3A_298, %dma_wait3A_299] : memref<4x125x64xf32, #tpu.memory_space<vmem>> -> memref<1x125x64xf32, #tpu.memory_space<vmem>>
    %dma_wait3A_301 = tpu.memref_squeeze %dma_wait3A_300 : memref<1x125x64xf32, #tpu.memory_space<vmem>> -> memref<125x64xf32, #tpu.memory_space<vmem>>
    %dma_wait3A_302 = arith.constant 0 : i32
    %dma_wait3A_303 = tpu.memref_slice %arg7[%dma_wait3A_297, %dma_wait3A_302] : memref<80x125xi32, #tpu.memory_space<vmem>> -> memref<1x125xi32, #tpu.memory_space<vmem>>
    %dma_wait3A_304 = tpu.memref_squeeze %dma_wait3A_303 : memref<1x125xi32, #tpu.memory_space<vmem>> -> memref<125xi32, #tpu.memory_space<vmem>>
    %dma_wait3A_305 = arith.constant 0 : i32
    %dma_wait3A_306 = arith.constant 0 : i32
    %dma_wait3A_307 = tpu.memref_slice %arg10[%dma_wait3A_305, %dma_wait3A_306] : memref<10000x64xf32, #tpu.memory_space<vmem_shared>> -> memref<10000x64xf32, #tpu.memory_space<vmem_shared>>
    %dma_wait3A_308 = tpu.memref_slice %arg12[%rem3A_296] : memref<4x!tpu.dma_semaphore, #tpu.memory_space<semaphore_mem>> -> memref<1x!tpu.dma_semaphore, #tpu.memory_space<semaphore_mem>>
    %dma_wait3A_309 = tpu.memref_squeeze %dma_wait3A_308 : memref<1x!tpu.dma_semaphore, #tpu.memory_space<semaphore_mem>> -> memref<!tpu.dma_semaphore, #tpu.memory_space<semaphore_mem>>
    tpu.wait_indirect_dma semaphore(%dma_wait3A_309 : memref<!tpu.dma_semaphore, #tpu.memory_space<semaphore_mem>>) src(%dma_wait3A_301 : memref<125x64xf32, #tpu.memory_space<vmem>>) dst(%dma_wait3A_307 : memref<10000x64xf32, #tpu.memory_space<vmem_shared>>)
    %rem3A_310 = arith.constant 78 : i32
    %rem3A_311 = arith.constant 4 : i32
    %rem3A_312 = arith.remsi %rem3A_310, %rem3A_311 : i32
    %dma_wait3A_313 = arith.constant 78 : i32
    %dma_wait3A_314 = arith.constant 0 : i32
    %dma_wait3A_315 = arith.constant 0 : i32
    %dma_wait3A_316 = tpu.memref_slice %arg8[%rem3A_312, %dma_wait3A_314, %dma_wait3A_315] : memref<4x125x64xf32, #tpu.memory_space<vmem>> -> memref<1x125x64xf32, #tpu.memory_space<vmem>>
    %dma_wait3A_317 = tpu.memref_squeeze %dma_wait3A_316 : memref<1x125x64xf32, #tpu.memory_space<vmem>> -> memref<125x64xf32, #tpu.memory_space<vmem>>
    %dma_wait3A_318 = arith.constant 0 : i32
    %dma_wait3A_319 = tpu.memref_slice %arg7[%dma_wait3A_313, %dma_wait3A_318] : memref<80x125xi32, #tpu.memory_space<vmem>> -> memref<1x125xi32, #tpu.memory_space<vmem>>
    %dma_wait3A_320 = tpu.memref_squeeze %dma_wait3A_319 : memref<1x125xi32, #tpu.memory_space<vmem>> -> memref<125xi32, #tpu.memory_space<vmem>>
    %dma_wait3A_321 = arith.constant 0 : i32
    %dma_wait3A_322 = arith.constant 0 : i32
    %dma_wait3A_323 = tpu.memref_slice %arg10[%dma_wait3A_321, %dma_wait3A_322] : memref<10000x64xf32, #tpu.memory_space<vmem_shared>> -> memref<10000x64xf32, #tpu.memory_space<vmem_shared>>
    %dma_wait3A_324 = tpu.memref_slice %arg12[%rem3A_312] : memref<4x!tpu.dma_semaphore, #tpu.memory_space<semaphore_mem>> -> memref<1x!tpu.dma_semaphore, #tpu.memory_space<semaphore_mem>>
    %dma_wait3A_325 = tpu.memref_squeeze %dma_wait3A_324 : memref<1x!tpu.dma_semaphore, #tpu.memory_space<semaphore_mem>> -> memref<!tpu.dma_semaphore, #tpu.memory_space<semaphore_mem>>
    tpu.wait_indirect_dma semaphore(%dma_wait3A_325 : memref<!tpu.dma_semaphore, #tpu.memory_space<semaphore_mem>>) src(%dma_wait3A_317 : memref<125x64xf32, #tpu.memory_space<vmem>>) dst(%dma_wait3A_323 : memref<10000x64xf32, #tpu.memory_space<vmem_shared>>)
    %rem3A_326 = arith.constant 79 : i32
    %rem3A_327 = arith.constant 4 : i32
    %rem3A_328 = arith.remsi %rem3A_326, %rem3A_327 : i32
    %dma_wait3A_329 = arith.constant 79 : i32
    %dma_wait3A_330 = arith.constant 0 : i32
    %dma_wait3A_331 = arith.constant 0 : i32
    %dma_wait3A_332 = tpu.memref_slice %arg8[%rem3A_328, %dma_wait3A_330, %dma_wait3A_331] : memref<4x125x64xf32, #tpu.memory_space<vmem>> -> memref<1x125x64xf32, #tpu.memory_space<vmem>>
    %dma_wait3A_333 = tpu.memref_squeeze %dma_wait3A_332 : memref<1x125x64xf32, #tpu.memory_space<vmem>> -> memref<125x64xf32, #tpu.memory_space<vmem>>
    %dma_wait3A_334 = arith.constant 0 : i32
    %dma_wait3A_335 = tpu.memref_slice %arg7[%dma_wait3A_329, %dma_wait3A_334] : memref<80x125xi32, #tpu.memory_space<vmem>> -> memref<1x125xi32, #tpu.memory_space<vmem>>
    %dma_wait3A_336 = tpu.memref_squeeze %dma_wait3A_335 : memref<1x125xi32, #tpu.memory_space<vmem>> -> memref<125xi32, #tpu.memory_space<vmem>>
    %dma_wait3A_337 = arith.constant 0 : i32
    %dma_wait3A_338 = arith.constant 0 : i32
    %dma_wait3A_339 = tpu.memref_slice %arg10[%dma_wait3A_337, %dma_wait3A_338] : memref<10000x64xf32, #tpu.memory_space<vmem_shared>> -> memref<10000x64xf32, #tpu.memory_space<vmem_shared>>
    %dma_wait3A_340 = tpu.memref_slice %arg12[%rem3A_328] : memref<4x!tpu.dma_semaphore, #tpu.memory_space<semaphore_mem>> -> memref<1x!tpu.dma_semaphore, #tpu.memory_space<semaphore_mem>>
    %dma_wait3A_341 = tpu.memref_squeeze %dma_wait3A_340 : memref<1x!tpu.dma_semaphore, #tpu.memory_space<semaphore_mem>> -> memref<!tpu.dma_semaphore, #tpu.memory_space<semaphore_mem>>
    tpu.wait_indirect_dma semaphore(%dma_wait3A_341 : memref<!tpu.dma_semaphore, #tpu.memory_space<semaphore_mem>>) src(%dma_wait3A_333 : memref<125x64xf32, #tpu.memory_space<vmem>>) dst(%dma_wait3A_339 : memref<10000x64xf32, #tpu.memory_space<vmem_shared>>)
    %barrier3A_342 = arith.constant 0 : index
    tpu.barrier barrier_id(%barrier3A_342)
    %lt3A = arith.constant 15 : i32
    %lt3A_343 = arith.cmpi slt, %arg1, %lt3A : i32
    %convert_element_type3A = arith.extui %lt3A_343 : i1 to i32
    %cond3A = arith.constant 0 : i32
    %cond3A_344 = arith.cmpi ne, %convert_element_type3A, %cond3A : i32
    scf.if %cond3A_344 {
      "tpu.region"() ({
        %run_scoped3A = tpu.sem_alloc : memref<!tpu.dma_semaphore, #tpu.memory_space<semaphore_mem>>
        %dma_start3A_350 = arith.constant 0 : i32
        %dma_start3A_351 = tpu.memref_slice %arg5[%arg0, %multiple_of3A_197, %dma_start3A_350] : memref<2x10000x128xf32, #tpu.memory_space<hbm>> -> memref<1x632x64xf32, #tpu.memory_space<hbm>>
        %dma_start3A_352 = tpu.memref_squeeze %dma_start3A_351 : memref<1x632x64xf32, #tpu.memory_space<hbm>> -> memref<632x64xf32, #tpu.memory_space<hbm>>
        %dma_start3A_353 = arith.constant 0 : i32
        %dma_start3A_354 = tpu.memref_slice %arg10[%multiple_of3A_197, %dma_start3A_353] : memref<10000x64xf32, #tpu.memory_space<vmem_shared>> -> memref<632x64xf32, #tpu.memory_space<vmem_shared>>
        tpu.enqueue_dma source(%dma_start3A_354 : memref<632x64xf32, #tpu.memory_space<vmem_shared>>) target(%dma_start3A_352 : memref<632x64xf32, #tpu.memory_space<hbm>>) target_semaphore(%run_scoped3A : memref<!tpu.dma_semaphore, #tpu.memory_space<semaphore_mem>>)
        %dma_wait3A_355 = arith.constant 0 : i32
        %dma_wait3A_356 = tpu.memref_slice %arg5[%arg0, %multiple_of3A_197, %dma_wait3A_355] : memref<2x10000x128xf32, #tpu.memory_space<hbm>> -> memref<1x632x64xf32, #tpu.memory_space<hbm>>
        %dma_wait3A_357 = tpu.memref_squeeze %dma_wait3A_356 : memref<1x632x64xf32, #tpu.memory_space<hbm>> -> memref<632x64xf32, #tpu.memory_space<hbm>>
        %dma_wait3A_358 = arith.constant 0 : i32
        %dma_wait3A_359 = tpu.memref_slice %arg10[%multiple_of3A_197, %dma_wait3A_358] : memref<10000x64xf32, #tpu.memory_space<vmem_shared>> -> memref<632x64xf32, #tpu.memory_space<vmem_shared>>
        tpu.wait_dma2 semaphore(%run_scoped3A : memref<!tpu.dma_semaphore, #tpu.memory_space<semaphore_mem>>) src(%dma_wait3A_359 : memref<632x64xf32, #tpu.memory_space<vmem_shared>>) dst(%dma_wait3A_357 : memref<632x64xf32, #tpu.memory_space<hbm>>)
        tpu.yield
      }) : () -> ()
    } else {
    }
    %eq3A_345 = arith.constant 15 : i32
    %eq3A_346 = arith.cmpi eq, %arg1, %eq3A_345 : i32
    %convert_element_type3A_347 = arith.extui %eq3A_346 : i1 to i32
    %cond3A_348 = arith.constant 0 : i32
    %cond3A_349 = arith.cmpi ne, %convert_element_type3A_347, %cond3A_348 : i32
    scf.if %cond3A_349 {
      "tpu.region"() ({
        %run_scoped3A = tpu.sem_alloc : memref<!tpu.dma_semaphore, #tpu.memory_space<semaphore_mem>>
        %dma_start3A_350 = arith.constant 9480 : i32
        %dma_start3A_351 = arith.constant 0 : i32
        %dma_start3A_352 = tpu.memref_slice %arg5[%arg0, %dma_start3A_350, %dma_start3A_351] : memref<2x10000x128xf32, #tpu.memory_space<hbm>> -> memref<1x520x64xf32, #tpu.memory_space<hbm>>
        %dma_start3A_353 = tpu.memref_squeeze %dma_start3A_352 : memref<1x520x64xf32, #tpu.memory_space<hbm>> -> memref<520x64xf32, #tpu.memory_space<hbm>>
        %dma_start3A_354 = arith.constant 9480 : i32
        %dma_start3A_355 = arith.constant 0 : i32
        %dma_start3A_356 = tpu.memref_slice %arg10[%dma_start3A_354, %dma_start3A_355] : memref<10000x64xf32, #tpu.memory_space<vmem_shared>> -> memref<520x64xf32, #tpu.memory_space<vmem_shared>>
        tpu.enqueue_dma source(%dma_start3A_356 : memref<520x64xf32, #tpu.memory_space<vmem_shared>>) target(%dma_start3A_353 : memref<520x64xf32, #tpu.memory_space<hbm>>) target_semaphore(%run_scoped3A : memref<!tpu.dma_semaphore, #tpu.memory_space<semaphore_mem>>)
        %dma_wait3A_357 = arith.constant 9480 : i32
        %dma_wait3A_358 = arith.constant 0 : i32
        %dma_wait3A_359 = tpu.memref_slice %arg5[%arg0, %dma_wait3A_357, %dma_wait3A_358] : memref<2x10000x128xf32, #tpu.memory_space<hbm>> -> memref<1x520x64xf32, #tpu.memory_space<hbm>>
        %dma_wait3A_360 = tpu.memref_squeeze %dma_wait3A_359 : memref<1x520x64xf32, #tpu.memory_space<hbm>> -> memref<520x64xf32, #tpu.memory_space<hbm>>
        %dma_wait3A_361 = arith.constant 9480 : i32
        %dma_wait3A_362 = arith.constant 0 : i32
        %dma_wait3A_363 = tpu.memref_slice %arg10[%dma_wait3A_361, %dma_wait3A_362] : memref<10000x64xf32, #tpu.memory_space<vmem_shared>> -> memref<520x64xf32, #tpu.memory_space<vmem_shared>>
        tpu.wait_dma2 semaphore(%run_scoped3A : memref<!tpu.dma_semaphore, #tpu.memory_space<semaphore_mem>>) src(%dma_wait3A_363 : memref<520x64xf32, #tpu.memory_space<vmem_shared>>) dst(%dma_wait3A_360 : memref<520x64xf32, #tpu.memory_space<hbm>>)
        tpu.yield
      }) : () -> ()
    } else {
    }
    return
  }
}

#map = affine_map<(d0, d1) -> (0, 0)>
#map1 = affine_map<(d0, d1) -> (0, 0, 0)>
module attributes {stable_mosaic.version = 14 : i64} {
  func.func @_seg_body(%arg0: i32, %arg1: i32, %arg2: memref<10000x64xf32, #tpu.memory_space<hbm>>, %arg3: memref<2560x125xi32, #tpu.memory_space<hbm>>, %arg4: memref<2560x125xi32, #tpu.memory_space<hbm>>, %arg5: memref<2x10000x128xf32, #tpu.memory_space<hbm>>, %arg6: memref<80x125xi32, #tpu.memory_space<vmem>>, %arg7: memref<80x125xi32, #tpu.memory_space<vmem>>, %arg8: memref<4x125x64xf32, #tpu.memory_space<vmem>>, %arg9: memref<8x64xf32, #tpu.memory_space<vmem>>, %arg10: memref<10000x64xf32, #tpu.memory_space<vmem_shared>>, %arg11: memref<4x!tpu.dma_semaphore, #tpu.memory_space<semaphore_mem>>, %arg12: memref<4x!tpu.dma_semaphore, #tpu.memory_space<semaphore_mem>>) attributes {dimension_semantics = [#tpu.dimension_semantics<core_parallel>, #tpu.dimension_semantics<subcore_parallel>], iteration_bounds = array<i64: 2, 16>, scalar_prefetch = 0 : i64, scratch_operands = 7 : i64, tpu.core_type = #tpu.core_type<sc_vector_subcore>, window_params = [{transform_indices = #map}, {transform_indices = #map}, {transform_indices = #map}, {transform_indices = #map1}]} {
    %mul3A = arith.constant 16 : i32
    %mul3A_0 = arith.muli %arg0, %mul3A : i32
    %add3A = arith.addi %mul3A_0, %arg1 : i32
    %mul3A_1 = arith.constant 80 : i32
    %mul3A_2 = arith.muli %add3A, %mul3A_1 : i32
    %multiple_of3A = tpu.assume_multiple %mul3A_2, 8 : i32
    "tpu.region"() ({
      %run_scoped3A = tpu.sem_alloc : memref<!tpu.dma_semaphore, #tpu.memory_space<semaphore_mem>>
      %dma_start3A_350 = arith.constant 0 : i32
      %dma_start3A_351 = tpu.memref_slice %arg3[%multiple_of3A, %dma_start3A_350] : memref<2560x125xi32, #tpu.memory_space<hbm>> -> memref<80x125xi32, #tpu.memory_space<hbm>>
      %dma_start3A_352 = arith.constant 0 : i32
      %dma_start3A_353 = tpu.memref_slice %arg3[%multiple_of3A, %dma_start3A_352] : memref<2560x125xi32, #tpu.memory_space<hbm>> -> memref<80x125xi32, #tpu.memory_space<hbm>>
      tpu.enqueue_dma source(%dma_start3A_353 : memref<80x125xi32, #tpu.memory_space<hbm>>) target(%arg6 : memref<80x125xi32, #tpu.memory_space<vmem>>) target_semaphore(%run_scoped3A : memref<!tpu.dma_semaphore, #tpu.memory_space<semaphore_mem>>)
      %dma_wait3A_354 = arith.constant 0 : i32
      %dma_wait3A_355 = tpu.memref_slice %arg3[%multiple_of3A, %dma_wait3A_354] : memref<2560x125xi32, #tpu.memory_space<hbm>> -> memref<80x125xi32, #tpu.memory_space<hbm>>
      %dma_wait3A_356 = arith.constant 0 : i32
      %dma_wait3A_357 = tpu.memref_slice %arg3[%multiple_of3A, %dma_wait3A_356] : memref<2560x125xi32, #tpu.memory_space<hbm>> -> memref<80x125xi32, #tpu.memory_space<hbm>>
      tpu.wait_dma2 semaphore(%run_scoped3A : memref<!tpu.dma_semaphore, #tpu.memory_space<semaphore_mem>>) src(%dma_wait3A_357 : memref<80x125xi32, #tpu.memory_space<hbm>>) dst(%arg6 : memref<80x125xi32, #tpu.memory_space<vmem>>)
      tpu.yield
    }) : () -> ()
    "tpu.region"() ({
      %run_scoped3A = tpu.sem_alloc : memref<!tpu.dma_semaphore, #tpu.memory_space<semaphore_mem>>
      %dma_start3A_350 = arith.constant 0 : i32
      %dma_start3A_351 = tpu.memref_slice %arg4[%multiple_of3A, %dma_start3A_350] : memref<2560x125xi32, #tpu.memory_space<hbm>> -> memref<80x125xi32, #tpu.memory_space<hbm>>
      %dma_start3A_352 = arith.constant 0 : i32
      %dma_start3A_353 = tpu.memref_slice %arg4[%multiple_of3A, %dma_start3A_352] : memref<2560x125xi32, #tpu.memory_space<hbm>> -> memref<80x125xi32, #tpu.memory_space<hbm>>
      tpu.enqueue_dma source(%dma_start3A_353 : memref<80x125xi32, #tpu.memory_space<hbm>>) target(%arg7 : memref<80x125xi32, #tpu.memory_space<vmem>>) target_semaphore(%run_scoped3A : memref<!tpu.dma_semaphore, #tpu.memory_space<semaphore_mem>>)
      %dma_wait3A_354 = arith.constant 0 : i32
      %dma_wait3A_355 = tpu.memref_slice %arg4[%multiple_of3A, %dma_wait3A_354] : memref<2560x125xi32, #tpu.memory_space<hbm>> -> memref<80x125xi32, #tpu.memory_space<hbm>>
      %dma_wait3A_356 = arith.constant 0 : i32
      %dma_wait3A_357 = tpu.memref_slice %arg4[%multiple_of3A, %dma_wait3A_356] : memref<2560x125xi32, #tpu.memory_space<hbm>> -> memref<80x125xi32, #tpu.memory_space<hbm>>
      tpu.wait_dma2 semaphore(%run_scoped3A : memref<!tpu.dma_semaphore, #tpu.memory_space<semaphore_mem>>) src(%dma_wait3A_357 : memref<80x125xi32, #tpu.memory_space<hbm>>) dst(%arg7 : memref<80x125xi32, #tpu.memory_space<vmem>>)
      tpu.yield
    }) : () -> ()
    %broadcast_in_dim3A = arith.constant 0.000000e+00 : f32
    %broadcast_in_dim3A_3 = vector.broadcast %broadcast_in_dim3A : f32 to vector<16xf32>
    %swap3A = arith.constant 0 : i32
    %swap3A_4 = arith.index_cast %swap3A : i32 to index
    %swap3A_5 = arith.constant 0 : index
    %swap3A_6 = tpu.vector_load %arg9[%swap3A_4, %swap3A_5] {strides = array<i32>} : memref<8x64xf32, #tpu.memory_space<vmem>>, vector<1x16xf32>,
    %swap3A_7 = vector.shape_cast %swap3A_6 : vector<1x16xf32> to vector<16xf32>
    %swap3A_8 = vector.shape_cast %broadcast_in_dim3A_3 : vector<16xf32> to vector<1x16xf32>
    tpu.vector_store %arg9[%swap3A_4, %swap3A_5], %swap3A_8 {strides = array<i32>} : memref<8x64xf32, #tpu.memory_space<vmem>>, vector<1x16xf32>,
    %swap3A_9 = arith.constant 0 : i32
    %swap3A_10 = arith.index_cast %swap3A_9 : i32 to index
    %swap3A_11 = arith.constant 16 : index
    %swap3A_12 = tpu.vector_load %arg9[%swap3A_10, %swap3A_11] {strides = array<i32>} : memref<8x64xf32, #tpu.memory_space<vmem>>, vector<1x16xf32>,
    %swap3A_13 = vector.shape_cast %swap3A_12 : vector<1x16xf32> to vector<16xf32>
    %swap3A_14 = vector.shape_cast %broadcast_in_dim3A_3 : vector<16xf32> to vector<1x16xf32>
    tpu.vector_store %arg9[%swap3A_10, %swap3A_11], %swap3A_14 {strides = array<i32>} : memref<8x64xf32, #tpu.memory_space<vmem>>, vector<1x16xf32>,
    %swap3A_15 = arith.constant 0 : i32
    %swap3A_16 = arith.index_cast %swap3A_15 : i32 to index
    %swap3A_17 = arith.constant 32 : index
    %swap3A_18 = tpu.vector_load %arg9[%swap3A_16, %swap3A_17] {strides = array<i32>} : memref<8x64xf32, #tpu.memory_space<vmem>>, vector<1x16xf32>,
    %swap3A_19 = vector.shape_cast %swap3A_18 : vector<1x16xf32> to vector<16xf32>
    %swap3A_20 = vector.shape_cast %broadcast_in_dim3A_3 : vector<16xf32> to vector<1x16xf32>
    tpu.vector_store %arg9[%swap3A_16, %swap3A_17], %swap3A_20 {strides = array<i32>} : memref<8x64xf32, #tpu.memory_space<vmem>>, vector<1x16xf32>,
    %swap3A_21 = arith.constant 0 : i32
    %swap3A_22 = arith.index_cast %swap3A_21 : i32 to index
    %swap3A_23 = arith.constant 48 : index
    %swap3A_24 = tpu.vector_load %arg9[%swap3A_22, %swap3A_23] {strides = array<i32>} : memref<8x64xf32, #tpu.memory_space<vmem>>, vector<1x16xf32>,
    %swap3A_25 = vector.shape_cast %swap3A_24 : vector<1x16xf32> to vector<16xf32>
    %swap3A_26 = vector.shape_cast %broadcast_in_dim3A_3 : vector<16xf32> to vector<1x16xf32>
    tpu.vector_store %arg9[%swap3A_22, %swap3A_23], %swap3A_26 {strides = array<i32>} : memref<8x64xf32, #tpu.memory_space<vmem>>, vector<1x16xf32>,
    %swap3A_27 = arith.constant 1 : i32
    %swap3A_28 = arith.index_cast %swap3A_27 : i32 to index
    %swap3A_29 = arith.constant 0 : index
    %swap3A_30 = tpu.vector_load %arg9[%swap3A_28, %swap3A_29] {strides = array<i32>} : memref<8x64xf32, #tpu.memory_space<vmem>>, vector<1x16xf32>,
    %swap3A_31 = vector.shape_cast %swap3A_30 : vector<1x16xf32> to vector<16xf32>
    %swap3A_32 = vector.shape_cast %broadcast_in_dim3A_3 : vector<16xf32> to vector<1x16xf32>
    tpu.vector_store %arg9[%swap3A_28, %swap3A_29], %swap3A_32 {strides = array<i32>} : memref<8x64xf32, #tpu.memory_space<vmem>>, vector<1x16xf32>,
    %swap3A_33 = arith.constant 1 : i32
    %swap3A_34 = arith.index_cast %swap3A_33 : i32 to index
    %swap3A_35 = arith.constant 16 : index
    %swap3A_36 = tpu.vector_load %arg9[%swap3A_34, %swap3A_35] {strides = array<i32>} : memref<8x64xf32, #tpu.memory_space<vmem>>, vector<1x16xf32>,
    %swap3A_37 = vector.shape_cast %swap3A_36 : vector<1x16xf32> to vector<16xf32>
    %swap3A_38 = vector.shape_cast %broadcast_in_dim3A_3 : vector<16xf32> to vector<1x16xf32>
    tpu.vector_store %arg9[%swap3A_34, %swap3A_35], %swap3A_38 {strides = array<i32>} : memref<8x64xf32, #tpu.memory_space<vmem>>, vector<1x16xf32>,
    %swap3A_39 = arith.constant 1 : i32
    %swap3A_40 = arith.index_cast %swap3A_39 : i32 to index
    %swap3A_41 = arith.constant 32 : index
    %swap3A_42 = tpu.vector_load %arg9[%swap3A_40, %swap3A_41] {strides = array<i32>} : memref<8x64xf32, #tpu.memory_space<vmem>>, vector<1x16xf32>,
    %swap3A_43 = vector.shape_cast %swap3A_42 : vector<1x16xf32> to vector<16xf32>
    %swap3A_44 = vector.shape_cast %broadcast_in_dim3A_3 : vector<16xf32> to vector<1x16xf32>
    tpu.vector_store %arg9[%swap3A_40, %swap3A_41], %swap3A_44 {strides = array<i32>} : memref<8x64xf32, #tpu.memory_space<vmem>>, vector<1x16xf32>,
    %swap3A_45 = arith.constant 1 : i32
    %swap3A_46 = arith.index_cast %swap3A_45 : i32 to index
    %swap3A_47 = arith.constant 48 : index
    %swap3A_48 = tpu.vector_load %arg9[%swap3A_46, %swap3A_47] {strides = array<i32>} : memref<8x64xf32, #tpu.memory_space<vmem>>, vector<1x16xf32>,
    %swap3A_49 = vector.shape_cast %swap3A_48 : vector<1x16xf32> to vector<16xf32>
    %swap3A_50 = vector.shape_cast %broadcast_in_dim3A_3 : vector<16xf32> to vector<1x16xf32>
    tpu.vector_store %arg9[%swap3A_46, %swap3A_47], %swap3A_50 {strides = array<i32>} : memref<8x64xf32, #tpu.memory_space<vmem>>, vector<1x16xf32>,
    %swap3A_51 = arith.constant 2 : i32
    %swap3A_52 = arith.index_cast %swap3A_51 : i32 to index
    %swap3A_53 = arith.constant 0 : index
    %swap3A_54 = tpu.vector_load %arg9[%swap3A_52, %swap3A_53] {strides = array<i32>} : memref<8x64xf32, #tpu.memory_space<vmem>>, vector<1x16xf32>,
    %swap3A_55 = vector.shape_cast %swap3A_54 : vector<1x16xf32> to vector<16xf32>
    %swap3A_56 = vector.shape_cast %broadcast_in_dim3A_3 : vector<16xf32> to vector<1x16xf32>
    tpu.vector_store %arg9[%swap3A_52, %swap3A_53], %swap3A_56 {strides = array<i32>} : memref<8x64xf32, #tpu.memory_space<vmem>>, vector<1x16xf32>,
    %swap3A_57 = arith.constant 2 : i32
    %swap3A_58 = arith.index_cast %swap3A_57 : i32 to index
    %swap3A_59 = arith.constant 16 : index
    %swap3A_60 = tpu.vector_load %arg9[%swap3A_58, %swap3A_59] {strides = array<i32>} : memref<8x64xf32, #tpu.memory_space<vmem>>, vector<1x16xf32>,
    %swap3A_61 = vector.shape_cast %swap3A_60 : vector<1x16xf32> to vector<16xf32>
    %swap3A_62 = vector.shape_cast %broadcast_in_dim3A_3 : vector<16xf32> to vector<1x16xf32>
    tpu.vector_store %arg9[%swap3A_58, %swap3A_59], %swap3A_62 {strides = array<i32>} : memref<8x64xf32, #tpu.memory_space<vmem>>, vector<1x16xf32>,
    %swap3A_63 = arith.constant 2 : i32
    %swap3A_64 = arith.index_cast %swap3A_63 : i32 to index
    %swap3A_65 = arith.constant 32 : index
    %swap3A_66 = tpu.vector_load %arg9[%swap3A_64, %swap3A_65] {strides = array<i32>} : memref<8x64xf32, #tpu.memory_space<vmem>>, vector<1x16xf32>,
    %swap3A_67 = vector.shape_cast %swap3A_66 : vector<1x16xf32> to vector<16xf32>
    %swap3A_68 = vector.shape_cast %broadcast_in_dim3A_3 : vector<16xf32> to vector<1x16xf32>
    tpu.vector_store %arg9[%swap3A_64, %swap3A_65], %swap3A_68 {strides = array<i32>} : memref<8x64xf32, #tpu.memory_space<vmem>>, vector<1x16xf32>,
    %swap3A_69 = arith.constant 2 : i32
    %swap3A_70 = arith.index_cast %swap3A_69 : i32 to index
    %swap3A_71 = arith.constant 48 : index
    %swap3A_72 = tpu.vector_load %arg9[%swap3A_70, %swap3A_71] {strides = array<i32>} : memref<8x64xf32, #tpu.memory_space<vmem>>, vector<1x16xf32>,
    %swap3A_73 = vector.shape_cast %swap3A_72 : vector<1x16xf32> to vector<16xf32>
    %swap3A_74 = vector.shape_cast %broadcast_in_dim3A_3 : vector<16xf32> to vector<1x16xf32>
    tpu.vector_store %arg9[%swap3A_70, %swap3A_71], %swap3A_74 {strides = array<i32>} : memref<8x64xf32, #tpu.memory_space<vmem>>, vector<1x16xf32>,
    %swap3A_75 = arith.constant 3 : i32
    %swap3A_76 = arith.index_cast %swap3A_75 : i32 to index
    %swap3A_77 = arith.constant 0 : index
    %swap3A_78 = tpu.vector_load %arg9[%swap3A_76, %swap3A_77] {strides = array<i32>} : memref<8x64xf32, #tpu.memory_space<vmem>>, vector<1x16xf32>,
    %swap3A_79 = vector.shape_cast %swap3A_78 : vector<1x16xf32> to vector<16xf32>
    %swap3A_80 = vector.shape_cast %broadcast_in_dim3A_3 : vector<16xf32> to vector<1x16xf32>
    tpu.vector_store %arg9[%swap3A_76, %swap3A_77], %swap3A_80 {strides = array<i32>} : memref<8x64xf32, #tpu.memory_space<vmem>>, vector<1x16xf32>,
    %swap3A_81 = arith.constant 3 : i32
    %swap3A_82 = arith.index_cast %swap3A_81 : i32 to index
    %swap3A_83 = arith.constant 16 : index
    %swap3A_84 = tpu.vector_load %arg9[%swap3A_82, %swap3A_83] {strides = array<i32>} : memref<8x64xf32, #tpu.memory_space<vmem>>, vector<1x16xf32>,
    %swap3A_85 = vector.shape_cast %swap3A_84 : vector<1x16xf32> to vector<16xf32>
    %swap3A_86 = vector.shape_cast %broadcast_in_dim3A_3 : vector<16xf32> to vector<1x16xf32>
    tpu.vector_store %arg9[%swap3A_82, %swap3A_83], %swap3A_86 {strides = array<i32>} : memref<8x64xf32, #tpu.memory_space<vmem>>, vector<1x16xf32>,
    %swap3A_87 = arith.constant 3 : i32
    %swap3A_88 = arith.index_cast %swap3A_87 : i32 to index
    %swap3A_89 = arith.constant 32 : index
    %swap3A_90 = tpu.vector_load %arg9[%swap3A_88, %swap3A_89] {strides = array<i32>} : memref<8x64xf32, #tpu.memory_space<vmem>>, vector<1x16xf32>,
    %swap3A_91 = vector.shape_cast %swap3A_90 : vector<1x16xf32> to vector<16xf32>
    %swap3A_92 = vector.shape_cast %broadcast_in_dim3A_3 : vector<16xf32> to vector<1x16xf32>
    tpu.vector_store %arg9[%swap3A_88, %swap3A_89], %swap3A_92 {strides = array<i32>} : memref<8x64xf32, #tpu.memory_space<vmem>>, vector<1x16xf32>,
    %swap3A_93 = arith.constant 3 : i32
    %swap3A_94 = arith.index_cast %swap3A_93 : i32 to index
    %swap3A_95 = arith.constant 48 : index
    %swap3A_96 = tpu.vector_load %arg9[%swap3A_94, %swap3A_95] {strides = array<i32>} : memref<8x64xf32, #tpu.memory_space<vmem>>, vector<1x16xf32>,
    %swap3A_97 = vector.shape_cast %swap3A_96 : vector<1x16xf32> to vector<16xf32>
    %swap3A_98 = vector.shape_cast %broadcast_in_dim3A_3 : vector<16xf32> to vector<1x16xf32>
    tpu.vector_store %arg9[%swap3A_94, %swap3A_95], %swap3A_98 {strides = array<i32>} : memref<8x64xf32, #tpu.memory_space<vmem>>, vector<1x16xf32>,
    %swap3A_99 = arith.constant 4 : i32
    %swap3A_100 = arith.index_cast %swap3A_99 : i32 to index
    %swap3A_101 = arith.constant 0 : index
    %swap3A_102 = tpu.vector_load %arg9[%swap3A_100, %swap3A_101] {strides = array<i32>} : memref<8x64xf32, #tpu.memory_space<vmem>>, vector<1x16xf32>,
    %swap3A_103 = vector.shape_cast %swap3A_102 : vector<1x16xf32> to vector<16xf32>
    %swap3A_104 = vector.shape_cast %broadcast_in_dim3A_3 : vector<16xf32> to vector<1x16xf32>
    tpu.vector_store %arg9[%swap3A_100, %swap3A_101], %swap3A_104 {strides = array<i32>} : memref<8x64xf32, #tpu.memory_space<vmem>>, vector<1x16xf32>,
    %swap3A_105 = arith.constant 4 : i32
    %swap3A_106 = arith.index_cast %swap3A_105 : i32 to index
    %swap3A_107 = arith.constant 16 : index
    %swap3A_108 = tpu.vector_load %arg9[%swap3A_106, %swap3A_107] {strides = array<i32>} : memref<8x64xf32, #tpu.memory_space<vmem>>, vector<1x16xf32>,
    %swap3A_109 = vector.shape_cast %swap3A_108 : vector<1x16xf32> to vector<16xf32>
    %swap3A_110 = vector.shape_cast %broadcast_in_dim3A_3 : vector<16xf32> to vector<1x16xf32>
    tpu.vector_store %arg9[%swap3A_106, %swap3A_107], %swap3A_110 {strides = array<i32>} : memref<8x64xf32, #tpu.memory_space<vmem>>, vector<1x16xf32>,
    %swap3A_111 = arith.constant 4 : i32
    %swap3A_112 = arith.index_cast %swap3A_111 : i32 to index
    %swap3A_113 = arith.constant 32 : index
    %swap3A_114 = tpu.vector_load %arg9[%swap3A_112, %swap3A_113] {strides = array<i32>} : memref<8x64xf32, #tpu.memory_space<vmem>>, vector<1x16xf32>,
    %swap3A_115 = vector.shape_cast %swap3A_114 : vector<1x16xf32> to vector<16xf32>
    %swap3A_116 = vector.shape_cast %broadcast_in_dim3A_3 : vector<16xf32> to vector<1x16xf32>
    tpu.vector_store %arg9[%swap3A_112, %swap3A_113], %swap3A_116 {strides = array<i32>} : memref<8x64xf32, #tpu.memory_space<vmem>>, vector<1x16xf32>,
    %swap3A_117 = arith.constant 4 : i32
    %swap3A_118 = arith.index_cast %swap3A_117 : i32 to index
    %swap3A_119 = arith.constant 48 : index
    %swap3A_120 = tpu.vector_load %arg9[%swap3A_118, %swap3A_119] {strides = array<i32>} : memref<8x64xf32, #tpu.memory_space<vmem>>, vector<1x16xf32>,
    %swap3A_121 = vector.shape_cast %swap3A_120 : vector<1x16xf32> to vector<16xf32>
    %swap3A_122 = vector.shape_cast %broadcast_in_dim3A_3 : vector<16xf32> to vector<1x16xf32>
    tpu.vector_store %arg9[%swap3A_118, %swap3A_119], %swap3A_122 {strides = array<i32>} : memref<8x64xf32, #tpu.memory_space<vmem>>, vector<1x16xf32>,
    %swap3A_123 = arith.constant 5 : i32
    %swap3A_124 = arith.index_cast %swap3A_123 : i32 to index
    %swap3A_125 = arith.constant 0 : index
    %swap3A_126 = tpu.vector_load %arg9[%swap3A_124, %swap3A_125] {strides = array<i32>} : memref<8x64xf32, #tpu.memory_space<vmem>>, vector<1x16xf32>,
    %swap3A_127 = vector.shape_cast %swap3A_126 : vector<1x16xf32> to vector<16xf32>
    %swap3A_128 = vector.shape_cast %broadcast_in_dim3A_3 : vector<16xf32> to vector<1x16xf32>
    tpu.vector_store %arg9[%swap3A_124, %swap3A_125], %swap3A_128 {strides = array<i32>} : memref<8x64xf32, #tpu.memory_space<vmem>>, vector<1x16xf32>,
    %swap3A_129 = arith.constant 5 : i32
    %swap3A_130 = arith.index_cast %swap3A_129 : i32 to index
    %swap3A_131 = arith.constant 16 : index
    %swap3A_132 = tpu.vector_load %arg9[%swap3A_130, %swap3A_131] {strides = array<i32>} : memref<8x64xf32, #tpu.memory_space<vmem>>, vector<1x16xf32>,
    %swap3A_133 = vector.shape_cast %swap3A_132 : vector<1x16xf32> to vector<16xf32>
    %swap3A_134 = vector.shape_cast %broadcast_in_dim3A_3 : vector<16xf32> to vector<1x16xf32>
    tpu.vector_store %arg9[%swap3A_130, %swap3A_131], %swap3A_134 {strides = array<i32>} : memref<8x64xf32, #tpu.memory_space<vmem>>, vector<1x16xf32>,
    %swap3A_135 = arith.constant 5 : i32
    %swap3A_136 = arith.index_cast %swap3A_135 : i32 to index
    %swap3A_137 = arith.constant 32 : index
    %swap3A_138 = tpu.vector_load %arg9[%swap3A_136, %swap3A_137] {strides = array<i32>} : memref<8x64xf32, #tpu.memory_space<vmem>>, vector<1x16xf32>,
    %swap3A_139 = vector.shape_cast %swap3A_138 : vector<1x16xf32> to vector<16xf32>
    %swap3A_140 = vector.shape_cast %broadcast_in_dim3A_3 : vector<16xf32> to vector<1x16xf32>
    tpu.vector_store %arg9[%swap3A_136, %swap3A_137], %swap3A_140 {strides = array<i32>} : memref<8x64xf32, #tpu.memory_space<vmem>>, vector<1x16xf32>,
    %swap3A_141 = arith.constant 5 : i32
    %swap3A_142 = arith.index_cast %swap3A_141 : i32 to index
    %swap3A_143 = arith.constant 48 : index
    %swap3A_144 = tpu.vector_load %arg9[%swap3A_142, %swap3A_143] {strides = array<i32>} : memref<8x64xf32, #tpu.memory_space<vmem>>, vector<1x16xf32>,
    %swap3A_145 = vector.shape_cast %swap3A_144 : vector<1x16xf32> to vector<16xf32>
    %swap3A_146 = vector.shape_cast %broadcast_in_dim3A_3 : vector<16xf32> to vector<1x16xf32>
    tpu.vector_store %arg9[%swap3A_142, %swap3A_143], %swap3A_146 {strides = array<i32>} : memref<8x64xf32, #tpu.memory_space<vmem>>, vector<1x16xf32>,
    %swap3A_147 = arith.constant 6 : i32
    %swap3A_148 = arith.index_cast %swap3A_147 : i32 to index
    %swap3A_149 = arith.constant 0 : index
    %swap3A_150 = tpu.vector_load %arg9[%swap3A_148, %swap3A_149] {strides = array<i32>} : memref<8x64xf32, #tpu.memory_space<vmem>>, vector<1x16xf32>,
    %swap3A_151 = vector.shape_cast %swap3A_150 : vector<1x16xf32> to vector<16xf32>
    %swap3A_152 = vector.shape_cast %broadcast_in_dim3A_3 : vector<16xf32> to vector<1x16xf32>
    tpu.vector_store %arg9[%swap3A_148, %swap3A_149], %swap3A_152 {strides = array<i32>} : memref<8x64xf32, #tpu.memory_space<vmem>>, vector<1x16xf32>,
    %swap3A_153 = arith.constant 6 : i32
    %swap3A_154 = arith.index_cast %swap3A_153 : i32 to index
    %swap3A_155 = arith.constant 16 : index
    %swap3A_156 = tpu.vector_load %arg9[%swap3A_154, %swap3A_155] {strides = array<i32>} : memref<8x64xf32, #tpu.memory_space<vmem>>, vector<1x16xf32>,
    %swap3A_157 = vector.shape_cast %swap3A_156 : vector<1x16xf32> to vector<16xf32>
    %swap3A_158 = vector.shape_cast %broadcast_in_dim3A_3 : vector<16xf32> to vector<1x16xf32>
    tpu.vector_store %arg9[%swap3A_154, %swap3A_155], %swap3A_158 {strides = array<i32>} : memref<8x64xf32, #tpu.memory_space<vmem>>, vector<1x16xf32>,
    %swap3A_159 = arith.constant 6 : i32
    %swap3A_160 = arith.index_cast %swap3A_159 : i32 to index
    %swap3A_161 = arith.constant 32 : index
    %swap3A_162 = tpu.vector_load %arg9[%swap3A_160, %swap3A_161] {strides = array<i32>} : memref<8x64xf32, #tpu.memory_space<vmem>>, vector<1x16xf32>,
    %swap3A_163 = vector.shape_cast %swap3A_162 : vector<1x16xf32> to vector<16xf32>
    %swap3A_164 = vector.shape_cast %broadcast_in_dim3A_3 : vector<16xf32> to vector<1x16xf32>
    tpu.vector_store %arg9[%swap3A_160, %swap3A_161], %swap3A_164 {strides = array<i32>} : memref<8x64xf32, #tpu.memory_space<vmem>>, vector<1x16xf32>,
    %swap3A_165 = arith.constant 6 : i32
    %swap3A_166 = arith.index_cast %swap3A_165 : i32 to index
    %swap3A_167 = arith.constant 48 : index
    %swap3A_168 = tpu.vector_load %arg9[%swap3A_166, %swap3A_167] {strides = array<i32>} : memref<8x64xf32, #tpu.memory_space<vmem>>, vector<1x16xf32>,
    %swap3A_169 = vector.shape_cast %swap3A_168 : vector<1x16xf32> to vector<16xf32>
    %swap3A_170 = vector.shape_cast %broadcast_in_dim3A_3 : vector<16xf32> to vector<1x16xf32>
    tpu.vector_store %arg9[%swap3A_166, %swap3A_167], %swap3A_170 {strides = array<i32>} : memref<8x64xf32, #tpu.memory_space<vmem>>, vector<1x16xf32>,
    %swap3A_171 = arith.constant 7 : i32
    %swap3A_172 = arith.index_cast %swap3A_171 : i32 to index
    %swap3A_173 = arith.constant 0 : index
    %swap3A_174 = tpu.vector_load %arg9[%swap3A_172, %swap3A_173] {strides = array<i32>} : memref<8x64xf32, #tpu.memory_space<vmem>>, vector<1x16xf32>,
    %swap3A_175 = vector.shape_cast %swap3A_174 : vector<1x16xf32> to vector<16xf32>
    %swap3A_176 = vector.shape_cast %broadcast_in_dim3A_3 : vector<16xf32> to vector<1x16xf32>
    tpu.vector_store %arg9[%swap3A_172, %swap3A_173], %swap3A_176 {strides = array<i32>} : memref<8x64xf32, #tpu.memory_space<vmem>>, vector<1x16xf32>,
    %swap3A_177 = arith.constant 7 : i32
    %swap3A_178 = arith.index_cast %swap3A_177 : i32 to index
    %swap3A_179 = arith.constant 16 : index
    %swap3A_180 = tpu.vector_load %arg9[%swap3A_178, %swap3A_179] {strides = array<i32>} : memref<8x64xf32, #tpu.memory_space<vmem>>, vector<1x16xf32>,
    %swap3A_181 = vector.shape_cast %swap3A_180 : vector<1x16xf32> to vector<16xf32>
    %swap3A_182 = vector.shape_cast %broadcast_in_dim3A_3 : vector<16xf32> to vector<1x16xf32>
    tpu.vector_store %arg9[%swap3A_178, %swap3A_179], %swap3A_182 {strides = array<i32>} : memref<8x64xf32, #tpu.memory_space<vmem>>, vector<1x16xf32>,
    %swap3A_183 = arith.constant 7 : i32
    %swap3A_184 = arith.index_cast %swap3A_183 : i32 to index
    %swap3A_185 = arith.constant 32 : index
    %swap3A_186 = tpu.vector_load %arg9[%swap3A_184, %swap3A_185] {strides = array<i32>} : memref<8x64xf32, #tpu.memory_space<vmem>>, vector<1x16xf32>,
    %swap3A_187 = vector.shape_cast %swap3A_186 : vector<1x16xf32> to vector<16xf32>
    %swap3A_188 = vector.shape_cast %broadcast_in_dim3A_3 : vector<16xf32> to vector<1x16xf32>
    tpu.vector_store %arg9[%swap3A_184, %swap3A_185], %swap3A_188 {strides = array<i32>} : memref<8x64xf32, #tpu.memory_space<vmem>>, vector<1x16xf32>,
    %swap3A_189 = arith.constant 7 : i32
    %swap3A_190 = arith.index_cast %swap3A_189 : i32 to index
    %swap3A_191 = arith.constant 48 : index
    %swap3A_192 = tpu.vector_load %arg9[%swap3A_190, %swap3A_191] {strides = array<i32>} : memref<8x64xf32, #tpu.memory_space<vmem>>, vector<1x16xf32>,
    %swap3A_193 = vector.shape_cast %swap3A_192 : vector<1x16xf32> to vector<16xf32>
    %swap3A_194 = vector.shape_cast %broadcast_in_dim3A_3 : vector<16xf32> to vector<1x16xf32>
    tpu.vector_store %arg9[%swap3A_190, %swap3A_191], %swap3A_194 {strides = array<i32>} : memref<8x64xf32, #tpu.memory_space<vmem>>, vector<1x16xf32>,
    %mul3A_195 = arith.constant 632 : i32
    %mul3A_196 = arith.muli %arg1, %mul3A_195 : i32
    %multiple_of3A_197 = tpu.assume_multiple %mul3A_196, 8 : i32
    %eq3A = arith.constant 15 : i32
    %eq3A_198 = arith.cmpi eq, %arg1, %eq3A : i32
    %jit3A = arith.constant 520 : i32
    %jit3A_199 = arith.constant 632 : i32
    %select_n3A = arith.select %eq3A_198, %jit3A, %jit3A_199 : i32
    %jit3A_200 = arith.constant 8 : i32
    %div3A = arith.divsi %select_n3A, %jit3A_200 : i32
    %sign3A = arith.constant 0 : i32
    %sign3A_201 = arith.cmpi sgt, %select_n3A, %sign3A : i32
    %sign3A_202 = arith.extui %sign3A_201 : i1 to i32
    %sign3A_203 = arith.constant 0 : i32
    %sign3A_204 = arith.cmpi slt, %select_n3A, %sign3A_203 : i32
    %sign3A_205 = arith.extui %sign3A_204 : i1 to i32
    %sign3A_206 = arith.subi %sign3A_202, %sign3A_205 : i32
    %sign3A_207 = arith.constant 0 : i32
    %sign3A_208 = arith.cmpi sgt, %jit3A_200, %sign3A_207 : i32
    %sign3A_209 = arith.extui %sign3A_208 : i1 to i32
    %sign3A_210 = arith.constant 0 : i32
    %sign3A_211 = arith.cmpi slt, %jit3A_200, %sign3A_210 : i32
    %sign3A_212 = arith.extui %sign3A_211 : i1 to i32
    %sign3A_213 = arith.subi %sign3A_209, %sign3A_212 : i32
    %ne3A = arith.cmpi ne, %sign3A_206, %sign3A_213 : i32
    %rem3A = arith.remsi %select_n3A, %jit3A_200 : i32
    %ne3A_214 = arith.constant 0 : i32
    %ne3A_215 = arith.cmpi ne, %rem3A, %ne3A_214 : i32
    %and3A = arith.andi %ne3A, %ne3A_215 : i1
    %sub3A = arith.constant 1 : i32
    %sub3A_216 = arith.subi %div3A, %sub3A : i32
    %select_n3A_217 = arith.select %and3A, %sub3A_216, %div3A : i32
    %while3A = arith.constant 0 : i32
    %while3A_218 = arith.constant 0 : i32
    %while3A_219 = arith.subi %select_n3A_217, %while3A_218 : i32
    %while3A_220 = arith.addi %while3A_218, %while3A_219 : i32
    %while3A_221 = arith.constant 1 : i32
    %while3A_222 = arith.divsi %while3A_219, %while3A_221 : i32
    %while3A_223 = arith.muli %while3A_222, %while3A_221 : i32
    %while3A_224 = arith.addi %while3A_218, %while3A_223 : i32
    %while3A_225 = arith.constant 1 : i32
    scf.for %while3A_350 = %while3A_218 to %while3A_224 step %while3A_225  : i32 {
      %mul3A_351 = arith.constant 8 : i32
      %mul3A_352 = arith.muli %while3A_350, %mul3A_351 : i32
      %add3A_353 = arith.addi %multiple_of3A_197, %mul3A_352 : i32
      %multiple_of3A_354 = tpu.assume_multiple %add3A_353, 8 : i32
      "tpu.region"() ({
        %run_scoped3A = tpu.sem_alloc : memref<!tpu.dma_semaphore, #tpu.memory_space<semaphore_mem>>
        %dma_start3A_355 = arith.constant 0 : i32
        %dma_start3A_356 = tpu.memref_slice %arg10[%multiple_of3A_354, %dma_start3A_355] : memref<10000x64xf32, #tpu.memory_space<vmem_shared>> -> memref<8x64xf32, #tpu.memory_space<vmem_shared>>
        %dma_start3A_357 = arith.constant 0 : i32
        %dma_start3A_358 = tpu.memref_slice %arg10[%multiple_of3A_354, %dma_start3A_357] : memref<10000x64xf32, #tpu.memory_space<vmem_shared>> -> memref<8x64xf32, #tpu.memory_space<vmem_shared>>
        tpu.enqueue_dma source(%arg9 : memref<8x64xf32, #tpu.memory_space<vmem>>) target(%dma_start3A_358 : memref<8x64xf32, #tpu.memory_space<vmem_shared>>) target_semaphore(%run_scoped3A : memref<!tpu.dma_semaphore, #tpu.memory_space<semaphore_mem>>)
        %dma_wait3A_359 = arith.constant 0 : i32
        %dma_wait3A_360 = tpu.memref_slice %arg10[%multiple_of3A_354, %dma_wait3A_359] : memref<10000x64xf32, #tpu.memory_space<vmem_shared>> -> memref<8x64xf32, #tpu.memory_space<vmem_shared>>
        %dma_wait3A_361 = arith.constant 0 : i32
        %dma_wait3A_362 = tpu.memref_slice %arg10[%multiple_of3A_354, %dma_wait3A_361] : memref<10000x64xf32, #tpu.memory_space<vmem_shared>> -> memref<8x64xf32, #tpu.memory_space<vmem_shared>>
        tpu.wait_dma2 semaphore(%run_scoped3A : memref<!tpu.dma_semaphore, #tpu.memory_space<semaphore_mem>>) src(%arg9 : memref<8x64xf32, #tpu.memory_space<vmem>>) dst(%dma_wait3A_362 : memref<8x64xf32, #tpu.memory_space<vmem_shared>>)
        tpu.yield
      }) : () -> ()
    }
    %while3A_226 = arith.constant 1 : i32
    scf.for %while3A_350 = %while3A_224 to %while3A_220 step %while3A_226  : i32 {
      %mul3A_351 = arith.constant 8 : i32
      %mul3A_352 = arith.muli %while3A_350, %mul3A_351 : i32
      %add3A_353 = arith.addi %multiple_of3A_197, %mul3A_352 : i32
      %multiple_of3A_354 = tpu.assume_multiple %add3A_353, 8 : i32
      "tpu.region"() ({
        %run_scoped3A = tpu.sem_alloc : memref<!tpu.dma_semaphore, #tpu.memory_space<semaphore_mem>>
        %dma_start3A_355 = arith.constant 0 : i32
        %dma_start3A_356 = tpu.memref_slice %arg10[%multiple_of3A_354, %dma_start3A_355] : memref<10000x64xf32, #tpu.memory_space<vmem_shared>> -> memref<8x64xf32, #tpu.memory_space<vmem_shared>>
        %dma_start3A_357 = arith.constant 0 : i32
        %dma_start3A_358 = tpu.memref_slice %arg10[%multiple_of3A_354, %dma_start3A_357] : memref<10000x64xf32, #tpu.memory_space<vmem_shared>> -> memref<8x64xf32, #tpu.memory_space<vmem_shared>>
        tpu.enqueue_dma source(%arg9 : memref<8x64xf32, #tpu.memory_space<vmem>>) target(%dma_start3A_358 : memref<8x64xf32, #tpu.memory_space<vmem_shared>>) target_semaphore(%run_scoped3A : memref<!tpu.dma_semaphore, #tpu.memory_space<semaphore_mem>>)
        %dma_wait3A_359 = arith.constant 0 : i32
        %dma_wait3A_360 = tpu.memref_slice %arg10[%multiple_of3A_354, %dma_wait3A_359] : memref<10000x64xf32, #tpu.memory_space<vmem_shared>> -> memref<8x64xf32, #tpu.memory_space<vmem_shared>>
        %dma_wait3A_361 = arith.constant 0 : i32
        %dma_wait3A_362 = tpu.memref_slice %arg10[%multiple_of3A_354, %dma_wait3A_361] : memref<10000x64xf32, #tpu.memory_space<vmem_shared>> -> memref<8x64xf32, #tpu.memory_space<vmem_shared>>
        tpu.wait_dma2 semaphore(%run_scoped3A : memref<!tpu.dma_semaphore, #tpu.memory_space<semaphore_mem>>) src(%arg9 : memref<8x64xf32, #tpu.memory_space<vmem>>) dst(%dma_wait3A_362 : memref<8x64xf32, #tpu.memory_space<vmem_shared>>)
        tpu.yield
      }) : () -> ()
    }
    %barrier3A = arith.constant 0 : index
    tpu.barrier barrier_id(%barrier3A)
    %rem3A_227 = arith.constant 0 : i32
    %rem3A_228 = arith.constant 4 : i32
    %rem3A_229 = arith.remsi %rem3A_227, %rem3A_228 : i32
    %dma_start3A = arith.constant 0 : i32
    %dma_start3A_230 = arith.constant 0 : i32
    %dma_start3A_231 = arith.constant 0 : i32
    %dma_start3A_232 = tpu.memref_slice %arg8[%rem3A_229, %dma_start3A_230, %dma_start3A_231] : memref<4x125x64xf32, #tpu.memory_space<vmem>> -> memref<1x125x64xf32, #tpu.memory_space<vmem>>
    %dma_start3A_233 = tpu.memref_squeeze %dma_start3A_232 : memref<1x125x64xf32, #tpu.memory_space<vmem>> -> memref<125x64xf32, #tpu.memory_space<vmem>>
    %dma_start3A_234 = arith.constant 0 : i32
    %dma_start3A_235 = tpu.memref_slice %arg6[%dma_start3A, %dma_start3A_234] : memref<80x125xi32, #tpu.memory_space<vmem>> -> memref<1x125xi32, #tpu.memory_space<vmem>>
    %dma_start3A_236 = tpu.memref_squeeze %dma_start3A_235 : memref<1x125xi32, #tpu.memory_space<vmem>> -> memref<125xi32, #tpu.memory_space<vmem>>
    %dma_start3A_237 = arith.constant 0 : i32
    %dma_start3A_238 = arith.constant 0 : i32
    %dma_start3A_239 = tpu.memref_slice %arg2[%dma_start3A_237, %dma_start3A_238] : memref<10000x64xf32, #tpu.memory_space<hbm>> -> memref<10000x64xf32, #tpu.memory_space<hbm>>
    %dma_start3A_240 = tpu.memref_slice %arg11[%rem3A_229] : memref<4x!tpu.dma_semaphore, #tpu.memory_space<semaphore_mem>> -> memref<1x!tpu.dma_semaphore, #tpu.memory_space<semaphore_mem>>
    %dma_start3A_241 = tpu.memref_squeeze %dma_start3A_240 : memref<1x!tpu.dma_semaphore, #tpu.memory_space<semaphore_mem>> -> memref<!tpu.dma_semaphore, #tpu.memory_space<semaphore_mem>>
    tpu.enqueue_indirect_dma source(%dma_start3A_239 : memref<10000x64xf32, #tpu.memory_space<hbm>>) target(%dma_start3A_233 : memref<125x64xf32, #tpu.memory_space<vmem>>) offsets(%dma_start3A_236 : memref<125xi32, #tpu.memory_space<vmem>>) semaphore(%dma_start3A_241 : memref<!tpu.dma_semaphore, #tpu.memory_space<semaphore_mem>>)
    %rem3A_242 = arith.constant 1 : i32
    %rem3A_243 = arith.constant 4 : i32
    %rem3A_244 = arith.remsi %rem3A_242, %rem3A_243 : i32
    %dma_start3A_245 = arith.constant 1 : i32
    %dma_start3A_246 = arith.constant 0 : i32
    %dma_start3A_247 = arith.constant 0 : i32
    %dma_start3A_248 = tpu.memref_slice %arg8[%rem3A_244, %dma_start3A_246, %dma_start3A_247] : memref<4x125x64xf32, #tpu.memory_space<vmem>> -> memref<1x125x64xf32, #tpu.memory_space<vmem>>
    %dma_start3A_249 = tpu.memref_squeeze %dma_start3A_248 : memref<1x125x64xf32, #tpu.memory_space<vmem>> -> memref<125x64xf32, #tpu.memory_space<vmem>>
    %dma_start3A_250 = arith.constant 0 : i32
    %dma_start3A_251 = tpu.memref_slice %arg6[%dma_start3A_245, %dma_start3A_250] : memref<80x125xi32, #tpu.memory_space<vmem>> -> memref<1x125xi32, #tpu.memory_space<vmem>>
    %dma_start3A_252 = tpu.memref_squeeze %dma_start3A_251 : memref<1x125xi32, #tpu.memory_space<vmem>> -> memref<125xi32, #tpu.memory_space<vmem>>
    %dma_start3A_253 = arith.constant 0 : i32
    %dma_start3A_254 = arith.constant 0 : i32
    %dma_start3A_255 = tpu.memref_slice %arg2[%dma_start3A_253, %dma_start3A_254] : memref<10000x64xf32, #tpu.memory_space<hbm>> -> memref<10000x64xf32, #tpu.memory_space<hbm>>
    %dma_start3A_256 = tpu.memref_slice %arg11[%rem3A_244] : memref<4x!tpu.dma_semaphore, #tpu.memory_space<semaphore_mem>> -> memref<1x!tpu.dma_semaphore, #tpu.memory_space<semaphore_mem>>
    %dma_start3A_257 = tpu.memref_squeeze %dma_start3A_256 : memref<1x!tpu.dma_semaphore, #tpu.memory_space<semaphore_mem>> -> memref<!tpu.dma_semaphore, #tpu.memory_space<semaphore_mem>>
    tpu.enqueue_indirect_dma source(%dma_start3A_255 : memref<10000x64xf32, #tpu.memory_space<hbm>>) target(%dma_start3A_249 : memref<125x64xf32, #tpu.memory_space<vmem>>) offsets(%dma_start3A_252 : memref<125xi32, #tpu.memory_space<vmem>>) semaphore(%dma_start3A_257 : memref<!tpu.dma_semaphore, #tpu.memory_space<semaphore_mem>>)
    %rem3A_258 = arith.constant 2 : i32
    %rem3A_259 = arith.constant 4 : i32
    %rem3A_260 = arith.remsi %rem3A_258, %rem3A_259 : i32
    %dma_start3A_261 = arith.constant 2 : i32
    %dma_start3A_262 = arith.constant 0 : i32
    %dma_start3A_263 = arith.constant 0 : i32
    %dma_start3A_264 = tpu.memref_slice %arg8[%rem3A_260, %dma_start3A_262, %dma_start3A_263] : memref<4x125x64xf32, #tpu.memory_space<vmem>> -> memref<1x125x64xf32, #tpu.memory_space<vmem>>
    %dma_start3A_265 = tpu.memref_squeeze %dma_start3A_264 : memref<1x125x64xf32, #tpu.memory_space<vmem>> -> memref<125x64xf32, #tpu.memory_space<vmem>>
    %dma_start3A_266 = arith.constant 0 : i32
    %dma_start3A_267 = tpu.memref_slice %arg6[%dma_start3A_261, %dma_start3A_266] : memref<80x125xi32, #tpu.memory_space<vmem>> -> memref<1x125xi32, #tpu.memory_space<vmem>>
    %dma_start3A_268 = tpu.memref_squeeze %dma_start3A_267 : memref<1x125xi32, #tpu.memory_space<vmem>> -> memref<125xi32, #tpu.memory_space<vmem>>
    %dma_start3A_269 = arith.constant 0 : i32
    %dma_start3A_270 = arith.constant 0 : i32
    %dma_start3A_271 = tpu.memref_slice %arg2[%dma_start3A_269, %dma_start3A_270] : memref<10000x64xf32, #tpu.memory_space<hbm>> -> memref<10000x64xf32, #tpu.memory_space<hbm>>
    %dma_start3A_272 = tpu.memref_slice %arg11[%rem3A_260] : memref<4x!tpu.dma_semaphore, #tpu.memory_space<semaphore_mem>> -> memref<1x!tpu.dma_semaphore, #tpu.memory_space<semaphore_mem>>
    %dma_start3A_273 = tpu.memref_squeeze %dma_start3A_272 : memref<1x!tpu.dma_semaphore, #tpu.memory_space<semaphore_mem>> -> memref<!tpu.dma_semaphore, #tpu.memory_space<semaphore_mem>>
    tpu.enqueue_indirect_dma source(%dma_start3A_271 : memref<10000x64xf32, #tpu.memory_space<hbm>>) target(%dma_start3A_265 : memref<125x64xf32, #tpu.memory_space<vmem>>) offsets(%dma_start3A_268 : memref<125xi32, #tpu.memory_space<vmem>>) semaphore(%dma_start3A_273 : memref<!tpu.dma_semaphore, #tpu.memory_space<semaphore_mem>>)
    %scan3A = arith.constant 0 : i32
    %scan3A_274 = arith.constant 0 : i32
    %scan3A_275 = arith.constant 80 : i32
    %scan3A_276 = arith.addi %scan3A_274, %scan3A_275 : i32
    %scan3A_277 = arith.constant 1 : i32
    scf.for %scan3A_350 = %scan3A_274 to %scan3A_276 step %scan3A_277  : i32 {
      %rem3A_351 = arith.constant 4 : i32
      %rem3A_352 = arith.remsi %scan3A_350, %rem3A_351 : i32
      %dma_wait3A_353 = arith.constant 0 : i32
      %dma_wait3A_354 = arith.constant 0 : i32
      %dma_wait3A_355 = tpu.memref_slice %arg8[%rem3A_352, %dma_wait3A_353, %dma_wait3A_354] : memref<4x125x64xf32, #tpu.memory_space<vmem>> -> memref<1x125x64xf32, #tpu.memory_space<vmem>>
      %dma_wait3A_356 = tpu.memref_squeeze %dma_wait3A_355 : memref<1x125x64xf32, #tpu.memory_space<vmem>> -> memref<125x64xf32, #tpu.memory_space<vmem>>
      %dma_wait3A_357 = arith.constant 0 : i32
      %dma_wait3A_358 = tpu.memref_slice %arg6[%scan3A_350, %dma_wait3A_357] : memref<80x125xi32, #tpu.memory_space<vmem>> -> memref<1x125xi32, #tpu.memory_space<vmem>>
      %dma_wait3A_359 = tpu.memref_squeeze %dma_wait3A_358 : memref<1x125xi32, #tpu.memory_space<vmem>> -> memref<125xi32, #tpu.memory_space<vmem>>
      %dma_wait3A_360 = arith.constant 0 : i32
      %dma_wait3A_361 = arith.constant 0 : i32
      %dma_wait3A_362 = tpu.memref_slice %arg2[%dma_wait3A_360, %dma_wait3A_361] : memref<10000x64xf32, #tpu.memory_space<hbm>> -> memref<10000x64xf32, #tpu.memory_space<hbm>>
      %dma_wait3A_363 = tpu.memref_slice %arg11[%rem3A_352] : memref<4x!tpu.dma_semaphore, #tpu.memory_space<semaphore_mem>> -> memref<1x!tpu.dma_semaphore, #tpu.memory_space<semaphore_mem>>
      %dma_wait3A_364 = tpu.memref_squeeze %dma_wait3A_363 : memref<1x!tpu.dma_semaphore, #tpu.memory_space<semaphore_mem>> -> memref<!tpu.dma_semaphore, #tpu.memory_space<semaphore_mem>>
      tpu.wait_indirect_dma semaphore(%dma_wait3A_364 : memref<!tpu.dma_semaphore, #tpu.memory_space<semaphore_mem>>) src(%dma_wait3A_362 : memref<10000x64xf32, #tpu.memory_space<hbm>>) dst(%dma_wait3A_356 : memref<125x64xf32, #tpu.memory_space<vmem>>)
      %dma_start3A_365 = arith.constant 0 : i32
      %dma_start3A_366 = arith.constant 0 : i32
      %dma_start3A_367 = tpu.memref_slice %arg8[%rem3A_352, %dma_start3A_365, %dma_start3A_366] : memref<4x125x64xf32, #tpu.memory_space<vmem>> -> memref<1x125x64xf32, #tpu.memory_space<vmem>>
      %dma_start3A_368 = tpu.memref_squeeze %dma_start3A_367 : memref<1x125x64xf32, #tpu.memory_space<vmem>> -> memref<125x64xf32, #tpu.memory_space<vmem>>
      %dma_start3A_369 = arith.constant 0 : i32
      %dma_start3A_370 = tpu.memref_slice %arg7[%scan3A_350, %dma_start3A_369] : memref<80x125xi32, #tpu.memory_space<vmem>> -> memref<1x125xi32, #tpu.memory_space<vmem>>
      %dma_start3A_371 = tpu.memref_squeeze %dma_start3A_370 : memref<1x125xi32, #tpu.memory_space<vmem>> -> memref<125xi32, #tpu.memory_space<vmem>>
      %dma_start3A_372 = arith.constant 0 : i32
      %dma_start3A_373 = arith.constant 0 : i32
      %dma_start3A_374 = tpu.memref_slice %arg10[%dma_start3A_372, %dma_start3A_373] : memref<10000x64xf32, #tpu.memory_space<vmem_shared>> -> memref<10000x64xf32, #tpu.memory_space<vmem_shared>>
      %dma_start3A_375 = tpu.memref_slice %arg12[%rem3A_352] : memref<4x!tpu.dma_semaphore, #tpu.memory_space<semaphore_mem>> -> memref<1x!tpu.dma_semaphore, #tpu.memory_space<semaphore_mem>>
      %dma_start3A_376 = tpu.memref_squeeze %dma_start3A_375 : memref<1x!tpu.dma_semaphore, #tpu.memory_space<semaphore_mem>> -> memref<!tpu.dma_semaphore, #tpu.memory_space<semaphore_mem>>
      tpu.enqueue_indirect_dma source(%dma_start3A_368 : memref<125x64xf32, #tpu.memory_space<vmem>>) target(%dma_start3A_374 : memref<10000x64xf32, #tpu.memory_space<vmem_shared>>) offsets(%dma_start3A_371 : memref<125xi32, #tpu.memory_space<vmem>>) semaphore(%dma_start3A_376 : memref<!tpu.dma_semaphore, #tpu.memory_space<semaphore_mem>>) {add = true}
      %eq3A_377 = arith.constant 0 : i32
      %eq3A_378 = arith.cmpi eq, %scan3A_350, %eq3A_377 : i32
      %convert_element_type3A_379 = arith.extui %eq3A_378 : i1 to i32
      %cond3A_380 = arith.constant 0 : i32
      %cond3A_381 = arith.cmpi ne, %convert_element_type3A_379, %cond3A_380 : i32
      scf.if %cond3A_381 {
        %rem3A_391 = arith.constant 3 : i32
        %rem3A_392 = arith.constant 4 : i32
        %rem3A_393 = arith.remsi %rem3A_391, %rem3A_392 : i32
        %dma_start3A_394 = arith.constant 3 : i32
        %dma_start3A_395 = arith.constant 0 : i32
        %dma_start3A_396 = arith.constant 0 : i32
        %dma_start3A_397 = tpu.memref_slice %arg8[%rem3A_393, %dma_start3A_395, %dma_start3A_396] : memref<4x125x64xf32, #tpu.memory_space<vmem>> -> memref<1x125x64xf32, #tpu.memory_space<vmem>>
        %dma_start3A_398 = tpu.memref_squeeze %dma_start3A_397 : memref<1x125x64xf32, #tpu.memory_space<vmem>> -> memref<125x64xf32, #tpu.memory_space<vmem>>
        %dma_start3A_399 = arith.constant 0 : i32
        %dma_start3A_400 = tpu.memref_slice %arg6[%dma_start3A_394, %dma_start3A_399] : memref<80x125xi32, #tpu.memory_space<vmem>> -> memref<1x125xi32, #tpu.memory_space<vmem>>
        %dma_start3A_401 = tpu.memref_squeeze %dma_start3A_400 : memref<1x125xi32, #tpu.memory_space<vmem>> -> memref<125xi32, #tpu.memory_space<vmem>>
        %dma_start3A_402 = arith.constant 0 : i32
        %dma_start3A_403 = arith.constant 0 : i32
        %dma_start3A_404 = tpu.memref_slice %arg2[%dma_start3A_402, %dma_start3A_403] : memref<10000x64xf32, #tpu.memory_space<hbm>> -> memref<10000x64xf32, #tpu.memory_space<hbm>>
        %dma_start3A_405 = tpu.memref_slice %arg11[%rem3A_393] : memref<4x!tpu.dma_semaphore, #tpu.memory_space<semaphore_mem>> -> memref<1x!tpu.dma_semaphore, #tpu.memory_space<semaphore_mem>>
        %dma_start3A_406 = tpu.memref_squeeze %dma_start3A_405 : memref<1x!tpu.dma_semaphore, #tpu.memory_space<semaphore_mem>> -> memref<!tpu.dma_semaphore, #tpu.memory_space<semaphore_mem>>
        tpu.enqueue_indirect_dma source(%dma_start3A_404 : memref<10000x64xf32, #tpu.memory_space<hbm>>) target(%dma_start3A_398 : memref<125x64xf32, #tpu.memory_space<vmem>>) offsets(%dma_start3A_401 : memref<125xi32, #tpu.memory_space<vmem>>) semaphore(%dma_start3A_406 : memref<!tpu.dma_semaphore, #tpu.memory_space<semaphore_mem>>)
      } else {
      }
      %ge3A = arith.constant 1 : i32
      %ge3A_382 = arith.cmpi sge, %scan3A_350, %ge3A : i32
      %add3A_383 = arith.constant 3 : i32
      %add3A_384 = arith.addi %scan3A_350, %add3A_383 : i32
      %lt3A_385 = arith.constant 80 : i32
      %lt3A_386 = arith.cmpi slt, %add3A_384, %lt3A_385 : i32
      %and3A_387 = arith.andi %ge3A_382, %lt3A_386 : i1
      %convert_element_type3A_388 = arith.extui %and3A_387 : i1 to i32
      %cond3A_389 = arith.constant 0 : i32
      %cond3A_390 = arith.cmpi ne, %convert_element_type3A_388, %cond3A_389 : i32
      scf.if %cond3A_390 {
        %sub3A_391 = arith.constant 1 : i32
        %sub3A_392 = arith.subi %scan3A_350, %sub3A_391 : i32
        %rem3A_393 = arith.constant 4 : i32
        %rem3A_394 = arith.remsi %sub3A_392, %rem3A_393 : i32
        %dma_wait3A_395 = arith.constant 0 : i32
        %dma_wait3A_396 = arith.constant 0 : i32
        %dma_wait3A_397 = tpu.memref_slice %arg8[%rem3A_394, %dma_wait3A_395, %dma_wait3A_396] : memref<4x125x64xf32, #tpu.memory_space<vmem>> -> memref<1x125x64xf32, #tpu.memory_space<vmem>>
        %dma_wait3A_398 = tpu.memref_squeeze %dma_wait3A_397 : memref<1x125x64xf32, #tpu.memory_space<vmem>> -> memref<125x64xf32, #tpu.memory_space<vmem>>
        %dma_wait3A_399 = arith.constant 0 : i32
        %dma_wait3A_400 = tpu.memref_slice %arg7[%sub3A_392, %dma_wait3A_399] : memref<80x125xi32, #tpu.memory_space<vmem>> -> memref<1x125xi32, #tpu.memory_space<vmem>>
        %dma_wait3A_401 = tpu.memref_squeeze %dma_wait3A_400 : memref<1x125xi32, #tpu.memory_space<vmem>> -> memref<125xi32, #tpu.memory_space<vmem>>
        %dma_wait3A_402 = arith.constant 0 : i32
        %dma_wait3A_403 = arith.constant 0 : i32
        %dma_wait3A_404 = tpu.memref_slice %arg10[%dma_wait3A_402, %dma_wait3A_403] : memref<10000x64xf32, #tpu.memory_space<vmem_shared>> -> memref<10000x64xf32, #tpu.memory_space<vmem_shared>>
        %dma_wait3A_405 = tpu.memref_slice %arg12[%rem3A_394] : memref<4x!tpu.dma_semaphore, #tpu.memory_space<semaphore_mem>> -> memref<1x!tpu.dma_semaphore, #tpu.memory_space<semaphore_mem>>
        %dma_wait3A_406 = tpu.memref_squeeze %dma_wait3A_405 : memref<1x!tpu.dma_semaphore, #tpu.memory_space<semaphore_mem>> -> memref<!tpu.dma_semaphore, #tpu.memory_space<semaphore_mem>>
        tpu.wait_indirect_dma semaphore(%dma_wait3A_406 : memref<!tpu.dma_semaphore, #tpu.memory_space<semaphore_mem>>) src(%dma_wait3A_398 : memref<125x64xf32, #tpu.memory_space<vmem>>) dst(%dma_wait3A_404 : memref<10000x64xf32, #tpu.memory_space<vmem_shared>>)
        %add3A_407 = arith.constant 3 : i32
        %add3A_408 = arith.addi %scan3A_350, %add3A_407 : i32
        %rem3A_409 = arith.constant 4 : i32
        %rem3A_410 = arith.remsi %add3A_408, %rem3A_409 : i32
        %dma_start3A_411 = arith.constant 0 : i32
        %dma_start3A_412 = arith.constant 0 : i32
        %dma_start3A_413 = tpu.memref_slice %arg8[%rem3A_410, %dma_start3A_411, %dma_start3A_412] : memref<4x125x64xf32, #tpu.memory_space<vmem>> -> memref<1x125x64xf32, #tpu.memory_space<vmem>>
        %dma_start3A_414 = tpu.memref_squeeze %dma_start3A_413 : memref<1x125x64xf32, #tpu.memory_space<vmem>> -> memref<125x64xf32, #tpu.memory_space<vmem>>
        %dma_start3A_415 = arith.constant 0 : i32
        %dma_start3A_416 = tpu.memref_slice %arg6[%add3A_408, %dma_start3A_415] : memref<80x125xi32, #tpu.memory_space<vmem>> -> memref<1x125xi32, #tpu.memory_space<vmem>>
        %dma_start3A_417 = tpu.memref_squeeze %dma_start3A_416 : memref<1x125xi32, #tpu.memory_space<vmem>> -> memref<125xi32, #tpu.memory_space<vmem>>
        %dma_start3A_418 = arith.constant 0 : i32
        %dma_start3A_419 = arith.constant 0 : i32
        %dma_start3A_420 = tpu.memref_slice %arg2[%dma_start3A_418, %dma_start3A_419] : memref<10000x64xf32, #tpu.memory_space<hbm>> -> memref<10000x64xf32, #tpu.memory_space<hbm>>
        %dma_start3A_421 = tpu.memref_slice %arg11[%rem3A_410] : memref<4x!tpu.dma_semaphore, #tpu.memory_space<semaphore_mem>> -> memref<1x!tpu.dma_semaphore, #tpu.memory_space<semaphore_mem>>
        %dma_start3A_422 = tpu.memref_squeeze %dma_start3A_421 : memref<1x!tpu.dma_semaphore, #tpu.memory_space<semaphore_mem>> -> memref<!tpu.dma_semaphore, #tpu.memory_space<semaphore_mem>>
        tpu.enqueue_indirect_dma source(%dma_start3A_420 : memref<10000x64xf32, #tpu.memory_space<hbm>>) target(%dma_start3A_414 : memref<125x64xf32, #tpu.memory_space<vmem>>) offsets(%dma_start3A_417 : memref<125xi32, #tpu.memory_space<vmem>>) semaphore(%dma_start3A_422 : memref<!tpu.dma_semaphore, #tpu.memory_space<semaphore_mem>>)
      } else {
      }
    }
    %scan3A_278 = arith.constant 80 : i32
    %rem3A_279 = arith.constant 76 : i32
    %rem3A_280 = arith.constant 4 : i32
    %rem3A_281 = arith.remsi %rem3A_279, %rem3A_280 : i32
    %dma_wait3A = arith.constant 76 : i32
    %dma_wait3A_282 = arith.constant 0 : i32
    %dma_wait3A_283 = arith.constant 0 : i32
    %dma_wait3A_284 = tpu.memref_slice %arg8[%rem3A_281, %dma_wait3A_282, %dma_wait3A_283] : memref<4x125x64xf32, #tpu.memory_space<vmem>> -> memref<1x125x64xf32, #tpu.memory_space<vmem>>
    %dma_wait3A_285 = tpu.memref_squeeze %dma_wait3A_284 : memref<1x125x64xf32, #tpu.memory_space<vmem>> -> memref<125x64xf32, #tpu.memory_space<vmem>>
    %dma_wait3A_286 = arith.constant 0 : i32
    %dma_wait3A_287 = tpu.memref_slice %arg7[%dma_wait3A, %dma_wait3A_286] : memref<80x125xi32, #tpu.memory_space<vmem>> -> memref<1x125xi32, #tpu.memory_space<vmem>>
    %dma_wait3A_288 = tpu.memref_squeeze %dma_wait3A_287 : memref<1x125xi32, #tpu.memory_space<vmem>> -> memref<125xi32, #tpu.memory_space<vmem>>
    %dma_wait3A_289 = arith.constant 0 : i32
    %dma_wait3A_290 = arith.constant 0 : i32
    %dma_wait3A_291 = tpu.memref_slice %arg10[%dma_wait3A_289, %dma_wait3A_290] : memref<10000x64xf32, #tpu.memory_space<vmem_shared>> -> memref<10000x64xf32, #tpu.memory_space<vmem_shared>>
    %dma_wait3A_292 = tpu.memref_slice %arg12[%rem3A_281] : memref<4x!tpu.dma_semaphore, #tpu.memory_space<semaphore_mem>> -> memref<1x!tpu.dma_semaphore, #tpu.memory_space<semaphore_mem>>
    %dma_wait3A_293 = tpu.memref_squeeze %dma_wait3A_292 : memref<1x!tpu.dma_semaphore, #tpu.memory_space<semaphore_mem>> -> memref<!tpu.dma_semaphore, #tpu.memory_space<semaphore_mem>>
    tpu.wait_indirect_dma semaphore(%dma_wait3A_293 : memref<!tpu.dma_semaphore, #tpu.memory_space<semaphore_mem>>) src(%dma_wait3A_285 : memref<125x64xf32, #tpu.memory_space<vmem>>) dst(%dma_wait3A_291 : memref<10000x64xf32, #tpu.memory_space<vmem_shared>>)
    %rem3A_294 = arith.constant 77 : i32
    %rem3A_295 = arith.constant 4 : i32
    %rem3A_296 = arith.remsi %rem3A_294, %rem3A_295 : i32
    %dma_wait3A_297 = arith.constant 77 : i32
    %dma_wait3A_298 = arith.constant 0 : i32
    %dma_wait3A_299 = arith.constant 0 : i32
    %dma_wait3A_300 = tpu.memref_slice %arg8[%rem3A_296, %dma_wait3A_298, %dma_wait3A_299] : memref<4x125x64xf32, #tpu.memory_space<vmem>> -> memref<1x125x64xf32, #tpu.memory_space<vmem>>
    %dma_wait3A_301 = tpu.memref_squeeze %dma_wait3A_300 : memref<1x125x64xf32, #tpu.memory_space<vmem>> -> memref<125x64xf32, #tpu.memory_space<vmem>>
    %dma_wait3A_302 = arith.constant 0 : i32
    %dma_wait3A_303 = tpu.memref_slice %arg7[%dma_wait3A_297, %dma_wait3A_302] : memref<80x125xi32, #tpu.memory_space<vmem>> -> memref<1x125xi32, #tpu.memory_space<vmem>>
    %dma_wait3A_304 = tpu.memref_squeeze %dma_wait3A_303 : memref<1x125xi32, #tpu.memory_space<vmem>> -> memref<125xi32, #tpu.memory_space<vmem>>
    %dma_wait3A_305 = arith.constant 0 : i32
    %dma_wait3A_306 = arith.constant 0 : i32
    %dma_wait3A_307 = tpu.memref_slice %arg10[%dma_wait3A_305, %dma_wait3A_306] : memref<10000x64xf32, #tpu.memory_space<vmem_shared>> -> memref<10000x64xf32, #tpu.memory_space<vmem_shared>>
    %dma_wait3A_308 = tpu.memref_slice %arg12[%rem3A_296] : memref<4x!tpu.dma_semaphore, #tpu.memory_space<semaphore_mem>> -> memref<1x!tpu.dma_semaphore, #tpu.memory_space<semaphore_mem>>
    %dma_wait3A_309 = tpu.memref_squeeze %dma_wait3A_308 : memref<1x!tpu.dma_semaphore, #tpu.memory_space<semaphore_mem>> -> memref<!tpu.dma_semaphore, #tpu.memory_space<semaphore_mem>>
    tpu.wait_indirect_dma semaphore(%dma_wait3A_309 : memref<!tpu.dma_semaphore, #tpu.memory_space<semaphore_mem>>) src(%dma_wait3A_301 : memref<125x64xf32, #tpu.memory_space<vmem>>) dst(%dma_wait3A_307 : memref<10000x64xf32, #tpu.memory_space<vmem_shared>>)
    %rem3A_310 = arith.constant 78 : i32
    %rem3A_311 = arith.constant 4 : i32
    %rem3A_312 = arith.remsi %rem3A_310, %rem3A_311 : i32
    %dma_wait3A_313 = arith.constant 78 : i32
    %dma_wait3A_314 = arith.constant 0 : i32
    %dma_wait3A_315 = arith.constant 0 : i32
    %dma_wait3A_316 = tpu.memref_slice %arg8[%rem3A_312, %dma_wait3A_314, %dma_wait3A_315] : memref<4x125x64xf32, #tpu.memory_space<vmem>> -> memref<1x125x64xf32, #tpu.memory_space<vmem>>
    %dma_wait3A_317 = tpu.memref_squeeze %dma_wait3A_316 : memref<1x125x64xf32, #tpu.memory_space<vmem>> -> memref<125x64xf32, #tpu.memory_space<vmem>>
    %dma_wait3A_318 = arith.constant 0 : i32
    %dma_wait3A_319 = tpu.memref_slice %arg7[%dma_wait3A_313, %dma_wait3A_318] : memref<80x125xi32, #tpu.memory_space<vmem>> -> memref<1x125xi32, #tpu.memory_space<vmem>>
    %dma_wait3A_320 = tpu.memref_squeeze %dma_wait3A_319 : memref<1x125xi32, #tpu.memory_space<vmem>> -> memref<125xi32, #tpu.memory_space<vmem>>
    %dma_wait3A_321 = arith.constant 0 : i32
    %dma_wait3A_322 = arith.constant 0 : i32
    %dma_wait3A_323 = tpu.memref_slice %arg10[%dma_wait3A_321, %dma_wait3A_322] : memref<10000x64xf32, #tpu.memory_space<vmem_shared>> -> memref<10000x64xf32, #tpu.memory_space<vmem_shared>>
    %dma_wait3A_324 = tpu.memref_slice %arg12[%rem3A_312] : memref<4x!tpu.dma_semaphore, #tpu.memory_space<semaphore_mem>> -> memref<1x!tpu.dma_semaphore, #tpu.memory_space<semaphore_mem>>
    %dma_wait3A_325 = tpu.memref_squeeze %dma_wait3A_324 : memref<1x!tpu.dma_semaphore, #tpu.memory_space<semaphore_mem>> -> memref<!tpu.dma_semaphore, #tpu.memory_space<semaphore_mem>>
    tpu.wait_indirect_dma semaphore(%dma_wait3A_325 : memref<!tpu.dma_semaphore, #tpu.memory_space<semaphore_mem>>) src(%dma_wait3A_317 : memref<125x64xf32, #tpu.memory_space<vmem>>) dst(%dma_wait3A_323 : memref<10000x64xf32, #tpu.memory_space<vmem_shared>>)
    %rem3A_326 = arith.constant 79 : i32
    %rem3A_327 = arith.constant 4 : i32
    %rem3A_328 = arith.remsi %rem3A_326, %rem3A_327 : i32
    %dma_wait3A_329 = arith.constant 79 : i32
    %dma_wait3A_330 = arith.constant 0 : i32
    %dma_wait3A_331 = arith.constant 0 : i32
    %dma_wait3A_332 = tpu.memref_slice %arg8[%rem3A_328, %dma_wait3A_330, %dma_wait3A_331] : memref<4x125x64xf32, #tpu.memory_space<vmem>> -> memref<1x125x64xf32, #tpu.memory_space<vmem>>
    %dma_wait3A_333 = tpu.memref_squeeze %dma_wait3A_332 : memref<1x125x64xf32, #tpu.memory_space<vmem>> -> memref<125x64xf32, #tpu.memory_space<vmem>>
    %dma_wait3A_334 = arith.constant 0 : i32
    %dma_wait3A_335 = tpu.memref_slice %arg7[%dma_wait3A_329, %dma_wait3A_334] : memref<80x125xi32, #tpu.memory_space<vmem>> -> memref<1x125xi32, #tpu.memory_space<vmem>>
    %dma_wait3A_336 = tpu.memref_squeeze %dma_wait3A_335 : memref<1x125xi32, #tpu.memory_space<vmem>> -> memref<125xi32, #tpu.memory_space<vmem>>
    %dma_wait3A_337 = arith.constant 0 : i32
    %dma_wait3A_338 = arith.constant 0 : i32
    %dma_wait3A_339 = tpu.memref_slice %arg10[%dma_wait3A_337, %dma_wait3A_338] : memref<10000x64xf32, #tpu.memory_space<vmem_shared>> -> memref<10000x64xf32, #tpu.memory_space<vmem_shared>>
    %dma_wait3A_340 = tpu.memref_slice %arg12[%rem3A_328] : memref<4x!tpu.dma_semaphore, #tpu.memory_space<semaphore_mem>> -> memref<1x!tpu.dma_semaphore, #tpu.memory_space<semaphore_mem>>
    %dma_wait3A_341 = tpu.memref_squeeze %dma_wait3A_340 : memref<1x!tpu.dma_semaphore, #tpu.memory_space<semaphore_mem>> -> memref<!tpu.dma_semaphore, #tpu.memory_space<semaphore_mem>>
    tpu.wait_indirect_dma semaphore(%dma_wait3A_341 : memref<!tpu.dma_semaphore, #tpu.memory_space<semaphore_mem>>) src(%dma_wait3A_333 : memref<125x64xf32, #tpu.memory_space<vmem>>) dst(%dma_wait3A_339 : memref<10000x64xf32, #tpu.memory_space<vmem_shared>>)
    %barrier3A_342 = arith.constant 0 : index
    tpu.barrier barrier_id(%barrier3A_342)
    %lt3A = arith.constant 15 : i32
    %lt3A_343 = arith.cmpi slt, %arg1, %lt3A : i32
    %convert_element_type3A = arith.extui %lt3A_343 : i1 to i32
    %cond3A = arith.constant 0 : i32
    %cond3A_344 = arith.cmpi ne, %convert_element_type3A, %cond3A : i32
    scf.if %cond3A_344 {
      "tpu.region"() ({
        %run_scoped3A = tpu.sem_alloc : memref<!tpu.dma_semaphore, #tpu.memory_space<semaphore_mem>>
        %dma_start3A_350 = arith.constant 0 : i32
        %dma_start3A_351 = tpu.memref_slice %arg5[%arg0, %multiple_of3A_197, %dma_start3A_350] : memref<2x10000x128xf32, #tpu.memory_space<hbm>> -> memref<1x632x64xf32, #tpu.memory_space<hbm>>
        %dma_start3A_352 = tpu.memref_squeeze %dma_start3A_351 : memref<1x632x64xf32, #tpu.memory_space<hbm>> -> memref<632x64xf32, #tpu.memory_space<hbm>>
        %dma_start3A_353 = arith.constant 0 : i32
        %dma_start3A_354 = tpu.memref_slice %arg10[%multiple_of3A_197, %dma_start3A_353] : memref<10000x64xf32, #tpu.memory_space<vmem_shared>> -> memref<632x64xf32, #tpu.memory_space<vmem_shared>>
        tpu.enqueue_dma source(%dma_start3A_354 : memref<632x64xf32, #tpu.memory_space<vmem_shared>>) target(%dma_start3A_352 : memref<632x64xf32, #tpu.memory_space<hbm>>) target_semaphore(%run_scoped3A : memref<!tpu.dma_semaphore, #tpu.memory_space<semaphore_mem>>)
        %dma_wait3A_355 = arith.constant 0 : i32
        %dma_wait3A_356 = tpu.memref_slice %arg5[%arg0, %multiple_of3A_197, %dma_wait3A_355] : memref<2x10000x128xf32, #tpu.memory_space<hbm>> -> memref<1x632x64xf32, #tpu.memory_space<hbm>>
        %dma_wait3A_357 = tpu.memref_squeeze %dma_wait3A_356 : memref<1x632x64xf32, #tpu.memory_space<hbm>> -> memref<632x64xf32, #tpu.memory_space<hbm>>
        %dma_wait3A_358 = arith.constant 0 : i32
        %dma_wait3A_359 = tpu.memref_slice %arg10[%multiple_of3A_197, %dma_wait3A_358] : memref<10000x64xf32, #tpu.memory_space<vmem_shared>> -> memref<632x64xf32, #tpu.memory_space<vmem_shared>>
        tpu.wait_dma2 semaphore(%run_scoped3A : memref<!tpu.dma_semaphore, #tpu.memory_space<semaphore_mem>>) src(%dma_wait3A_359 : memref<632x64xf32, #tpu.memory_space<vmem_shared>>) dst(%dma_wait3A_357 : memref<632x64xf32, #tpu.memory_space<hbm>>)
        tpu.yield
      }) : () -> ()
    } else {
    }
    %eq3A_345 = arith.constant 15 : i32
    %eq3A_346 = arith.cmpi eq, %arg1, %eq3A_345 : i32
    %convert_element_type3A_347 = arith.extui %eq3A_346 : i1 to i32
    %cond3A_348 = arith.constant 0 : i32
    %cond3A_349 = arith.cmpi ne, %convert_element_type3A_347, %cond3A_348 : i32
    scf.if %cond3A_349 {
      "tpu.region"() ({
        %run_scoped3A = tpu.sem_alloc : memref<!tpu.dma_semaphore, #tpu.memory_space<semaphore_mem>>
        %dma_start3A_350 = arith.constant 9480 : i32
        %dma_start3A_351 = arith.constant 0 : i32
        %dma_start3A_352 = tpu.memref_slice %arg5[%arg0, %dma_start3A_350, %dma_start3A_351] : memref<2x10000x128xf32, #tpu.memory_space<hbm>> -> memref<1x520x64xf32, #tpu.memory_space<hbm>>
        %dma_start3A_353 = tpu.memref_squeeze %dma_start3A_352 : memref<1x520x64xf32, #tpu.memory_space<hbm>> -> memref<520x64xf32, #tpu.memory_space<hbm>>
        %dma_start3A_354 = arith.constant 9480 : i32
        %dma_start3A_355 = arith.constant 0 : i32
        %dma_start3A_356 = tpu.memref_slice %arg10[%dma_start3A_354, %dma_start3A_355] : memref<10000x64xf32, #tpu.memory_space<vmem_shared>> -> memref<520x64xf32, #tpu.memory_space<vmem_shared>>
        tpu.enqueue_dma source(%dma_start3A_356 : memref<520x64xf32, #tpu.memory_space<vmem_shared>>) target(%dma_start3A_353 : memref<520x64xf32, #tpu.memory_space<hbm>>) target_semaphore(%run_scoped3A : memref<!tpu.dma_semaphore, #tpu.memory_space<semaphore_mem>>)
        %dma_wait3A_357 = arith.constant 9480 : i32
        %dma_wait3A_358 = arith.constant 0 : i32
        %dma_wait3A_359 = tpu.memref_slice %arg5[%arg0, %dma_wait3A_357, %dma_wait3A_358] : memref<2x10000x128xf32, #tpu.memory_space<hbm>> -> memref<1x520x64xf32, #tpu.memory_space<hbm>>
        %dma_wait3A_360 = tpu.memref_squeeze %dma_wait3A_359 : memref<1x520x64xf32, #tpu.memory_space<hbm>> -> memref<520x64xf32, #tpu.memory_space<hbm>>
        %dma_wait3A_361 = arith.constant 9480 : i32
        %dma_wait3A_362 = arith.constant 0 : i32
        %dma_wait3A_363 = tpu.memref_slice %arg10[%dma_wait3A_361, %dma_wait3A_362] : memref<10000x64xf32, #tpu.memory_space<vmem_shared>> -> memref<520x64xf32, #tpu.memory_space<vmem_shared>>
        tpu.wait_dma2 semaphore(%run_scoped3A : memref<!tpu.dma_semaphore, #tpu.memory_space<semaphore_mem>>) src(%dma_wait3A_363 : memref<520x64xf32, #tpu.memory_space<vmem_shared>>) dst(%dma_wait3A_360 : memref<520x64xf32, #tpu.memory_space<hbm>>)
        tpu.yield
      }) : () -> ()
    } else {
    }
    return
  }
}

module attributes {stable_mosaic.version = 14 : i64} {
  func.func @_encoder_body(%arg0: memref<10000x128xf32, #tpu.memory_space<vmem>>, %arg1: memref<128x64xf32, #tpu.memory_space<vmem>>, %arg2: memref<1x64xf32, #tpu.memory_space<vmem>>, %arg3: memref<10000x64xf32, #tpu.memory_space<vmem>>) attributes {dimension_semantics = [], scalar_prefetch = 0 : i64, scratch_operands = 0 : i64, tpu.core_type = #tpu.core_type<tc>} {
    %get3A = arith.constant 0 : index
    %get3A_0 = arith.constant 0 : index
    %get3A_1 = vector.load %arg0[%get3A, %get3A_0] : memref<10000x128xf32, #tpu.memory_space<vmem>>, vector<10000x128xf32>
    %get3A_2 = arith.constant 0 : index
    %get3A_3 = arith.constant 0 : index
    %get3A_4 = vector.load %arg1[%get3A_2, %get3A_3] : memref<128x64xf32, #tpu.memory_space<vmem>>, vector<128x64xf32>
    %dot_general3A = arith.constant dense<0.000000e+00> : vector<10000x64xf32>
    %dot_general3A_5 = tpu.matmul %get3A_1, %get3A_4, %dot_general3A {dimension_numbers = #tpu.dot_dimension_numbers<[1], [0], [0], [1], [0, 0, 1, 1], [], []>, transpose_lhs_hint = false} : vector<10000x128xf32>, vector<128x64xf32>, vector<10000x64xf32> -> vector<10000x64xf32>
    %get3A_6 = arith.constant 0 : index
    %get3A_7 = arith.constant 0 : index
    %get3A_8 = vector.load %arg2[%get3A_6, %get3A_7] : memref<1x64xf32, #tpu.memory_space<vmem>>, vector<1x64xf32>
    %add3A = vector.broadcast %get3A_8 : vector<1x64xf32> to vector<10000x64xf32>
    %add3A_9 = arith.addf %dot_general3A_5, %add3A : vector<10000x64xf32>
    %swap3A = arith.constant 0 : index
    %swap3A_10 = arith.constant 0 : index
    %swap3A_11 = vector.load %arg3[%swap3A, %swap3A_10] : memref<10000x64xf32, #tpu.memory_space<vmem>>, vector<10000x64xf32>
    tpu.vector_store %arg3[%swap3A, %swap3A_10], %add3A_9 {strides = array<i32>} : memref<10000x64xf32, #tpu.memory_space<vmem>>, vector<10000x64xf32>,
    return
  }
}

module attributes {stable_mosaic.version = 14 : i64} {
  func.func @_layer_body(%arg0: memref<10000x64xf32, #tpu.memory_space<vmem>>, %arg1: memref<2x10000x128xf32, #tpu.memory_space<vmem>>, %arg2: memref<1x3xf32, #tpu.memory_space<vmem>>, %arg3: memref<3x64x64xf32, #tpu.memory_space<vmem>>, %arg4: memref<3x64xf32, #tpu.memory_space<vmem>>, %arg5: memref<3x64x64xf32, #tpu.memory_space<vmem>>, %arg6: memref<3x64xf32, #tpu.memory_space<vmem>>, %arg7: memref<3x64xf32, #tpu.memory_space<vmem>>, %arg8: memref<3x64xf32, #tpu.memory_space<vmem>>, %arg9: memref<10000x64xf32, #tpu.memory_space<vmem>>) attributes {dimension_semantics = [], scalar_prefetch = 0 : i64, scratch_operands = 0 : i64, tpu.core_type = #tpu.core_type<tc>} {
    %get3A = arith.constant 0 : index
    %get3A_0 = arith.constant 0 : index
    %get3A_1 = vector.load %arg0[%get3A, %get3A_0] : memref<10000x64xf32, #tpu.memory_space<vmem>>, vector<10000x64xf32>
    %get3A_2 = arith.constant 0 : index
    %get3A_3 = arith.constant 0 : index
    %get3A_4 = arith.constant 0 : index
    %get3A_5 = vector.load %arg1[%get3A_2, %get3A_3, %get3A_4] : memref<2x10000x128xf32, #tpu.memory_space<vmem>>, vector<1x10000x64xf32>
    %get3A_6 = vector.shape_cast %get3A_5 : vector<1x10000x64xf32> to vector<10000x64xf32>
    %get3A_7 = arith.constant 1 : index
    %get3A_8 = arith.constant 0 : index
    %get3A_9 = arith.constant 0 : index
    %get3A_10 = vector.load %arg1[%get3A_7, %get3A_8, %get3A_9] : memref<2x10000x128xf32, #tpu.memory_space<vmem>>, vector<1x10000x64xf32>
    %get3A_11 = vector.shape_cast %get3A_10 : vector<1x10000x64xf32> to vector<10000x64xf32>
    %add3A = arith.addf %get3A_6, %get3A_11 : vector<10000x64xf32>
    %get3A_12 = arith.constant 0 : index
    %get3A_13 = arith.constant 0 : index
    %get3A_14 = vector.load %arg2[%get3A_12, %get3A_13] : memref<1x3xf32, #tpu.memory_space<vmem>>, vector<1x1xf32>
    %get3A_15 = vector.extract %get3A_14[0, 0] : f32 from vector<1x1xf32>
    %add3A_16 = arith.constant 1.000000e+00 : f32
    %add3A_17 = arith.addf %add3A_16, %get3A_15 : f32
    %mul3A = vector.broadcast %add3A_17 : f32 to vector<10000x64xf32>
    %mul3A_18 = arith.mulf %mul3A, %get3A_1 : vector<10000x64xf32>
    %add3A_19 = arith.addf %mul3A_18, %add3A : vector<10000x64xf32>
    %get3A_20 = arith.constant 0 : index
    %get3A_21 = arith.constant 0 : index
    %get3A_22 = arith.constant 0 : index
    %get3A_23 = vector.load %arg3[%get3A_20, %get3A_21, %get3A_22] : memref<3x64x64xf32, #tpu.memory_space<vmem>>, vector<1x64x64xf32>
    %get3A_24 = vector.shape_cast %get3A_23 : vector<1x64x64xf32> to vector<64x64xf32>
    %dot_general3A = arith.constant dense<0.000000e+00> : vector<10000x64xf32>
    %dot_general3A_25 = tpu.matmul %add3A_19, %get3A_24, %dot_general3A {dimension_numbers = #tpu.dot_dimension_numbers<[1], [0], [0], [1], [0, 0, 1, 1], [], []>, transpose_lhs_hint = false} : vector<10000x64xf32>, vector<64x64xf32>, vector<10000x64xf32> -> vector<10000x64xf32>
    %get3A_26 = arith.constant 0 : index
    %get3A_27 = arith.constant 0 : index
    %get3A_28 = vector.load %arg4[%get3A_26, %get3A_27] : memref<3x64xf32, #tpu.memory_space<vmem>>, vector<1x64xf32>
    %get3A_29 = vector.shape_cast %get3A_28 : vector<1x64xf32> to vector<64xf32>
    %broadcast_in_dim3A = vector.shape_cast %get3A_29 : vector<64xf32> to vector<1x64xf32>
    %add3A_30 = vector.broadcast %broadcast_in_dim3A : vector<1x64xf32> to vector<10000x64xf32>
    %add3A_31 = arith.addf %dot_general3A_25, %add3A_30 : vector<10000x64xf32>
    %max3A = arith.constant 0.000000e+00 : f32
    %max3A_32 = vector.broadcast %max3A : f32 to vector<10000x64xf32>
    %max3A_33 = arith.maximumf %add3A_31, %max3A_32 : vector<10000x64xf32>
    %get3A_34 = arith.constant 0 : index
    %get3A_35 = arith.constant 0 : index
    %get3A_36 = arith.constant 0 : index
    %get3A_37 = vector.load %arg5[%get3A_34, %get3A_35, %get3A_36] : memref<3x64x64xf32, #tpu.memory_space<vmem>>, vector<1x64x64xf32>
    %get3A_38 = vector.shape_cast %get3A_37 : vector<1x64x64xf32> to vector<64x64xf32>
    %dot_general3A_39 = arith.constant dense<0.000000e+00> : vector<10000x64xf32>
    %dot_general3A_40 = tpu.matmul %max3A_33, %get3A_38, %dot_general3A_39 {dimension_numbers = #tpu.dot_dimension_numbers<[1], [0], [0], [1], [0, 0, 1, 1], [], []>, transpose_lhs_hint = false} : vector<10000x64xf32>, vector<64x64xf32>, vector<10000x64xf32> -> vector<10000x64xf32>
    %get3A_41 = arith.constant 0 : index
    %get3A_42 = arith.constant 0 : index
    %get3A_43 = vector.load %arg6[%get3A_41, %get3A_42] : memref<3x64xf32, #tpu.memory_space<vmem>>, vector<1x64xf32>
    %get3A_44 = vector.shape_cast %get3A_43 : vector<1x64xf32> to vector<64xf32>
    %broadcast_in_dim3A_45 = vector.shape_cast %get3A_44 : vector<64xf32> to vector<1x64xf32>
    %add3A_46 = vector.broadcast %broadcast_in_dim3A_45 : vector<1x64xf32> to vector<10000x64xf32>
    %add3A_47 = arith.addf %dot_general3A_40, %add3A_46 : vector<10000x64xf32>
    %reduce_sum3A = arith.constant dense<0.000000e+00> : vector<64xf32>
    %reduce_sum3A_48 = vector.multi_reduction <add>, %add3A_47, %reduce_sum3A [0] : vector<10000x64xf32> to vector<64xf32>
    %broadcast_in_dim3A_49 = vector.shape_cast %reduce_sum3A_48 : vector<64xf32> to vector<1x64xf32>
    %div3A = arith.constant 1.000000e+04 : f32
    %div3A_50 = vector.broadcast %div3A : f32 to vector<1x64xf32>
    %div3A_51 = arith.divf %broadcast_in_dim3A_49, %div3A_50 : vector<1x64xf32>
    %sub3A = vector.broadcast %div3A_51 : vector<1x64xf32> to vector<10000x64xf32>
    %sub3A_52 = arith.subf %add3A_47, %sub3A : vector<10000x64xf32>
    %mul3A_53 = arith.mulf %sub3A_52, %sub3A_52 : vector<10000x64xf32>
    %reduce_sum3A_54 = arith.constant dense<0.000000e+00> : vector<64xf32>
    %reduce_sum3A_55 = vector.multi_reduction <add>, %mul3A_53, %reduce_sum3A_54 [0] : vector<10000x64xf32> to vector<64xf32>
    %broadcast_in_dim3A_56 = vector.shape_cast %reduce_sum3A_55 : vector<64xf32> to vector<1x64xf32>
    %div3A_57 = arith.constant 1.000000e+04 : f32
    %div3A_58 = vector.broadcast %div3A_57 : f32 to vector<1x64xf32>
    %div3A_59 = arith.divf %broadcast_in_dim3A_56, %div3A_58 : vector<1x64xf32>
    %add3A_60 = arith.constant 9.99999974E-6 : f32
    %add3A_61 = vector.broadcast %add3A_60 : f32 to vector<1x64xf32>
    %add3A_62 = arith.addf %div3A_59, %add3A_61 : vector<1x64xf32>
    %rsqrt3A = math.rsqrt %add3A_62 : vector<1x64xf32>
    %mul3A_63 = vector.broadcast %rsqrt3A : vector<1x64xf32> to vector<10000x64xf32>
    %mul3A_64 = arith.mulf %sub3A_52, %mul3A_63 : vector<10000x64xf32>
    %get3A_65 = arith.constant 0 : index
    %get3A_66 = arith.constant 0 : index
    %get3A_67 = vector.load %arg7[%get3A_65, %get3A_66] : memref<3x64xf32, #tpu.memory_space<vmem>>, vector<1x64xf32>
    %get3A_68 = vector.shape_cast %get3A_67 : vector<1x64xf32> to vector<64xf32>
    %broadcast_in_dim3A_69 = vector.shape_cast %get3A_68 : vector<64xf32> to vector<1x64xf32>
    %mul3A_70 = vector.broadcast %broadcast_in_dim3A_69 : vector<1x64xf32> to vector<10000x64xf32>
    %mul3A_71 = arith.mulf %mul3A_64, %mul3A_70 : vector<10000x64xf32>
    %get3A_72 = arith.constant 0 : index
    %get3A_73 = arith.constant 0 : index
    %get3A_74 = vector.load %arg8[%get3A_72, %get3A_73] : memref<3x64xf32, #tpu.memory_space<vmem>>, vector<1x64xf32>
    %get3A_75 = vector.shape_cast %get3A_74 : vector<1x64xf32> to vector<64xf32>
    %broadcast_in_dim3A_76 = vector.shape_cast %get3A_75 : vector<64xf32> to vector<1x64xf32>
    %add3A_77 = vector.broadcast %broadcast_in_dim3A_76 : vector<1x64xf32> to vector<10000x64xf32>
    %add3A_78 = arith.addf %mul3A_71, %add3A_77 : vector<10000x64xf32>
    %max3A_79 = arith.constant 0.000000e+00 : f32
    %max3A_80 = vector.broadcast %max3A_79 : f32 to vector<10000x64xf32>
    %max3A_81 = arith.maximumf %add3A_78, %max3A_80 : vector<10000x64xf32>
    %swap3A = arith.constant 0 : index
    %swap3A_82 = arith.constant 0 : index
    %swap3A_83 = vector.load %arg9[%swap3A, %swap3A_82] : memref<10000x64xf32, #tpu.memory_space<vmem>>, vector<10000x64xf32>
    tpu.vector_store %arg9[%swap3A, %swap3A_82], %max3A_81 {strides = array<i32>} : memref<10000x64xf32, #tpu.memory_space<vmem>>, vector<10000x64xf32>,
    return
  }
}

module attributes {stable_mosaic.version = 14 : i64} {
  func.func @_layer_body(%arg0: memref<10000x64xf32, #tpu.memory_space<vmem>>, %arg1: memref<2x10000x128xf32, #tpu.memory_space<vmem>>, %arg2: memref<1x3xf32, #tpu.memory_space<vmem>>, %arg3: memref<3x64x64xf32, #tpu.memory_space<vmem>>, %arg4: memref<3x64xf32, #tpu.memory_space<vmem>>, %arg5: memref<3x64x64xf32, #tpu.memory_space<vmem>>, %arg6: memref<3x64xf32, #tpu.memory_space<vmem>>, %arg7: memref<3x64xf32, #tpu.memory_space<vmem>>, %arg8: memref<3x64xf32, #tpu.memory_space<vmem>>, %arg9: memref<10000x64xf32, #tpu.memory_space<vmem>>) attributes {dimension_semantics = [], scalar_prefetch = 0 : i64, scratch_operands = 0 : i64, tpu.core_type = #tpu.core_type<tc>} {
    %get3A = arith.constant 0 : index
    %get3A_0 = arith.constant 0 : index
    %get3A_1 = vector.load %arg0[%get3A, %get3A_0] : memref<10000x64xf32, #tpu.memory_space<vmem>>, vector<10000x64xf32>
    %get3A_2 = arith.constant 0 : index
    %get3A_3 = arith.constant 0 : index
    %get3A_4 = arith.constant 0 : index
    %get3A_5 = vector.load %arg1[%get3A_2, %get3A_3, %get3A_4] : memref<2x10000x128xf32, #tpu.memory_space<vmem>>, vector<1x10000x64xf32>
    %get3A_6 = vector.shape_cast %get3A_5 : vector<1x10000x64xf32> to vector<10000x64xf32>
    %get3A_7 = arith.constant 1 : index
    %get3A_8 = arith.constant 0 : index
    %get3A_9 = arith.constant 0 : index
    %get3A_10 = vector.load %arg1[%get3A_7, %get3A_8, %get3A_9] : memref<2x10000x128xf32, #tpu.memory_space<vmem>>, vector<1x10000x64xf32>
    %get3A_11 = vector.shape_cast %get3A_10 : vector<1x10000x64xf32> to vector<10000x64xf32>
    %add3A = arith.addf %get3A_6, %get3A_11 : vector<10000x64xf32>
    %get3A_12 = arith.constant 0 : index
    %get3A_13 = arith.constant 1 : index
    %get3A_14 = vector.load %arg2[%get3A_12, %get3A_13] : memref<1x3xf32, #tpu.memory_space<vmem>>, vector<1x1xf32>
    %get3A_15 = vector.extract %get3A_14[0, 0] : f32 from vector<1x1xf32>
    %add3A_16 = arith.constant 1.000000e+00 : f32
    %add3A_17 = arith.addf %add3A_16, %get3A_15 : f32
    %mul3A = vector.broadcast %add3A_17 : f32 to vector<10000x64xf32>
    %mul3A_18 = arith.mulf %mul3A, %get3A_1 : vector<10000x64xf32>
    %add3A_19 = arith.addf %mul3A_18, %add3A : vector<10000x64xf32>
    %get3A_20 = arith.constant 1 : index
    %get3A_21 = arith.constant 0 : index
    %get3A_22 = arith.constant 0 : index
    %get3A_23 = vector.load %arg3[%get3A_20, %get3A_21, %get3A_22] : memref<3x64x64xf32, #tpu.memory_space<vmem>>, vector<1x64x64xf32>
    %get3A_24 = vector.shape_cast %get3A_23 : vector<1x64x64xf32> to vector<64x64xf32>
    %dot_general3A = arith.constant dense<0.000000e+00> : vector<10000x64xf32>
    %dot_general3A_25 = tpu.matmul %add3A_19, %get3A_24, %dot_general3A {dimension_numbers = #tpu.dot_dimension_numbers<[1], [0], [0], [1], [0, 0, 1, 1], [], []>, transpose_lhs_hint = false} : vector<10000x64xf32>, vector<64x64xf32>, vector<10000x64xf32> -> vector<10000x64xf32>
    %get3A_26 = arith.constant 1 : index
    %get3A_27 = arith.constant 0 : index
    %get3A_28 = vector.load %arg4[%get3A_26, %get3A_27] : memref<3x64xf32, #tpu.memory_space<vmem>>, vector<1x64xf32>
    %get3A_29 = vector.shape_cast %get3A_28 : vector<1x64xf32> to vector<64xf32>
    %broadcast_in_dim3A = vector.shape_cast %get3A_29 : vector<64xf32> to vector<1x64xf32>
    %add3A_30 = vector.broadcast %broadcast_in_dim3A : vector<1x64xf32> to vector<10000x64xf32>
    %add3A_31 = arith.addf %dot_general3A_25, %add3A_30 : vector<10000x64xf32>
    %max3A = arith.constant 0.000000e+00 : f32
    %max3A_32 = vector.broadcast %max3A : f32 to vector<10000x64xf32>
    %max3A_33 = arith.maximumf %add3A_31, %max3A_32 : vector<10000x64xf32>
    %get3A_34 = arith.constant 1 : index
    %get3A_35 = arith.constant 0 : index
    %get3A_36 = arith.constant 0 : index
    %get3A_37 = vector.load %arg5[%get3A_34, %get3A_35, %get3A_36] : memref<3x64x64xf32, #tpu.memory_space<vmem>>, vector<1x64x64xf32>
    %get3A_38 = vector.shape_cast %get3A_37 : vector<1x64x64xf32> to vector<64x64xf32>
    %dot_general3A_39 = arith.constant dense<0.000000e+00> : vector<10000x64xf32>
    %dot_general3A_40 = tpu.matmul %max3A_33, %get3A_38, %dot_general3A_39 {dimension_numbers = #tpu.dot_dimension_numbers<[1], [0], [0], [1], [0, 0, 1, 1], [], []>, transpose_lhs_hint = false} : vector<10000x64xf32>, vector<64x64xf32>, vector<10000x64xf32> -> vector<10000x64xf32>
    %get3A_41 = arith.constant 1 : index
    %get3A_42 = arith.constant 0 : index
    %get3A_43 = vector.load %arg6[%get3A_41, %get3A_42] : memref<3x64xf32, #tpu.memory_space<vmem>>, vector<1x64xf32>
    %get3A_44 = vector.shape_cast %get3A_43 : vector<1x64xf32> to vector<64xf32>
    %broadcast_in_dim3A_45 = vector.shape_cast %get3A_44 : vector<64xf32> to vector<1x64xf32>
    %add3A_46 = vector.broadcast %broadcast_in_dim3A_45 : vector<1x64xf32> to vector<10000x64xf32>
    %add3A_47 = arith.addf %dot_general3A_40, %add3A_46 : vector<10000x64xf32>
    %reduce_sum3A = arith.constant dense<0.000000e+00> : vector<64xf32>
    %reduce_sum3A_48 = vector.multi_reduction <add>, %add3A_47, %reduce_sum3A [0] : vector<10000x64xf32> to vector<64xf32>
    %broadcast_in_dim3A_49 = vector.shape_cast %reduce_sum3A_48 : vector<64xf32> to vector<1x64xf32>
    %div3A = arith.constant 1.000000e+04 : f32
    %div3A_50 = vector.broadcast %div3A : f32 to vector<1x64xf32>
    %div3A_51 = arith.divf %broadcast_in_dim3A_49, %div3A_50 : vector<1x64xf32>
    %sub3A = vector.broadcast %div3A_51 : vector<1x64xf32> to vector<10000x64xf32>
    %sub3A_52 = arith.subf %add3A_47, %sub3A : vector<10000x64xf32>
    %mul3A_53 = arith.mulf %sub3A_52, %sub3A_52 : vector<10000x64xf32>
    %reduce_sum3A_54 = arith.constant dense<0.000000e+00> : vector<64xf32>
    %reduce_sum3A_55 = vector.multi_reduction <add>, %mul3A_53, %reduce_sum3A_54 [0] : vector<10000x64xf32> to vector<64xf32>
    %broadcast_in_dim3A_56 = vector.shape_cast %reduce_sum3A_55 : vector<64xf32> to vector<1x64xf32>
    %div3A_57 = arith.constant 1.000000e+04 : f32
    %div3A_58 = vector.broadcast %div3A_57 : f32 to vector<1x64xf32>
    %div3A_59 = arith.divf %broadcast_in_dim3A_56, %div3A_58 : vector<1x64xf32>
    %add3A_60 = arith.constant 9.99999974E-6 : f32
    %add3A_61 = vector.broadcast %add3A_60 : f32 to vector<1x64xf32>
    %add3A_62 = arith.addf %div3A_59, %add3A_61 : vector<1x64xf32>
    %rsqrt3A = math.rsqrt %add3A_62 : vector<1x64xf32>
    %mul3A_63 = vector.broadcast %rsqrt3A : vector<1x64xf32> to vector<10000x64xf32>
    %mul3A_64 = arith.mulf %sub3A_52, %mul3A_63 : vector<10000x64xf32>
    %get3A_65 = arith.constant 1 : index
    %get3A_66 = arith.constant 0 : index
    %get3A_67 = vector.load %arg7[%get3A_65, %get3A_66] : memref<3x64xf32, #tpu.memory_space<vmem>>, vector<1x64xf32>
    %get3A_68 = vector.shape_cast %get3A_67 : vector<1x64xf32> to vector<64xf32>
    %broadcast_in_dim3A_69 = vector.shape_cast %get3A_68 : vector<64xf32> to vector<1x64xf32>
    %mul3A_70 = vector.broadcast %broadcast_in_dim3A_69 : vector<1x64xf32> to vector<10000x64xf32>
    %mul3A_71 = arith.mulf %mul3A_64, %mul3A_70 : vector<10000x64xf32>
    %get3A_72 = arith.constant 1 : index
    %get3A_73 = arith.constant 0 : index
    %get3A_74 = vector.load %arg8[%get3A_72, %get3A_73] : memref<3x64xf32, #tpu.memory_space<vmem>>, vector<1x64xf32>
    %get3A_75 = vector.shape_cast %get3A_74 : vector<1x64xf32> to vector<64xf32>
    %broadcast_in_dim3A_76 = vector.shape_cast %get3A_75 : vector<64xf32> to vector<1x64xf32>
    %add3A_77 = vector.broadcast %broadcast_in_dim3A_76 : vector<1x64xf32> to vector<10000x64xf32>
    %add3A_78 = arith.addf %mul3A_71, %add3A_77 : vector<10000x64xf32>
    %max3A_79 = arith.constant 0.000000e+00 : f32
    %max3A_80 = vector.broadcast %max3A_79 : f32 to vector<10000x64xf32>
    %max3A_81 = arith.maximumf %add3A_78, %max3A_80 : vector<10000x64xf32>
    %swap3A = arith.constant 0 : index
    %swap3A_82 = arith.constant 0 : index
    %swap3A_83 = vector.load %arg9[%swap3A, %swap3A_82] : memref<10000x64xf32, #tpu.memory_space<vmem>>, vector<10000x64xf32>
    tpu.vector_store %arg9[%swap3A, %swap3A_82], %max3A_81 {strides = array<i32>} : memref<10000x64xf32, #tpu.memory_space<vmem>>, vector<10000x64xf32>,
    return
  }
}

module attributes {stable_mosaic.version = 14 : i64} {
  func.func @_layer_pool_body(%arg0: memref<10000x64xf32, #tpu.memory_space<vmem>>, %arg1: memref<2x10000x128xf32, #tpu.memory_space<vmem>>, %arg2: memref<1x3xf32, #tpu.memory_space<vmem>>, %arg3: memref<3x64x64xf32, #tpu.memory_space<vmem>>, %arg4: memref<3x64xf32, #tpu.memory_space<vmem>>, %arg5: memref<3x64x64xf32, #tpu.memory_space<vmem>>, %arg6: memref<3x64xf32, #tpu.memory_space<vmem>>, %arg7: memref<3x64xf32, #tpu.memory_space<vmem>>, %arg8: memref<3x64xf32, #tpu.memory_space<vmem>>, %arg9: memref<10000x1xi32, #tpu.memory_space<vmem>>, %arg10: memref<64x10xf32, #tpu.memory_space<vmem>>, %arg11: memref<1x10xf32, #tpu.memory_space<vmem>>, %arg12: memref<64x10xf32, #tpu.memory_space<vmem>>) attributes {dimension_semantics = [], scalar_prefetch = 0 : i64, scratch_operands = 0 : i64, tpu.core_type = #tpu.core_type<tc>} {
    %get3A = arith.constant 0 : index
    %get3A_0 = arith.constant 0 : index
    %get3A_1 = vector.load %arg0[%get3A, %get3A_0] : memref<10000x64xf32, #tpu.memory_space<vmem>>, vector<10000x64xf32>
    %get3A_2 = arith.constant 0 : index
    %get3A_3 = arith.constant 0 : index
    %get3A_4 = arith.constant 0 : index
    %get3A_5 = vector.load %arg1[%get3A_2, %get3A_3, %get3A_4] : memref<2x10000x128xf32, #tpu.memory_space<vmem>>, vector<1x10000x64xf32>
    %get3A_6 = vector.shape_cast %get3A_5 : vector<1x10000x64xf32> to vector<10000x64xf32>
    %get3A_7 = arith.constant 1 : index
    %get3A_8 = arith.constant 0 : index
    %get3A_9 = arith.constant 0 : index
    %get3A_10 = vector.load %arg1[%get3A_7, %get3A_8, %get3A_9] : memref<2x10000x128xf32, #tpu.memory_space<vmem>>, vector<1x10000x64xf32>
    %get3A_11 = vector.shape_cast %get3A_10 : vector<1x10000x64xf32> to vector<10000x64xf32>
    %add3A = arith.addf %get3A_6, %get3A_11 : vector<10000x64xf32>
    %get3A_12 = arith.constant 0 : index
    %get3A_13 = arith.constant 2 : index
    %get3A_14 = vector.load %arg2[%get3A_12, %get3A_13] : memref<1x3xf32, #tpu.memory_space<vmem>>, vector<1x1xf32>
    %get3A_15 = vector.extract %get3A_14[0, 0] : f32 from vector<1x1xf32>
    %add3A_16 = arith.constant 1.000000e+00 : f32
    %add3A_17 = arith.addf %add3A_16, %get3A_15 : f32
    %mul3A = vector.broadcast %add3A_17 : f32 to vector<10000x64xf32>
    %mul3A_18 = arith.mulf %mul3A, %get3A_1 : vector<10000x64xf32>
    %add3A_19 = arith.addf %mul3A_18, %add3A : vector<10000x64xf32>
    %get3A_20 = arith.constant 2 : index
    %get3A_21 = arith.constant 0 : index
    %get3A_22 = arith.constant 0 : index
    %get3A_23 = vector.load %arg3[%get3A_20, %get3A_21, %get3A_22] : memref<3x64x64xf32, #tpu.memory_space<vmem>>, vector<1x64x64xf32>
    %get3A_24 = vector.shape_cast %get3A_23 : vector<1x64x64xf32> to vector<64x64xf32>
    %dot_general3A = arith.constant dense<0.000000e+00> : vector<10000x64xf32>
    %dot_general3A_25 = tpu.matmul %add3A_19, %get3A_24, %dot_general3A {dimension_numbers = #tpu.dot_dimension_numbers<[1], [0], [0], [1], [0, 0, 1, 1], [], []>, transpose_lhs_hint = false} : vector<10000x64xf32>, vector<64x64xf32>, vector<10000x64xf32> -> vector<10000x64xf32>
    %get3A_26 = arith.constant 2 : index
    %get3A_27 = arith.constant 0 : index
    %get3A_28 = vector.load %arg4[%get3A_26, %get3A_27] : memref<3x64xf32, #tpu.memory_space<vmem>>, vector<1x64xf32>
    %get3A_29 = vector.shape_cast %get3A_28 : vector<1x64xf32> to vector<64xf32>
    %broadcast_in_dim3A = vector.shape_cast %get3A_29 : vector<64xf32> to vector<1x64xf32>
    %add3A_30 = vector.broadcast %broadcast_in_dim3A : vector<1x64xf32> to vector<10000x64xf32>
    %add3A_31 = arith.addf %dot_general3A_25, %add3A_30 : vector<10000x64xf32>
    %max3A = arith.constant 0.000000e+00 : f32
    %max3A_32 = vector.broadcast %max3A : f32 to vector<10000x64xf32>
    %max3A_33 = arith.maximumf %add3A_31, %max3A_32 : vector<10000x64xf32>
    %get3A_34 = arith.constant 2 : index
    %get3A_35 = arith.constant 0 : index
    %get3A_36 = arith.constant 0 : index
    %get3A_37 = vector.load %arg5[%get3A_34, %get3A_35, %get3A_36] : memref<3x64x64xf32, #tpu.memory_space<vmem>>, vector<1x64x64xf32>
    %get3A_38 = vector.shape_cast %get3A_37 : vector<1x64x64xf32> to vector<64x64xf32>
    %dot_general3A_39 = arith.constant dense<0.000000e+00> : vector<10000x64xf32>
    %dot_general3A_40 = tpu.matmul %max3A_33, %get3A_38, %dot_general3A_39 {dimension_numbers = #tpu.dot_dimension_numbers<[1], [0], [0], [1], [0, 0, 1, 1], [], []>, transpose_lhs_hint = false} : vector<10000x64xf32>, vector<64x64xf32>, vector<10000x64xf32> -> vector<10000x64xf32>
    %get3A_41 = arith.constant 2 : index
    %get3A_42 = arith.constant 0 : index
    %get3A_43 = vector.load %arg6[%get3A_41, %get3A_42] : memref<3x64xf32, #tpu.memory_space<vmem>>, vector<1x64xf32>
    %get3A_44 = vector.shape_cast %get3A_43 : vector<1x64xf32> to vector<64xf32>
    %broadcast_in_dim3A_45 = vector.shape_cast %get3A_44 : vector<64xf32> to vector<1x64xf32>
    %add3A_46 = vector.broadcast %broadcast_in_dim3A_45 : vector<1x64xf32> to vector<10000x64xf32>
    %add3A_47 = arith.addf %dot_general3A_40, %add3A_46 : vector<10000x64xf32>
    %reduce_sum3A = arith.constant dense<0.000000e+00> : vector<64xf32>
    %reduce_sum3A_48 = vector.multi_reduction <add>, %add3A_47, %reduce_sum3A [0] : vector<10000x64xf32> to vector<64xf32>
    %broadcast_in_dim3A_49 = vector.shape_cast %reduce_sum3A_48 : vector<64xf32> to vector<1x64xf32>
    %div3A = arith.constant 1.000000e+04 : f32
    %div3A_50 = vector.broadcast %div3A : f32 to vector<1x64xf32>
    %div3A_51 = arith.divf %broadcast_in_dim3A_49, %div3A_50 : vector<1x64xf32>
    %sub3A = vector.broadcast %div3A_51 : vector<1x64xf32> to vector<10000x64xf32>
    %sub3A_52 = arith.subf %add3A_47, %sub3A : vector<10000x64xf32>
    %mul3A_53 = arith.mulf %sub3A_52, %sub3A_52 : vector<10000x64xf32>
    %reduce_sum3A_54 = arith.constant dense<0.000000e+00> : vector<64xf32>
    %reduce_sum3A_55 = vector.multi_reduction <add>, %mul3A_53, %reduce_sum3A_54 [0] : vector<10000x64xf32> to vector<64xf32>
    %broadcast_in_dim3A_56 = vector.shape_cast %reduce_sum3A_55 : vector<64xf32> to vector<1x64xf32>
    %div3A_57 = arith.constant 1.000000e+04 : f32
    %div3A_58 = vector.broadcast %div3A_57 : f32 to vector<1x64xf32>
    %div3A_59 = arith.divf %broadcast_in_dim3A_56, %div3A_58 : vector<1x64xf32>
    %add3A_60 = arith.constant 9.99999974E-6 : f32
    %add3A_61 = vector.broadcast %add3A_60 : f32 to vector<1x64xf32>
    %add3A_62 = arith.addf %div3A_59, %add3A_61 : vector<1x64xf32>
    %rsqrt3A = math.rsqrt %add3A_62 : vector<1x64xf32>
    %mul3A_63 = vector.broadcast %rsqrt3A : vector<1x64xf32> to vector<10000x64xf32>
    %mul3A_64 = arith.mulf %sub3A_52, %mul3A_63 : vector<10000x64xf32>
    %get3A_65 = arith.constant 2 : index
    %get3A_66 = arith.constant 0 : index
    %get3A_67 = vector.load %arg7[%get3A_65, %get3A_66] : memref<3x64xf32, #tpu.memory_space<vmem>>, vector<1x64xf32>
    %get3A_68 = vector.shape_cast %get3A_67 : vector<1x64xf32> to vector<64xf32>
    %broadcast_in_dim3A_69 = vector.shape_cast %get3A_68 : vector<64xf32> to vector<1x64xf32>
    %mul3A_70 = vector.broadcast %broadcast_in_dim3A_69 : vector<1x64xf32> to vector<10000x64xf32>
    %mul3A_71 = arith.mulf %mul3A_64, %mul3A_70 : vector<10000x64xf32>
    %get3A_72 = arith.constant 2 : index
    %get3A_73 = arith.constant 0 : index
    %get3A_74 = vector.load %arg8[%get3A_72, %get3A_73] : memref<3x64xf32, #tpu.memory_space<vmem>>, vector<1x64xf32>
    %get3A_75 = vector.shape_cast %get3A_74 : vector<1x64xf32> to vector<64xf32>
    %broadcast_in_dim3A_76 = vector.shape_cast %get3A_75 : vector<64xf32> to vector<1x64xf32>
    %add3A_77 = vector.broadcast %broadcast_in_dim3A_76 : vector<1x64xf32> to vector<10000x64xf32>
    %add3A_78 = arith.addf %mul3A_71, %add3A_77 : vector<10000x64xf32>
    %max3A_79 = arith.constant 0.000000e+00 : f32
    %max3A_80 = vector.broadcast %max3A_79 : f32 to vector<10000x64xf32>
    %max3A_81 = arith.maximumf %add3A_78, %max3A_80 : vector<10000x64xf32>
    %get3A_82 = arith.constant 0 : index
    %get3A_83 = arith.constant 0 : index
    %get3A_84 = vector.load %arg9[%get3A_82, %get3A_83] : memref<10000x1xi32, #tpu.memory_space<vmem>>, vector<10000x1xi32>
    %iota3A = tpu.iota {dimensions = array<i32: 1>} : vector<10000x64xi32>
    %eq3A = vector.broadcast %get3A_84 : vector<10000x1xi32> to vector<10000x64xi32>
    %eq3A_85 = arith.cmpi eq, %eq3A, %iota3A : vector<10000x64xi32>
    %jit3A = arith.constant 1.000000e+00 : f32
    %jit3A_86 = arith.constant 0.000000e+00 : f32
    %broadcast_in_dim3A_87 = vector.broadcast %jit3A : f32 to vector<10000x64xf32>
    %broadcast_in_dim3A_88 = vector.broadcast %jit3A_86 : f32 to vector<10000x64xf32>
    %select_n3A = arith.select %eq3A_85, %broadcast_in_dim3A_87, %broadcast_in_dim3A_88 : vector<10000x64xi1>, vector<10000x64xf32>
    %dot_general3A_89 = arith.constant dense<0.000000e+00> : vector<64x64xf32>
    %dot_general3A_90 = tpu.matmul %select_n3A, %max3A_81, %dot_general3A_89 {dimension_numbers = #tpu.dot_dimension_numbers<[0], [0], [1], [1], [0, 1, 1, 1], [], []>, transpose_lhs_hint = false} : vector<10000x64xf32>, vector<10000x64xf32>, vector<64x64xf32> -> vector<64x64xf32>
    %reduce_sum3A_91 = arith.constant dense<0.000000e+00> : vector<64xf32>
    %reduce_sum3A_92 = vector.multi_reduction <add>, %select_n3A, %reduce_sum3A_91 [0] : vector<10000x64xf32> to vector<64xf32>
    %broadcast_in_dim3A_93 = vector.shape_cast %reduce_sum3A_92 : vector<64xf32> to vector<64x1xf32>
    %max3A_94 = arith.constant 1.000000e+00 : f32
    %max3A_95 = vector.broadcast %max3A_94 : f32 to vector<64x1xf32>
    %max3A_96 = arith.maximumf %broadcast_in_dim3A_93, %max3A_95 : vector<64x1xf32>
    %div3A_97 = vector.broadcast %max3A_96 : vector<64x1xf32> to vector<64x64xf32>
    %div3A_98 = arith.divf %dot_general3A_90, %div3A_97 : vector<64x64xf32>
    %get3A_99 = arith.constant 0 : index
    %get3A_100 = arith.constant 0 : index
    %get3A_101 = vector.load %arg10[%get3A_99, %get3A_100] : memref<64x10xf32, #tpu.memory_space<vmem>>, vector<64x10xf32>
    %dot_general3A_102 = arith.constant dense<0.000000e+00> : vector<64x10xf32>
    %dot_general3A_103 = tpu.matmul %div3A_98, %get3A_101, %dot_general3A_102 {dimension_numbers = #tpu.dot_dimension_numbers<[1], [0], [0], [1], [0, 0, 1, 1], [], []>, transpose_lhs_hint = false} : vector<64x64xf32>, vector<64x10xf32>, vector<64x10xf32> -> vector<64x10xf32>
    %get3A_104 = arith.constant 0 : index
    %get3A_105 = arith.constant 0 : index
    %get3A_106 = vector.load %arg11[%get3A_104, %get3A_105] : memref<1x10xf32, #tpu.memory_space<vmem>>, vector<1x10xf32>
    %add3A_107 = vector.broadcast %get3A_106 : vector<1x10xf32> to vector<64x10xf32>
    %add3A_108 = arith.addf %dot_general3A_103, %add3A_107 : vector<64x10xf32>
    %swap3A = arith.constant 0 : index
    %swap3A_109 = arith.constant 0 : index
    %swap3A_110 = vector.load %arg12[%swap3A, %swap3A_109] : memref<64x10xf32, #tpu.memory_space<vmem>>, vector<64x10xf32>
    tpu.vector_store %arg12[%swap3A, %swap3A_109], %add3A_108 {strides = array<i32>} : memref<64x10xf32, #tpu.memory_space<vmem>>, vector<64x10xf32>,
    return
  }
}

</mosaic_0001>

<sc_bundles>
// kernel: kernel.12.cloned.1.call-start
scs
__scs_entry_jumppad:
0x0: {  	(pc) =	sbr.rel $0x88, $3  }
0x1: {  	(tag) =	ssettag $0x0;
	lr =	simm.s32 $0x1  }
0x2: {  	[smem:$0x3F93] =	sst lr;
	_ =	strace $0xD0000000  }
0x3: {  	_ = 	snop  }
0x4: {  	_ = 	snop  }
0x5: {  	_ = 	snop  }
0x6: {  	_ = 	snop  }
0x7: {  	_ = 	snop  }
__scs_overlays_trampoline_lowered:
0x8: {  	[smem:$0x3FA2] =	sst s0  }
0x9: {  	[smem:$0x3FA3] =	sst s1  }
0xa: {  	[smem:$0x3FA4] =	sst s2  }
0xb: {  	[smem:$0x3FA5] =	sst s3  }
0xc: {  	[smem:$0x3FA6] =	sst s4  }
0xd: {  	[smem:$0x3FA7] =	sst s5  }
0xe: {  	[smem:$0x3FA8] =	sst s6  }
0xf: {  	[smem:$0x3FA9] =	sst s7  }
0x10: {  	[smem:$0x3FAA] =	sst s8  }
0x11: {  	[smem:$0x3FAB] =	sst s9;
	s0 =	simm.s32 @!p0 $0x0  }
0x12: {  	s1 =	sld [smem:$0x3F91];
	s0 =	simm.s32 @p0 $0x1  }
0x13: {  	[smem:$0x3FAC] =	sst s0;
	s0 =	simm.s32 @!p1 $0x0  }
0x14: {  	s2 =	sld [smem:$0x3F90];
	s0 =	simm.s32 @p1 $0x1  }
0x15: {  	[smem:$0x3FAD] =	sst s0;
	s0 =	simm.s32 @!p2 $0x0  }
0x16: {  	s3 =	sld [smem:$0x3FDB];
	s0 =	simm.s32 @p2 $0x1  }
0x17: {  	s4 =	simm.s32 $0x1BF5;
	[smem:$0x3FAF] =	sst s0  }
0x18: {  	s0 =	sld [smem:$0x3F92];
	_ =	swait.ge [sflag:s4], $0x0  }
0x19: {  	s7 =	sld [smem:$0x3F93]  }
0x1a: {  	s8 =	sadd.s32 $0xFFFFE003, lr  }
0x1b: {  	s9 =	sadd.s32 $0xFFFFFEF7, lr;
	s5 =	simm.s32 $0xFFFFFFFF;
	p2 =	slt.u32 s8, $0xFFFFF086  }
0x1c: {  	p1 =	slt.u32 s9, $0xF7A;
	s5 =	simm.s32 @!p2 $0x0  }
0x1d: {  	s5 =	simm.s32 @p1 $0x1;
	p0 =	seq.s32 s7, s2  }
0x1e: {  	s7 =	smul.u32 @!p0 $0xF7A, s2;
	p2 =	seq.s32 @!p0 s5, $0x0  }
0x1f: {  	s9 =	smul.u32 $0xF7A, s1;
	s8 =	simm.s32 @!p0 $0x1BF5;
	p2 =	por !p2, p0  }
0x20: {  	[sflag:s8] =	ssyncset.s32 @!p0 $0xFFFFF086;
	s6 =	sadd.s32 @!p0 s3, s7;
	s7 =	simm.s32 @!p0 $0x108  }
0x21: {  	s3 =	sadd.s32 s3, s9;
	s6 =	sadd.s32 @!p0 $0x88, s6;
	s7 =	simm.s32 @p2 $0x1082  }
0x22: {  	[simem:s7], [sflag:s8] =	dma.local @!p0 [hbm:s6], $0xF7A  }
0x23: {  	s9 =	sor.u32 $0xD0000000, s2;
	s6 =	simm.s32 $0x108;
	_ =	swait.ge @!p0 [sflag:s8], $0x0  }
0x24: {  	s3 =	sadd.s32 $0x88, s3;
	s6 =	simm.s32 @!p1 $0x1082;
	[sflag:s4] =	ssyncset.s32 $0xFFFFF086  }
0x25: {  	[simem:s6], [sflag:s4] =	dma.local [hbm:s3], $0xF7A  }
0x26: {  	[smem:$0x3F93] =	sst s1;
	(tag) =	ssettag s2;
	_ =	strace s9  }
0x27: {  	s1 =	sld [smem:$0x3FA3]  }
0x28: {  	s2 =	sld [smem:$0x3FA4]  }
0x29: {  	s4 =	sld [smem:$0x3FA6]  }
0x2a: {  	p0 =	seq.s32 s5, $0x0;
	s5 =	sld [smem:$0x3FA7]  }
0x2b: {  	s6 =	sld [smem:$0x3FA8]  }
0x2c: {  	s7 =	sld [smem:$0x3FA9]  }
0x2d: {  	s3 =	simm.s32 $0x108;
	s8 =	sld [smem:$0x3FAA]  }
0x2e: {  	s3 =	simm.s32 @!p0 $0x1082;
	s9 =	sld [smem:$0x3FAB]  }
0x2f: {  	lr =	sadd.s32 s0, s3;
	s0 =	sld [smem:$0x3FA2]  }
0x30: {  	s3 =	sld [smem:$0x3FA5]  }
0x31: {  	[smem:$0x3FAE] =	sst s10  }
0x32: {  	s10 =	sld [smem:$0x3FAC];
	_ =	sdelay $0x3  }
0x33: {  	p0 =	seq.s32 s10, $0x1;
	s10 =	sld [smem:$0x3FAE];
	_ =	sdelay $0x3  }
0x34: {  	[smem:$0x3FAE] =	sst s10  }
0x35: {  	s10 =	sld [smem:$0x3FAD];
	_ =	sdelay $0x3  }
0x36: {  	p1 =	seq.s32 s10, $0x1;
	s10 =	sld [smem:$0x3FAE];
	_ =	sdelay $0x3  }
0x37: {  	[smem:$0x3FAE] =	sst s10  }
0x38: {  	s10 =	sld [smem:$0x3FAF]  }
0x39: {  	_ = 	snop;
	(pc) =	sbr.ind lr, $3  }
0x3a: {  	_ = 	snop  }
0x3b: {  	_ = 	snop  }
0x3c: {  	p2 =	seq.s32 s10, $0x1;
	s10 =	sld [smem:$0x3FAE]  }
0x3d: {  	_ =	shalt  }
0x3e: {  	_ =	shalt  }
0x3f: {  	_ =	shalt  }
0x40: {  	_ =	shalt  }
0x41: {  	_ =	shalt  }
0x42: {  	_ =	shalt  }
0x43: {  	_ =	shalt  }
0x44: {  	_ =	shalt  }
0x45: {  	_ =	shalt  }
0x46: {  	_ =	shalt  }
0x47: {  	_ =	shalt  }
0x48: {  	_ =	shalt  }
0x49: {  	_ =	shalt  }
0x4a: {  	_ =	shalt  }
0x4b: {  	_ =	shalt  }
0x4c: {  	_ =	shalt  }
0x4d: {  	_ =	shalt  }
0x4e: {  	_ =	shalt  }
0x4f: {  	_ =	shalt  }
0x50: {  	_ =	shalt  }
0x51: {  	_ =	shalt  }
0x52: {  	_ =	shalt  }
0x53: {  	_ =	shalt  }
0x54: {  	_ =	shalt  }
0x55: {  	_ =	shalt  }
0x56: {  	_ =	shalt  }
0x57: {  	_ =	shalt  }
0x58: {  	_ =	shalt  }
0x59: {  	_ =	shalt  }
0x5a: {  	_ =	shalt  }
0x5b: {  	_ =	shalt  }
0x5c: {  	_ =	shalt  }
0x5d: {  	_ =	shalt  }
0x5e: {  	_ =	shalt  }
0x5f: {  	_ =	shalt  }
0x60: {  	_ =	shalt  }
0x61: {  	_ =	shalt  }
0x62: {  	_ =	shalt  }
0x63: {  	_ =	shalt  }
0x64: {  	_ =	shalt  }
0x65: {  	_ =	shalt  }
0x66: {  	_ =	shalt  }
0x67: {  	_ =	shalt  }
0x68: {  	_ =	shalt  }
0x69: {  	_ =	shalt  }
0x6a: {  	_ =	shalt  }
0x6b: {  	_ =	shalt  }
0x6c: {  	_ =	shalt  }
0x6d: {  	_ =	shalt  }
0x6e: {  	_ =	shalt  }
0x6f: {  	_ =	shalt  }
0x70: {  	_ =	shalt  }
0x71: {  	_ =	shalt  }
0x72: {  	_ =	shalt  }
0x73: {  	_ =	shalt  }
0x74: {  	_ =	shalt  }
0x75: {  	_ =	shalt  }
0x76: {  	_ =	shalt  }
0x77: {  	_ =	shalt  }
0x78: {  	_ =	shalt  }
0x79: {  	_ =	shalt  }
0x7a: {  	_ =	shalt  }
0x7b: {  	_ =	shalt  }
0x7c: {  	_ =	shalt  }
0x7d: {  	_ =	shalt  }
0x7e: {  	_ =	shalt  }
0x7f: {  	_ =	shalt  }
0x80: {  	_ =	shalt  }
0x81: {  	_ =	shalt  }
0x82: {  	_ =	shalt  }
0x83: {  	_ =	shalt  }
0x84: {  	_ =	shalt  }
0x85: {  	_ =	shalt  }
0x86: {  	_ =	shalt  }
0x87: {  	_ =	shalt  }
.Lfunc_end0:
.L_simem_size_0:
called_computation.1_lowered:
.L_overlay_start_0:
0x88: {  	s2 =	sld [smem:$0x3FD9]  }
0x89: {  	s3 =	sld [smem:$0x3FFE];
	_ =	sdelay $0x1  }
0x8a: {  	s1 =	srdreg.scid  }
0x8b: {  	s0 =	sand.u32 $0x1, s1  }
0x8c: {  	s16 =	sshll.u32 s0, $0xA;
	s2 =	sadd.s32 s3, s2  }
0x8d: {  	s2 =	sadd.s32 s2, s16  }
0x8e: {  	[smem:$0x3FBA] =	sst s2  }
0x8f: {  	_ = 	snop  }
0x90: {  	(tm) =	ssettm $0x1  }
0x91: {  	s17 =	sld [smem:$0x3FFB];
	_ =	sdelay $0x3  }
0x92: {  	_ =	strace s17  }
0x93: {  	s2 =	sld [smem:$0x3FFC];
	_ =	sdelay $0x3  }
0x94: {  	_ =	strace s2  }
0x95: {  	s2 =	sld [smem:$0x3FFD];
	_ =	sdelay $0x3  }
0x96: {  	_ =	strace s2  }
0x97: {  	_ =	strace $0x8FFFFFFF  }
0x98: {  	s18 =	sld [smem:$0x3FDB];
	_ =	sdelay $0x1  }
0x99: {  	s19 =	simm.s32 $_scs_section_size  }
0x9a: {  	s4 =	simm.s32 $_size__tile_overlayer_lowered;
	s5 =	simm.s32 $_tile_overlayer_lowered  }
0x9b: {  	s22 =	simm.s32 $0x1BFF;
	s21 =	sshll.u32 s5, $0x1;
	s2 =	sadd.s32 s19, s18  }
0x9c: {  	s6 =	simm.s32 $0x0;
	s20 =	sshll.u32 s4, $0x1;
	s4 =	sadd.s32 s21, s2  }
0x9d: {  	[timem:s6], [sflag:s22] =	dma.local [hbm:s4], s20  }
0x9e: {  	_ =	swait.ge [sflag:s22], s20  }
0x9f: {  	s3 =	ssub.s32 $0x0, s20;
	[sflag:s22] =	ssyncset.done $0x0  }
0xa0: {  	[sflag:s22] =	ssyncadd.s32 s3;
	_ =	sdelay $0x1  }
0xa1: {  	s23 =	simm.s32 $0x1B8B  }
0xa2: {  	_ =	swait.ge [sflag:s23], $0x1  }
0xa3: {  	[sflag:s23] =	ssyncset.done $0x0  }
0xa4: {  	s25 =	simm.s32 $0x1B8E;
	s24 =	sld [smem:$0x3FFE];
	[sflag:s23] =	ssyncadd.s32 $0xFFFFFFFF  }
0xa5: {  	s26 =	simm.s32 $execute0_lowered;
	[smem:$0x3FD2] =	sst s25  }
0xa6: {  	s4 =	sshll.u32 s26, $0x1;
	_ =	strace $0x80000049;
	[dreg:$0x1] =	wrdreg $0xFFFFFFFF  }
0xa7: {  	s28 =	simm.s32 $_size_execute0_lowered;
	s2 =	sadd.s32 s2, s4;
	[dreg:$0x0] =	wrdreg $0x0  }
0xa8: {  	s4 =	sshll.u32 s28, $0x1;
	[dreg:$0x2] =	wrdreg s2  }
0xa9: {  	[dreg:$0x3] =	wrdreg s4  }
0xaa: {  	[dreg:$0x4] =	wrdreg $0xC0  }
0xab: {  	_ =	task [dreg:s6], $0x5FFFF  }
0xac: {  	[dreg:$0x1] =	wrdreg $0xFFFFFFFF  }
0xad: {  	[dreg:$0x0] =	wrdreg $0x60  }
0xae: {  	[dreg:$0x2] =	wrdreg s24  }
0xaf: {  	[dreg:$0x3] =	wrdreg $0xCF000  }
0xb0: {  	[dreg:$0x4] =	wrdreg $0x9  }
0xb1: {  	_ =	task.clear_ibuf [dreg:s6], $0x5FFFF;
	_ =	strace $0x90000049  }
0xb2: {  	s29 =	simm.s32 $0x9;
	_ =	strace $0x8000004B  }
0xb3: {  	_ =	swait.ge [sflag:s29], $0x1  }
0xb4: {  	[sflag:s29] =	ssyncadd.s32 $0xFFFFFFFF  }
0xb5: {  	_ =	strace $0x9000004B  }
0xb6: {  	_ =	sfence  }
0xb7: {  	s30 =	sld [smem:$0x0];
	_ =	sdelay $0x2  }
0xb8: {  	s31 =	sshll.u32 s1, $0xD;
	s1 =	sshrl.u32 s1, $0x2  }
0xb9: {  	s3 =	sand.u32 $0x4000, s31;
	s1 =	sadd.s32 s1, s30  }
0xba: {  	s0 =	sor.u32 s3, s0;
	s1 =	sshll.u32 s1, $0x11  }
0xbb: {  	s0 =	sor.u32 s1, s0  }
0xbc: {  	s0 =	sadd.s32 $0x8F2B, s0  }
0xbd: {  	[sflag:s0] =	ssyncadd.remote.s32 $0x1  }
0xbe: {  	_ =	sfence.sel $0xFFFF  }
0xbf: {  	[dreg:$0x0] =	wrdreg $0xFFFFFFFF;
	(pc) =	sbr.abs _section_cstart, $3  }
0xc0: {  	[dreg:$0x1] =	wrdreg $0xFFFFFFFF  }
0xc1: {  	_ =	task.clear_ibuf [dreg:s6], $0x2FFFF;
	_ =	strace $0x9FFFFFFF  }
0xc2: {  	(tm) =	ssettm $0x7FFFFFFF  }
0xc3: {  	_ =	shalt  }
tec
execute0_lowered:
.L_overlay_start_1:
0x0: {  	(tag) =	ssettag $0x1  }
0x1: {  	s0 =	srdreg.scid;
	s1 =	rddreg [dreg:$0x0]  }
0x2: {  	s2 =	rddreg [dreg:$0x1];
	s9 =	stileid.u32;
	s3 =	simm.s32 $0x0  }
0x3: {  	s12 =	simm.s32 $0x9;
	s13 =	simm.s32 $0x2800;
	s14 =	simm.s32 $0xCD00  }
0x4: {  	s15 =	simm.s32 $0x7D;
	s16 =	simm.s32 $0x5000;
	s21 =	simm.s32 $0x1  }
0x5: {  	s24 =	simm.s32 $0x5;
	s26 =	simm.s32 $0x6;
	s28 =	simm.s32 $0x7  }
0x6: {  	s29 =	simm.s32 $0x8;
	s30 =	simm.s32 $0x0;
	s0 =	sand.u32 $0x1, s0  }
0x7: {  	[smem:$0x7FF] =	sst s3;
	s8 =	smul.u32 $0x13C00, s9;
	p0 =	seq.s32 s9, $0xF  }
0x8: {  	s4 =	sshll.u32 s0, $0x4;
	s31 =	ssub.s32 $0x2, s0;
	s0 =	smul.u32 $0x138800, s0  }
0x9: {  	_ =	strace $0x8000004A;
	s4 =	sor.u32 s9, s4;
	s9 =	smul.u32 $0x27800, s9  }
0xa: {  	s6 =	sshrl.u32 s31, $0x1;
	s5 =	smul.u32 $0x500, s4;
	s4 =	sadd.s32 $0x16A00, s1  }
0xb: {  	s11 =	ssub.s32 s31, s6;
	s6 =	simm.s32 $0x41;
	s8 =	sadd.s32 s8, s0  }
0xc: {  	s0 =	sshrl.u32 s0, $0x3;
	s6 =	simm.s32 @!p0 $0x4F;
	s9 =	sshrl.u32 s9, $0x2  }
0xd: {  	s10 =	sshrl.u32 s8, $0x3;
	s7 =	sadd.s32 s5, s1;
	s1 =	sadd.s32 $0x2A400, s1  }
0xe: {  	s11 =	smax.u32 s11, $0x1;
	s8 =	sadd.s32 s9, s2;
	s0 =	sadd.s32 s1, s0  }
0xf: {  	s9 =	sadd.s32 s1, s10;
	s10 =	sadd.s32 $0x25080, s0;
	s0 =	sadd.s32 $0x94200, s2  }
0x10: {  	v0 =	vimm.f32 $0.0e+00;
	s5 =	sadd.s32 $0x2A00, s7;
	s7 =	sadd.s32 $0xCA00, s7;
	s25 =	sshrl.u32 @p0 s0, $0x3  }
.LBB2_1:
0x11: {  	[tilespmem:s3], [sflag:$0x9] =	stream.linear.gather [hbm4b:s5+s3], $0x2800, $0x38;
	[tilespmem:$0x16B40] =	vst v63  }
0x12: {  	_ =	swait.ge [sflag:s12], $0x2800  }
0x13: {  	[sflag:s12] =	ssyncset.done $0x0  }
0x14: {  	[sflag:s12] =	ssyncadd.s32 $0xFFFFD800  }
0x15: {  	[tilespmem:s13], [sflag:$0x9] =	stream.linear.gather [hbm4b:s7+s3], $0x2800, $0x38;
	[tilespmem:$0x16B40] =	vst v63  }
0x16: {  	_ =	swait.ge [sflag:s12], $0x2800  }
0x17: {  	[sflag:s12] =	ssyncset.done $0x0  }
0x18: {  	[sflag:s12] =	ssyncadd.s32 $0xFFFFD800  }
0x19: {  	[tilespmem:$0xCD00] =	vst v0  }
0x1a: {  	[tilespmem:$0xCD10] =	vst v0  }
0x1b: {  	[tilespmem:$0xCD20] =	vst v0  }
0x1c: {  	[tilespmem:$0xCD30] =	vst v0  }
0x1d: {  	[tilespmem:$0xCD40] =	vst v0  }
0x1e: {  	[tilespmem:$0xCD50] =	vst v0  }
0x1f: {  	[tilespmem:$0xCD60] =	vst v0  }
0x20: {  	[tilespmem:$0xCD70] =	vst v0  }
0x21: {  	[tilespmem:$0xCD80] =	vst v0  }
0x22: {  	[tilespmem:$0xCD90] =	vst v0  }
0x23: {  	[tilespmem:$0xCDA0] =	vst v0  }
0x24: {  	[tilespmem:$0xCDB0] =	vst v0  }
0x25: {  	[tilespmem:$0xCDC0] =	vst v0  }
0x26: {  	[tilespmem:$0xCDD0] =	vst v0  }
0x27: {  	[tilespmem:$0xCDE0] =	vst v0  }
0x28: {  	[tilespmem:$0xCDF0] =	vst v0  }
0x29: {  	[tilespmem:$0xCE00] =	vst v0  }
0x2a: {  	[tilespmem:$0xCE10] =	vst v0  }
0x2b: {  	[tilespmem:$0xCE20] =	vst v0  }
0x2c: {  	[tilespmem:$0xCE30] =	vst v0  }
0x2d: {  	[tilespmem:$0xCE40] =	vst v0  }
0x2e: {  	[tilespmem:$0xCE50] =	vst v0  }
0x2f: {  	[tilespmem:$0xCE60] =	vst v0  }
0x30: {  	[tilespmem:$0xCE70] =	vst v0  }
0x31: {  	[tilespmem:$0xCE80] =	vst v0  }
0x32: {  	[tilespmem:$0xCE90] =	vst v0  }
0x33: {  	[tilespmem:$0xCEA0] =	vst v0  }
0x34: {  	[tilespmem:$0xCEB0] =	vst v0  }
0x35: {  	[tilespmem:$0xCEC0] =	vst v0  }
0x36: {  	p1 =	sne.s32 s6, $0x1;
	[tilespmem:$0xCED0] =	vst v0  }
.Ltmp0:
0x37: {  	[tilespmem:$0xCEE0] =	vst v0;
	(pc) =	sbr.rel @!p1 .LBB2_3-.Ltmp0, $4  }
0x38: {  	[tilespmem:$0xCEF0] =	vst v0  }
0x39: {  	[spmem:s8] =	stream.linear.scatter [tilespmem:s14], [sflag:$0x9], $0x200, $0x38;
	[tilespmem:$0x16B40] =	vst v63  }
0x3a: {  	_ =	swait.ge [sflag:s12], $0x200  }
0x3b: {  	s0 =	sadd.s32 $0xFFFFFFFF, s6;
	s1 =	smov.u32 s8;
	[sflag:s12] =	ssyncset.done $0x0  }
.LBB2_2:
0x3c: {  	p1 =	sne.s32 s0, $0x1;
	[sflag:s12] =	ssyncadd.s32 $0xFFFFFE00;
	s1 =	sadd.s32 $0x200, s1  }
.Ltmp1:
0x3d: {  	s0 =	sadd.s32 $0xFFFFFFFF, s0;
	(pc) =	sbr.rel @p1 .LBB2_2-.Ltmp1, $4  }
0x3e: {  	_ = 	snop  }
0x3f: {  	[spmem:s1] =	stream.linear.scatter [tilespmem:s14], [sflag:$0x9], $0x200, $0x38;
	[tilespmem:$0x16B40] =	vst v63  }
0x40: {  	_ =	swait.ge [sflag:s12], $0x200  }
0x41: {  	[sflag:s12] =	ssyncset.done $0x0  }
.LBB2_3:
0x42: {  	[sflag:s12] =	ssyncadd.s32 $0xFFFFFE00  }
0x43: {  	[bflag:$0x0] =	sbarrier.arrive $0xFFFF  }
0x44: {  	[tilespmem:s16], [sflag:$0x1] =	stream.indirect.gather [hbm4b:s4+s15], $0x40, s3, s15, $0xb8;
	[tilespmem:$0x16B40] =	vst v63  }
0x45: {  	s0 =	simm.s32 $0x80;
	s1 =	simm.s32 $0x6F40  }
0x46: {  	[tilespmem:s1], [sflag:$0x2] =	stream.indirect.gather [hbm4b:s4+s15], $0x40, s0, s15, $0xb8;
	[tilespmem:$0x16B40] =	vst v63  }
0x47: {  	s18 =	simm.s32 $0x100;
	s19 =	simm.s32 $0x8E80;
	s20 =	simm.s32 $0x180  }
0x48: {  	[tilespmem:s19], [sflag:$0x3] =	stream.indirect.gather [hbm4b:s4+s15], $0x40, s18, s15, $0xb8;
	[tilespmem:$0x16B40] =	vst v63  }
0x49: {  	s22 =	simm.s32 $0xADC0;
	s23 =	simm.s32 $0x1;
	_ =	swait.ge [sflag:s21], $0x1F40  }
0x4a: {  	s31 =	simm.s32 $0x200;
	p1 =	por $0x0, $0x0;
	[sflag:s21] =	ssyncset.done $0x0  }
0x4b: {  	s0 =	sand.u32 $0x3, s23;
	s1 =	simm.s32 $0x4;
	[sflag:s21] =	ssyncadd.s32 $0xFFFFE0C0  }
0x4c: {  	[spmem:s2] =	stream.indirect.scatter.add.f32 [tilespmem:s16], [sflag:$0x5], $0x40, s13, s15, $0xb8;
	[tilespmem:$0x16B40] =	vst v63  }
0x4d: {  	s17 =	smul.u32 $0x7D00, s0;
	s1 =	sand.u32 @!p1 $0x3, s1;
	s18 =	sadd.s32 $0x1, s0  }
0x4e: {  	[tilespmem:s22], [sflag:$0x4] =	stream.indirect.gather [hbm4b:s4+s15], $0x40, s20, s15, $0xb8;
	[tilespmem:$0x16B40] =	vst v63  }
0x4f: {  	s19 =	simm.s32 $0x2880;
	s17 =	sshrl.u32 s17, $0x2;
	_ =	swait.ge [sflag:s18], $0x1F40  }
0x50: {  	s0 =	sadd.s32 $0x5, s0;
	s17 =	sadd.s32 $0x5000, s17;
	[sflag:s18] =	ssyncset.done $0x0  }
0x51: {  	s20 =	smul.u32 @!p1 $0x7D00, s1;
	s22 =	simm.s32 @!p1 $0x7D;
	[sflag:s18] =	ssyncadd.s32 $0xFFFFE0C0  }
0x52: {  	[spmem:s2] =	stream.indirect.scatter.add.f32 [tilespmem:s17], [sflag:s0], $0x40, s19, s15, $0xb8;
	[tilespmem:$0x16B40] =	vst v63  }
0x53: {  	s18 =	sadd.s32 @!p1 $0x5, s1;
	s0 =	simm.s32 $0x5;
	s19 =	sadd.s32 @!p1 $0x1, s1  }
0x54: {  	s17 =	sshrl.u32 @!p1 s20, $0x2;
	s1 =	simm.s32 $0x2900;
	_ =	swait.ge @!p1 [sflag:s18], $0x1F40  }
0x55: {  	s20 =	sadd.s32 @!p1 $0x5000, s17;
	s17 =	simm.s32 $0x200;
	[sflag:s18] =	ssyncset.done @!p1 $0x0  }
.LBB2_4:
0x56: {  	[sflag:s18] =	ssyncadd.s32 @!p1 $0xFFFFE0C0  }
0x57: {  	s31 =	sadd.s32 $0x80, s31;
	s18 =	smov.u32 s0;
	s0 =	sadd.s32 $0x1, s0  }
0x58: {  	[tilespmem:s20], [sflag:s19] =	stream.indirect.gather @!p1 [hbm4b:s4+s22], $0x40, s17, s22, $0xb8;
	[tilespmem:$0x16B40] =	vst v63  }
0x59: {  	s19 =	sadd.s32 $0xFFFFFFFD, s18;
	p2 =	sne.s32 s0, $0x53;
	s17 =	smov.u32 s31  }
0x5a: {  	s20 =	sand.u32 $0x3, s19  }
0x5b: {  	s22 =	smul.u32 $0x7D00, s20;
	s23 =	sadd.s32 $0x1, s20  }
0x5c: {  	p1 =	sgt.u32 s19, $0x4C;
	s20 =	sadd.s32 $0x5, s20;
	_ =	swait.ge [sflag:s23], $0x1F40  }
0x5d: {  	s19 =	sand.u32 @!p1 $0x3, s18;
	s22 =	sshrl.u32 s22, $0x2;
	[sflag:s23] =	ssyncset.done $0x0  }
.Ltmp2:
0x5e: {  	s22 =	sadd.s32 $0x5000, s22;
	[sflag:s23] =	ssyncadd.s32 $0xFFFFE0C0;
	(pc) =	sbr.rel @p2 .LBB2_4-.Ltmp2, $4  }
0x5f: {  	s18 =	sadd.s32 @!p1 $0x5, s19;
	s23 =	smul.u32 @!p1 $0x7D00, s19;
	s19 =	sadd.s32 @!p1 $0x1, s19  }
0x60: {  	[spmem:s2] =	stream.indirect.scatter.add.f32 [tilespmem:s22], [sflag:s20], $0x40, s1, s15, $0xb8;
	[tilespmem:$0x16B40] =	vst v63  }
0x61: {  	s20 =	sshrl.u32 @!p1 s23, $0x2;
	s1 =	sadd.s32 $0x80, s1;
	_ =	swait.ge @!p1 [sflag:s18], $0x1F40  }
0x62: {  	s22 =	simm.s32 @!p1 $0x7D;
	s20 =	sadd.s32 @!p1 $0x5000, s20;
	[sflag:s18] =	ssyncset.done @!p1 $0x0  }
0x63: {  	[sflag:s18] =	ssyncadd.s32 @!p1 $0xFFFFE0C0  }
0x64: {  	[tilespmem:s20], [sflag:s19] =	stream.indirect.gather @!p1 [hbm4b:s4+s22], $0x40, s17, s22, $0xb8;
	[tilespmem:$0x16B40] =	vst v63  }
0x65: {  	_ =	swait.ge [sflag:s24], $0x1F40  }
0x66: {  	[sflag:s24] =	ssyncset.done $0x0  }
0x67: {  	[sflag:s24] =	ssyncadd.s32 $0xFFFFE0C0  }
0x68: {  	_ =	swait.ge [sflag:s26], $0x1F40  }
0x69: {  	[sflag:s26] =	ssyncset.done $0x0  }
0x6a: {  	[sflag:s26] =	ssyncadd.s32 $0xFFFFE0C0  }
0x6b: {  	_ =	swait.ge [sflag:s28], $0x1F40  }
0x6c: {  	[sflag:s28] =	ssyncset.done $0x0  }
0x6d: {  	[sflag:s28] =	ssyncadd.s32 $0xFFFFE0C0  }
0x6e: {  	_ =	swait.ge [sflag:s29], $0x1F40  }
0x6f: {  	s0 =	simm.s32 @p0 $0x1;
	[sflag:s29] =	ssyncset.done $0x0  }
0x70: {  	s1 =	simm.s32 @p0 $0x10;
	s18 =	simm.s32 @p0 $0x1FC9;
	[sflag:s29] =	ssyncadd.s32 $0xFFFFE0C0  }
0x71: {  	s30 =	sadd.s32 $0x1, s30;
	s17 =	simm.s32 @p0 $0x8;
	[bflag:$0x0] =	sbarrier.arrive $0xFFFF  }
0x72: {  	[hbm:s10@s1], [sflag:s18] =	dma.strided @p0 [spmem:s25@s17], $0x1040, s0, $0x8   }
0x73: {  	s19 =	simm.s32 @!p0 $0x8;
	p1 =	sne.s32 s30, s11;
	s0 =	simm.s32 @p0 $0x9  }
0x74: {  	s1 =	stileid.u32;
	s17 =	simm.s32 @!p0 $0x1;
	_ =	swait.ge @p0 [sflag:s0], $0x1040  }
0x75: {  	s18 =	simm.s32 @!p0 $0x10;
	s1 =	sshll.u32 @!p0 s1, $0x6;
	[sflag:s0] =	ssyncset.done @p0 $0x0  }
0x76: {  	[sflag:s0] =	ssyncadd.s32 @p0 $0xFFFFEFC0;
	s0 =	sor.u32 @!p0 $0x1C09, s1;
	s1 =	sshrl.u32 @!p0 s8, $0x3  }
0x77: {  	[hbm:s9@s18], [sflag:s0] =	dma.strided @!p0 [spmem:s1@s19], $0x13C0, s17, $0x8   }
.Ltmp3:
0x78: {  	_ = 	snop;
	(pc) =	sbr.rel @p1 .LBB2_1-.Ltmp3, $4  }
0x79: {  	s0 =	simm.s32 @!p0 $0x9  }
0x7a: {  	_ =	swait.ge @!p0 [sflag:s0], $0x13C0  }
0x7b: {  	[sflag:s0] =	ssyncset.done @!p0 $0x0  }
0x7c: {  	[sflag:s0] =	ssyncadd.s32 @!p0 $0xFFFFEC40  }
0x7d: {  	_ =	sfence.sel $0x180000  }
0x7e: {  	[bflag:$0x0] =	sbarrier.arrive $0xFFFF  }
0x7f: {  	_ =	strace $0x9000004A  }
0x80: {  	s0 =	stileid.u32;
	[bflag:$0x2] =	sbarrier.arrive $0xFFFF  }
0x81: {  	p0 =	sne.s32 s0, $0x0;
	s0 =	rddreg [dreg:$0x2]  }
0x82: {  	s0 =	sadd.s32 @!p0 $0x100000, s0  }
0x83: {  	[sflag:s0] =	ssyncadd.tile.s32 @!p0 $0x1;
	_ =	shalt  }
.Lfunc_end2:
_tile_overlayer_lowered:
.L_overlay_start_2:
0x84: {  	(tag) =	ssettag $0x2  }
0x85: {  	s0 =	rddreg [dreg:$0x0];
	s2 =	stileid.u32  }
0x86: {  	s1 =	rddreg [dreg:$0x1];
	p0 =	sne.s32 s2, $0x0  }
0x87: {  	s3 =	rddreg [dreg:$0x2];
	[bflag:$0x3] =	sbarrier.arrive $0xFFFF;
	s2 =	simm.s32 @!p0 $0x1C09  }
0x88: {  	[timem:s3], [sflag:s2] =	dma.local @!p0 [hbm:s0], s1  }
0x89: {  	s0 =	simm.s32 @!p0 $0x9  }
0x8a: {  	_ =	swait.ge @!p0 [sflag:s0], s1  }
0x8b: {  	s1 =	ssub.s32 @!p0 $0x0, s1;
	[sflag:s0] =	ssyncset.done @!p0 $0x0  }
0x8c: {  	[sflag:s0] =	ssyncadd.s32 @!p0 s1  }
0x8d: {  	[bflag:$0x3] =	sbarrier.arrive $0xFFFF  }
0x8e: {  	_ =	shalt  }

// kernel: kernel.15.cloned.1.call-start
scs
__scs_entry_jumppad:
0x0: {  	(pc) =	sbr.rel $0x88, $3  }
0x1: {  	(tag) =	ssettag $0x0;
	lr =	simm.s32 $0x1  }
0x2: {  	[smem:$0x3F93] =	sst lr;
	_ =	strace $0xD0000000  }
0x3: {  	_ = 	snop  }
0x4: {  	_ = 	snop  }
0x5: {  	_ = 	snop  }
0x6: {  	_ = 	snop  }
0x7: {  	_ = 	snop  }
__scs_overlays_trampoline_lowered:
0x8: {  	[smem:$0x3FA2] =	sst s0  }
0x9: {  	[smem:$0x3FA3] =	sst s1  }
0xa: {  	[smem:$0x3FA4] =	sst s2  }
0xb: {  	[smem:$0x3FA5] =	sst s3  }
0xc: {  	[smem:$0x3FA6] =	sst s4  }
0xd: {  	[smem:$0x3FA7] =	sst s5  }
0xe: {  	[smem:$0x3FA8] =	sst s6  }
0xf: {  	[smem:$0x3FA9] =	sst s7  }
0x10: {  	[smem:$0x3FAA] =	sst s8  }
0x11: {  	[smem:$0x3FAB] =	sst s9;
	s0 =	simm.s32 @!p0 $0x0  }
0x12: {  	s1 =	sld [smem:$0x3F91];
	s0 =	simm.s32 @p0 $0x1  }
0x13: {  	[smem:$0x3FAC] =	sst s0;
	s0 =	simm.s32 @!p1 $0x0  }
0x14: {  	s2 =	sld [smem:$0x3F90];
	s0 =	simm.s32 @p1 $0x1  }
0x15: {  	[smem:$0x3FAD] =	sst s0;
	s0 =	simm.s32 @!p2 $0x0  }
0x16: {  	s3 =	sld [smem:$0x3FDB];
	s0 =	simm.s32 @p2 $0x1  }
0x17: {  	s4 =	simm.s32 $0x1BF5;
	[smem:$0x3FAF] =	sst s0  }
0x18: {  	s0 =	sld [smem:$0x3F92];
	_ =	swait.ge [sflag:s4], $0x0  }
0x19: {  	s7 =	sld [smem:$0x3F93]  }
0x1a: {  	s8 =	sadd.s32 $0xFFFFE003, lr  }
0x1b: {  	s9 =	sadd.s32 $0xFFFFFEF7, lr;
	s5 =	simm.s32 $0xFFFFFFFF;
	p2 =	slt.u32 s8, $0xFFFFF086  }
0x1c: {  	p1 =	slt.u32 s9, $0xF7A;
	s5 =	simm.s32 @!p2 $0x0  }
0x1d: {  	s5 =	simm.s32 @p1 $0x1;
	p0 =	seq.s32 s7, s2  }
0x1e: {  	s7 =	smul.u32 @!p0 $0xF7A, s2;
	p2 =	seq.s32 @!p0 s5, $0x0  }
0x1f: {  	s9 =	smul.u32 $0xF7A, s1;
	s8 =	simm.s32 @!p0 $0x1BF5;
	p2 =	por !p2, p0  }
0x20: {  	[sflag:s8] =	ssyncset.s32 @!p0 $0xFFFFF086;
	s6 =	sadd.s32 @!p0 s3, s7;
	s7 =	simm.s32 @!p0 $0x108  }
0x21: {  	s3 =	sadd.s32 s3, s9;
	s6 =	sadd.s32 @!p0 $0x88, s6;
	s7 =	simm.s32 @p2 $0x1082  }
0x22: {  	[simem:s7], [sflag:s8] =	dma.local @!p0 [hbm:s6], $0xF7A  }
0x23: {  	s9 =	sor.u32 $0xD0000000, s2;
	s6 =	simm.s32 $0x108;
	_ =	swait.ge @!p0 [sflag:s8], $0x0  }
0x24: {  	s3 =	sadd.s32 $0x88, s3;
	s6 =	simm.s32 @!p1 $0x1082;
	[sflag:s4] =	ssyncset.s32 $0xFFFFF086  }
0x25: {  	[simem:s6], [sflag:s4] =	dma.local [hbm:s3], $0xF7A  }
0x26: {  	[smem:$0x3F93] =	sst s1;
	(tag) =	ssettag s2;
	_ =	strace s9  }
0x27: {  	s1 =	sld [smem:$0x3FA3]  }
0x28: {  	s2 =	sld [smem:$0x3FA4]  }
0x29: {  	s4 =	sld [smem:$0x3FA6]  }
0x2a: {  	p0 =	seq.s32 s5, $0x0;
	s5 =	sld [smem:$0x3FA7]  }
0x2b: {  	s6 =	sld [smem:$0x3FA8]  }
0x2c: {  	s7 =	sld [smem:$0x3FA9]  }
0x2d: {  	s3 =	simm.s32 $0x108;
	s8 =	sld [smem:$0x3FAA]  }
0x2e: {  	s3 =	simm.s32 @!p0 $0x1082;
	s9 =	sld [smem:$0x3FAB]  }
0x2f: {  	lr =	sadd.s32 s0, s3;
	s0 =	sld [smem:$0x3FA2]  }
0x30: {  	s3 =	sld [smem:$0x3FA5]  }
0x31: {  	[smem:$0x3FAE] =	sst s10  }
0x32: {  	s10 =	sld [smem:$0x3FAC];
	_ =	sdelay $0x3  }
0x33: {  	p0 =	seq.s32 s10, $0x1;
	s10 =	sld [smem:$0x3FAE];
	_ =	sdelay $0x3  }
0x34: {  	[smem:$0x3FAE] =	sst s10  }
0x35: {  	s10 =	sld [smem:$0x3FAD];
	_ =	sdelay $0x3  }
0x36: {  	p1 =	seq.s32 s10, $0x1;
	s10 =	sld [smem:$0x3FAE];
	_ =	sdelay $0x3  }
0x37: {  	[smem:$0x3FAE] =	sst s10  }
0x38: {  	s10 =	sld [smem:$0x3FAF]  }
0x39: {  	_ = 	snop;
	(pc) =	sbr.ind lr, $3  }
0x3a: {  	_ = 	snop  }
0x3b: {  	_ = 	snop  }
0x3c: {  	p2 =	seq.s32 s10, $0x1;
	s10 =	sld [smem:$0x3FAE]  }
0x3d: {  	_ =	shalt  }
0x3e: {  	_ =	shalt  }
0x3f: {  	_ =	shalt  }
0x40: {  	_ =	shalt  }
0x41: {  	_ =	shalt  }
0x42: {  	_ =	shalt  }
0x43: {  	_ =	shalt  }
0x44: {  	_ =	shalt  }
0x45: {  	_ =	shalt  }
0x46: {  	_ =	shalt  }
0x47: {  	_ =	shalt  }
0x48: {  	_ =	shalt  }
0x49: {  	_ =	shalt  }
0x4a: {  	_ =	shalt  }
0x4b: {  	_ =	shalt  }
0x4c: {  	_ =	shalt  }
0x4d: {  	_ =	shalt  }
0x4e: {  	_ =	shalt  }
0x4f: {  	_ =	shalt  }
0x50: {  	_ =	shalt  }
0x51: {  	_ =	shalt  }
0x52: {  	_ =	shalt  }
0x53: {  	_ =	shalt  }
0x54: {  	_ =	shalt  }
0x55: {  	_ =	shalt  }
0x56: {  	_ =	shalt  }
0x57: {  	_ =	shalt  }
0x58: {  	_ =	shalt  }
0x59: {  	_ =	shalt  }
0x5a: {  	_ =	shalt  }
0x5b: {  	_ =	shalt  }
0x5c: {  	_ =	shalt  }
0x5d: {  	_ =	shalt  }
0x5e: {  	_ =	shalt  }
0x5f: {  	_ =	shalt  }
0x60: {  	_ =	shalt  }
0x61: {  	_ =	shalt  }
0x62: {  	_ =	shalt  }
0x63: {  	_ =	shalt  }
0x64: {  	_ =	shalt  }
0x65: {  	_ =	shalt  }
0x66: {  	_ =	shalt  }
0x67: {  	_ =	shalt  }
0x68: {  	_ =	shalt  }
0x69: {  	_ =	shalt  }
0x6a: {  	_ =	shalt  }
0x6b: {  	_ =	shalt  }
0x6c: {  	_ =	shalt  }
0x6d: {  	_ =	shalt  }
0x6e: {  	_ =	shalt  }
0x6f: {  	_ =	shalt  }
0x70: {  	_ =	shalt  }
0x71: {  	_ =	shalt  }
0x72: {  	_ =	shalt  }
0x73: {  	_ =	shalt  }
0x74: {  	_ =	shalt  }
0x75: {  	_ =	shalt  }
0x76: {  	_ =	shalt  }
0x77: {  	_ =	shalt  }
0x78: {  	_ =	shalt  }
0x79: {  	_ =	shalt  }
0x7a: {  	_ =	shalt  }
0x7b: {  	_ =	shalt  }
0x7c: {  	_ =	shalt  }
0x7d: {  	_ =	shalt  }
0x7e: {  	_ =	shalt  }
0x7f: {  	_ =	shalt  }
0x80: {  	_ =	shalt  }
0x81: {  	_ =	shalt  }
0x82: {  	_ =	shalt  }
0x83: {  	_ =	shalt  }
0x84: {  	_ =	shalt  }
0x85: {  	_ =	shalt  }
0x86: {  	_ =	shalt  }
0x87: {  	_ =	shalt  }
.Lfunc_end0:
.L_simem_size_0:
called_computation.2_lowered:
.L_overlay_start_0:
0x88: {  	s2 =	sld [smem:$0x3FD9]  }
0x89: {  	s3 =	sld [smem:$0x3FFE];
	_ =	sdelay $0x1  }
0x8a: {  	s1 =	srdreg.scid  }
0x8b: {  	s0 =	sand.u32 $0x1, s1  }
0x8c: {  	s16 =	sshll.u32 s0, $0xA;
	s2 =	sadd.s32 s3, s2  }
0x8d: {  	s2 =	sadd.s32 s2, s16  }
0x8e: {  	[smem:$0x3FBA] =	sst s2  }
0x8f: {  	_ = 	snop  }
0x90: {  	(tm) =	ssettm $0x1  }
0x91: {  	s17 =	sld [smem:$0x3FFB];
	_ =	sdelay $0x3  }
0x92: {  	_ =	strace s17  }
0x93: {  	s2 =	sld [smem:$0x3FFC];
	_ =	sdelay $0x3  }
0x94: {  	_ =	strace s2  }
0x95: {  	s2 =	sld [smem:$0x3FFD];
	_ =	sdelay $0x3  }
0x96: {  	_ =	strace s2  }
0x97: {  	_ =	strace $0x8FFFFFFF  }
0x98: {  	s18 =	sld [smem:$0x3FDB];
	_ =	sdelay $0x1  }
0x99: {  	s19 =	simm.s32 $_scs_section_size  }
0x9a: {  	s4 =	simm.s32 $_size__tile_overlayer_lowered;
	s5 =	simm.s32 $_tile_overlayer_lowered  }
0x9b: {  	s22 =	simm.s32 $0x1BFF;
	s21 =	sshll.u32 s5, $0x1;
	s2 =	sadd.s32 s19, s18  }
0x9c: {  	s6 =	simm.s32 $0x0;
	s20 =	sshll.u32 s4, $0x1;
	s4 =	sadd.s32 s21, s2  }
0x9d: {  	[timem:s6], [sflag:s22] =	dma.local [hbm:s4], s20  }
0x9e: {  	_ =	swait.ge [sflag:s22], s20  }
0x9f: {  	s3 =	ssub.s32 $0x0, s20;
	[sflag:s22] =	ssyncset.done $0x0  }
0xa0: {  	[sflag:s22] =	ssyncadd.s32 s3;
	_ =	sdelay $0x1  }
0xa1: {  	s23 =	simm.s32 $0x1B8B  }
0xa2: {  	_ =	swait.ge [sflag:s23], $0x1  }
0xa3: {  	[sflag:s23] =	ssyncset.done $0x0  }
0xa4: {  	s25 =	simm.s32 $0x1B8E;
	s24 =	sld [smem:$0x3FFE];
	[sflag:s23] =	ssyncadd.s32 $0xFFFFFFFF  }
0xa5: {  	s26 =	simm.s32 $execute0_lowered;
	[smem:$0x3FD2] =	sst s25  }
0xa6: {  	s4 =	sshll.u32 s26, $0x1;
	_ =	strace $0x8000004C;
	[dreg:$0x1] =	wrdreg $0xFFFFFFFF  }
0xa7: {  	s28 =	simm.s32 $_size_execute0_lowered;
	s2 =	sadd.s32 s2, s4;
	[dreg:$0x0] =	wrdreg $0x0  }
0xa8: {  	s4 =	sshll.u32 s28, $0x1;
	[dreg:$0x2] =	wrdreg s2  }
0xa9: {  	[dreg:$0x3] =	wrdreg s4  }
0xaa: {  	[dreg:$0x4] =	wrdreg $0xC0  }
0xab: {  	_ =	task [dreg:s6], $0x5FFFF  }
0xac: {  	[dreg:$0x1] =	wrdreg $0xFFFFFFFF  }
0xad: {  	[dreg:$0x0] =	wrdreg $0x60  }
0xae: {  	[dreg:$0x2] =	wrdreg s24  }
0xaf: {  	[dreg:$0x3] =	wrdreg $0xCF000  }
0xb0: {  	[dreg:$0x4] =	wrdreg $0x9  }
0xb1: {  	_ =	task.clear_ibuf [dreg:s6], $0x5FFFF;
	_ =	strace $0x9000004C  }
0xb2: {  	s29 =	simm.s32 $0x9;
	_ =	strace $0x8000004E  }
0xb3: {  	_ =	swait.ge [sflag:s29], $0x1  }
0xb4: {  	[sflag:s29] =	ssyncadd.s32 $0xFFFFFFFF  }
0xb5: {  	_ =	strace $0x9000004E  }
0xb6: {  	_ =	sfence  }
0xb7: {  	s30 =	sld [smem:$0x0];
	_ =	sdelay $0x2  }
0xb8: {  	s31 =	sshll.u32 s1, $0xD;
	s1 =	sshrl.u32 s1, $0x2  }
0xb9: {  	s3 =	sand.u32 $0x4000, s31;
	s1 =	sadd.s32 s1, s30  }
0xba: {  	s0 =	sor.u32 s3, s0;
	s1 =	sshll.u32 s1, $0x11  }
0xbb: {  	s0 =	sor.u32 s1, s0  }
0xbc: {  	s0 =	sadd.s32 $0x8F2B, s0  }
0xbd: {  	[sflag:s0] =	ssyncadd.remote.s32 $0x1  }
0xbe: {  	_ =	sfence.sel $0xFFFF  }
0xbf: {  	[dreg:$0x0] =	wrdreg $0xFFFFFFFF;
	(pc) =	sbr.abs _section_cstart, $3  }
0xc0: {  	[dreg:$0x1] =	wrdreg $0xFFFFFFFF  }
0xc1: {  	_ =	task.clear_ibuf [dreg:s6], $0x2FFFF;
	_ =	strace $0x9FFFFFFF  }
0xc2: {  	(tm) =	ssettm $0x7FFFFFFF  }
0xc3: {  	_ =	shalt  }
tec
execute0_lowered:
.L_overlay_start_1:
0x0: {  	(tag) =	ssettag $0x1  }
0x1: {  	s0 =	srdreg.scid;
	s1 =	rddreg [dreg:$0x0]  }
0x2: {  	s2 =	rddreg [dreg:$0x1];
	s9 =	stileid.u32;
	s3 =	simm.s32 $0x0  }
0x3: {  	s12 =	simm.s32 $0x9;
	s13 =	simm.s32 $0x2800;
	s14 =	simm.s32 $0xCD00  }
0x4: {  	s15 =	simm.s32 $0x7D;
	s16 =	simm.s32 $0x5000;
	s21 =	simm.s32 $0x1  }
0x5: {  	s24 =	simm.s32 $0x5;
	s26 =	simm.s32 $0x6;
	s28 =	simm.s32 $0x7  }
0x6: {  	s29 =	simm.s32 $0x8;
	s30 =	simm.s32 $0x0;
	s0 =	sand.u32 $0x1, s0  }
0x7: {  	[smem:$0x7FF] =	sst s3;
	s8 =	smul.u32 $0x13C00, s9;
	p0 =	seq.s32 s9, $0xF  }
0x8: {  	s4 =	sshll.u32 s0, $0x4;
	s31 =	ssub.s32 $0x2, s0;
	s0 =	smul.u32 $0x138800, s0  }
0x9: {  	_ =	strace $0x8000004D;
	s4 =	sor.u32 s9, s4;
	s9 =	smul.u32 $0x27800, s9  }
0xa: {  	s6 =	sshrl.u32 s31, $0x1;
	s5 =	smul.u32 $0x500, s4;
	s4 =	sadd.s32 $0x16A00, s1  }
0xb: {  	s11 =	ssub.s32 s31, s6;
	s6 =	simm.s32 $0x41;
	s8 =	sadd.s32 s8, s0  }
0xc: {  	s0 =	sshrl.u32 s0, $0x3;
	s6 =	simm.s32 @!p0 $0x4F;
	s9 =	sshrl.u32 s9, $0x2  }
0xd: {  	s10 =	sshrl.u32 s8, $0x3;
	s7 =	sadd.s32 s5, s1;
	s1 =	sadd.s32 $0x2A400, s1  }
0xe: {  	s11 =	smax.u32 s11, $0x1;
	s8 =	sadd.s32 s9, s2;
	s0 =	sadd.s32 s1, s0  }
0xf: {  	s9 =	sadd.s32 s1, s10;
	s10 =	sadd.s32 $0x25080, s0;
	s0 =	sadd.s32 $0x94200, s2  }
0x10: {  	v0 =	vimm.f32 $0.0e+00;
	s5 =	sadd.s32 $0x2A00, s7;
	s7 =	sadd.s32 $0xCA00, s7;
	s25 =	sshrl.u32 @p0 s0, $0x3  }
.LBB2_1:
0x11: {  	[tilespmem:s3], [sflag:$0x9] =	stream.linear.gather [hbm4b:s5+s3], $0x2800, $0x38;
	[tilespmem:$0x16B40] =	vst v63  }
0x12: {  	_ =	swait.ge [sflag:s12], $0x2800  }
0x13: {  	[sflag:s12] =	ssyncset.done $0x0  }
0x14: {  	[sflag:s12] =	ssyncadd.s32 $0xFFFFD800  }
0x15: {  	[tilespmem:s13], [sflag:$0x9] =	stream.linear.gather [hbm4b:s7+s3], $0x2800, $0x38;
	[tilespmem:$0x16B40] =	vst v63  }
0x16: {  	_ =	swait.ge [sflag:s12], $0x2800  }
0x17: {  	[sflag:s12] =	ssyncset.done $0x0  }
0x18: {  	[sflag:s12] =	ssyncadd.s32 $0xFFFFD800  }
0x19: {  	[tilespmem:$0xCD00] =	vst v0  }
0x1a: {  	[tilespmem:$0xCD10] =	vst v0  }
0x1b: {  	[tilespmem:$0xCD20] =	vst v0  }
0x1c: {  	[tilespmem:$0xCD30] =	vst v0  }
0x1d: {  	[tilespmem:$0xCD40] =	vst v0  }
0x1e: {  	[tilespmem:$0xCD50] =	vst v0  }
0x1f: {  	[tilespmem:$0xCD60] =	vst v0  }
0x20: {  	[tilespmem:$0xCD70] =	vst v0  }
0x21: {  	[tilespmem:$0xCD80] =	vst v0  }
0x22: {  	[tilespmem:$0xCD90] =	vst v0  }
0x23: {  	[tilespmem:$0xCDA0] =	vst v0  }
0x24: {  	[tilespmem:$0xCDB0] =	vst v0  }
0x25: {  	[tilespmem:$0xCDC0] =	vst v0  }
0x26: {  	[tilespmem:$0xCDD0] =	vst v0  }
0x27: {  	[tilespmem:$0xCDE0] =	vst v0  }
0x28: {  	[tilespmem:$0xCDF0] =	vst v0  }
0x29: {  	[tilespmem:$0xCE00] =	vst v0  }
0x2a: {  	[tilespmem:$0xCE10] =	vst v0  }
0x2b: {  	[tilespmem:$0xCE20] =	vst v0  }
0x2c: {  	[tilespmem:$0xCE30] =	vst v0  }
0x2d: {  	[tilespmem:$0xCE40] =	vst v0  }
0x2e: {  	[tilespmem:$0xCE50] =	vst v0  }
0x2f: {  	[tilespmem:$0xCE60] =	vst v0  }
0x30: {  	[tilespmem:$0xCE70] =	vst v0  }
0x31: {  	[tilespmem:$0xCE80] =	vst v0  }
0x32: {  	[tilespmem:$0xCE90] =	vst v0  }
0x33: {  	[tilespmem:$0xCEA0] =	vst v0  }
0x34: {  	[tilespmem:$0xCEB0] =	vst v0  }
0x35: {  	[tilespmem:$0xCEC0] =	vst v0  }
0x36: {  	p1 =	sne.s32 s6, $0x1;
	[tilespmem:$0xCED0] =	vst v0  }
.Ltmp0:
0x37: {  	[tilespmem:$0xCEE0] =	vst v0;
	(pc) =	sbr.rel @!p1 .LBB2_3-.Ltmp0, $4  }
0x38: {  	[tilespmem:$0xCEF0] =	vst v0  }
0x39: {  	[spmem:s8] =	stream.linear.scatter [tilespmem:s14], [sflag:$0x9], $0x200, $0x38;
	[tilespmem:$0x16B40] =	vst v63  }
0x3a: {  	_ =	swait.ge [sflag:s12], $0x200  }
0x3b: {  	s0 =	sadd.s32 $0xFFFFFFFF, s6;
	s1 =	smov.u32 s8;
	[sflag:s12] =	ssyncset.done $0x0  }
.LBB2_2:
0x3c: {  	p1 =	sne.s32 s0, $0x1;
	[sflag:s12] =	ssyncadd.s32 $0xFFFFFE00;
	s1 =	sadd.s32 $0x200, s1  }
.Ltmp1:
0x3d: {  	s0 =	sadd.s32 $0xFFFFFFFF, s0;
	(pc) =	sbr.rel @p1 .LBB2_2-.Ltmp1, $4  }
0x3e: {  	_ = 	snop  }
0x3f: {  	[spmem:s1] =	stream.linear.scatter [tilespmem:s14], [sflag:$0x9], $0x200, $0x38;
	[tilespmem:$0x16B40] =	vst v63  }
0x40: {  	_ =	swait.ge [sflag:s12], $0x200  }
0x41: {  	[sflag:s12] =	ssyncset.done $0x0  }
.LBB2_3:
0x42: {  	[sflag:s12] =	ssyncadd.s32 $0xFFFFFE00  }
0x43: {  	[bflag:$0x0] =	sbarrier.arrive $0xFFFF  }
0x44: {  	[tilespmem:s16], [sflag:$0x1] =	stream.indirect.gather [hbm4b:s4+s15], $0x40, s3, s15, $0xb8;
	[tilespmem:$0x16B40] =	vst v63  }
0x45: {  	s0 =	simm.s32 $0x80;
	s1 =	simm.s32 $0x6F40  }
0x46: {  	[tilespmem:s1], [sflag:$0x2] =	stream.indirect.gather [hbm4b:s4+s15], $0x40, s0, s15, $0xb8;
	[tilespmem:$0x16B40] =	vst v63  }
0x47: {  	s18 =	simm.s32 $0x100;
	s19 =	simm.s32 $0x8E80;
	s20 =	simm.s32 $0x180  }
0x48: {  	[tilespmem:s19], [sflag:$0x3] =	stream.indirect.gather [hbm4b:s4+s15], $0x40, s18, s15, $0xb8;
	[tilespmem:$0x16B40] =	vst v63  }
0x49: {  	s22 =	simm.s32 $0xADC0;
	s23 =	simm.s32 $0x1;
	_ =	swait.ge [sflag:s21], $0x1F40  }
0x4a: {  	s31 =	simm.s32 $0x200;
	p1 =	por $0x0, $0x0;
	[sflag:s21] =	ssyncset.done $0x0  }
0x4b: {  	s0 =	sand.u32 $0x3, s23;
	s1 =	simm.s32 $0x4;
	[sflag:s21] =	ssyncadd.s32 $0xFFFFE0C0  }
0x4c: {  	[spmem:s2] =	stream.indirect.scatter.add.f32 [tilespmem:s16], [sflag:$0x5], $0x40, s13, s15, $0xb8;
	[tilespmem:$0x16B40] =	vst v63  }
0x4d: {  	s17 =	smul.u32 $0x7D00, s0;
	s1 =	sand.u32 @!p1 $0x3, s1;
	s18 =	sadd.s32 $0x1, s0  }
0x4e: {  	[tilespmem:s22], [sflag:$0x4] =	stream.indirect.gather [hbm4b:s4+s15], $0x40, s20, s15, $0xb8;
	[tilespmem:$0x16B40] =	vst v63  }
0x4f: {  	s19 =	simm.s32 $0x2880;
	s17 =	sshrl.u32 s17, $0x2;
	_ =	swait.ge [sflag:s18], $0x1F40  }
0x50: {  	s0 =	sadd.s32 $0x5, s0;
	s17 =	sadd.s32 $0x5000, s17;
	[sflag:s18] =	ssyncset.done $0x0  }
0x51: {  	s20 =	smul.u32 @!p1 $0x7D00, s1;
	s22 =	simm.s32 @!p1 $0x7D;
	[sflag:s18] =	ssyncadd.s32 $0xFFFFE0C0  }
0x52: {  	[spmem:s2] =	stream.indirect.scatter.add.f32 [tilespmem:s17], [sflag:s0], $0x40, s19, s15, $0xb8;
	[tilespmem:$0x16B40] =	vst v63  }
0x53: {  	s18 =	sadd.s32 @!p1 $0x5, s1;
	s0 =	simm.s32 $0x5;
	s19 =	sadd.s32 @!p1 $0x1, s1  }
0x54: {  	s17 =	sshrl.u32 @!p1 s20, $0x2;
	s1 =	simm.s32 $0x2900;
	_ =	swait.ge @!p1 [sflag:s18], $0x1F40  }
0x55: {  	s20 =	sadd.s32 @!p1 $0x5000, s17;
	s17 =	simm.s32 $0x200;
	[sflag:s18] =	ssyncset.done @!p1 $0x0  }
.LBB2_4:
0x56: {  	[sflag:s18] =	ssyncadd.s32 @!p1 $0xFFFFE0C0  }
0x57: {  	s31 =	sadd.s32 $0x80, s31;
	s18 =	smov.u32 s0;
	s0 =	sadd.s32 $0x1, s0  }
0x58: {  	[tilespmem:s20], [sflag:s19] =	stream.indirect.gather @!p1 [hbm4b:s4+s22], $0x40, s17, s22, $0xb8;
	[tilespmem:$0x16B40] =	vst v63  }
0x59: {  	s19 =	sadd.s32 $0xFFFFFFFD, s18;
	p2 =	sne.s32 s0, $0x53;
	s17 =	smov.u32 s31  }
0x5a: {  	s20 =	sand.u32 $0x3, s19  }
0x5b: {  	s22 =	smul.u32 $0x7D00, s20;
	s23 =	sadd.s32 $0x1, s20  }
0x5c: {  	p1 =	sgt.u32 s19, $0x4C;
	s20 =	sadd.s32 $0x5, s20;
	_ =	swait.ge [sflag:s23], $0x1F40  }
0x5d: {  	s19 =	sand.u32 @!p1 $0x3, s18;
	s22 =	sshrl.u32 s22, $0x2;
	[sflag:s23] =	ssyncset.done $0x0  }
.Ltmp2:
0x5e: {  	s22 =	sadd.s32 $0x5000, s22;
	[sflag:s23] =	ssyncadd.s32 $0xFFFFE0C0;
	(pc) =	sbr.rel @p2 .LBB2_4-.Ltmp2, $4  }
0x5f: {  	s18 =	sadd.s32 @!p1 $0x5, s19;
	s23 =	smul.u32 @!p1 $0x7D00, s19;
	s19 =	sadd.s32 @!p1 $0x1, s19  }
0x60: {  	[spmem:s2] =	stream.indirect.scatter.add.f32 [tilespmem:s22], [sflag:s20], $0x40, s1, s15, $0xb8;
	[tilespmem:$0x16B40] =	vst v63  }
0x61: {  	s20 =	sshrl.u32 @!p1 s23, $0x2;
	s1 =	sadd.s32 $0x80, s1;
	_ =	swait.ge @!p1 [sflag:s18], $0x1F40  }
0x62: {  	s22 =	simm.s32 @!p1 $0x7D;
	s20 =	sadd.s32 @!p1 $0x5000, s20;
	[sflag:s18] =	ssyncset.done @!p1 $0x0  }
0x63: {  	[sflag:s18] =	ssyncadd.s32 @!p1 $0xFFFFE0C0  }
0x64: {  	[tilespmem:s20], [sflag:s19] =	stream.indirect.gather @!p1 [hbm4b:s4+s22], $0x40, s17, s22, $0xb8;
	[tilespmem:$0x16B40] =	vst v63  }
0x65: {  	_ =	swait.ge [sflag:s24], $0x1F40  }
0x66: {  	[sflag:s24] =	ssyncset.done $0x0  }
0x67: {  	[sflag:s24] =	ssyncadd.s32 $0xFFFFE0C0  }
0x68: {  	_ =	swait.ge [sflag:s26], $0x1F40  }
0x69: {  	[sflag:s26] =	ssyncset.done $0x0  }
0x6a: {  	[sflag:s26] =	ssyncadd.s32 $0xFFFFE0C0  }
0x6b: {  	_ =	swait.ge [sflag:s28], $0x1F40  }
0x6c: {  	[sflag:s28] =	ssyncset.done $0x0  }
0x6d: {  	[sflag:s28] =	ssyncadd.s32 $0xFFFFE0C0  }
0x6e: {  	_ =	swait.ge [sflag:s29], $0x1F40  }
0x6f: {  	s0 =	simm.s32 @p0 $0x1;
	[sflag:s29] =	ssyncset.done $0x0  }
0x70: {  	s1 =	simm.s32 @p0 $0x10;
	s18 =	simm.s32 @p0 $0x1FC9;
	[sflag:s29] =	ssyncadd.s32 $0xFFFFE0C0  }
0x71: {  	s30 =	sadd.s32 $0x1, s30;
	s17 =	simm.s32 @p0 $0x8;
	[bflag:$0x0] =	sbarrier.arrive $0xFFFF  }
0x72: {  	[hbm:s10@s1], [sflag:s18] =	dma.strided @p0 [spmem:s25@s17], $0x1040, s0, $0x8   }
0x73: {  	s19 =	simm.s32 @!p0 $0x8;
	p1 =	sne.s32 s30, s11;
	s0 =	simm.s32 @p0 $0x9  }
0x74: {  	s1 =	stileid.u32;
	s17 =	simm.s32 @!p0 $0x1;
	_ =	swait.ge @p0 [sflag:s0], $0x1040  }
0x75: {  	s18 =	simm.s32 @!p0 $0x10;
	s1 =	sshll.u32 @!p0 s1, $0x6;
	[sflag:s0] =	ssyncset.done @p0 $0x0  }
0x76: {  	[sflag:s0] =	ssyncadd.s32 @p0 $0xFFFFEFC0;
	s0 =	sor.u32 @!p0 $0x1C09, s1;
	s1 =	sshrl.u32 @!p0 s8, $0x3  }
0x77: {  	[hbm:s9@s18], [sflag:s0] =	dma.strided @!p0 [spmem:s1@s19], $0x13C0, s17, $0x8   }
.Ltmp3:
0x78: {  	_ = 	snop;
	(pc) =	sbr.rel @p1 .LBB2_1-.Ltmp3, $4  }
0x79: {  	s0 =	simm.s32 @!p0 $0x9  }
0x7a: {  	_ =	swait.ge @!p0 [sflag:s0], $0x13C0  }
0x7b: {  	[sflag:s0] =	ssyncset.done @!p0 $0x0  }
0x7c: {  	[sflag:s0] =	ssyncadd.s32 @!p0 $0xFFFFEC40  }
0x7d: {  	_ =	sfence.sel $0x180000  }
0x7e: {  	[bflag:$0x0] =	sbarrier.arrive $0xFFFF  }
0x7f: {  	_ =	strace $0x9000004D  }
0x80: {  	s0 =	stileid.u32;
	[bflag:$0x2] =	sbarrier.arrive $0xFFFF  }
0x81: {  	p0 =	sne.s32 s0, $0x0;
	s0 =	rddreg [dreg:$0x2]  }
0x82: {  	s0 =	sadd.s32 @!p0 $0x100000, s0  }
0x83: {  	[sflag:s0] =	ssyncadd.tile.s32 @!p0 $0x1;
	_ =	shalt  }
.Lfunc_end2:
_tile_overlayer_lowered:
.L_overlay_start_2:
0x84: {  	(tag) =	ssettag $0x2  }
0x85: {  	s0 =	rddreg [dreg:$0x0];
	s2 =	stileid.u32  }
0x86: {  	s1 =	rddreg [dreg:$0x1];
	p0 =	sne.s32 s2, $0x0  }
0x87: {  	s3 =	rddreg [dreg:$0x2];
	[bflag:$0x3] =	sbarrier.arrive $0xFFFF;
	s2 =	simm.s32 @!p0 $0x1C09  }
0x88: {  	[timem:s3], [sflag:s2] =	dma.local @!p0 [hbm:s0], s1  }
0x89: {  	s0 =	simm.s32 @!p0 $0x9  }
0x8a: {  	_ =	swait.ge @!p0 [sflag:s0], s1  }
0x8b: {  	s1 =	ssub.s32 @!p0 $0x0, s1;
	[sflag:s0] =	ssyncset.done @!p0 $0x0  }
0x8c: {  	[sflag:s0] =	ssyncadd.s32 @!p0 s1  }
0x8d: {  	[bflag:$0x3] =	sbarrier.arrive $0xFFFF  }
0x8e: {  	_ =	shalt  }

// kernel: kernel.9.cloned.1.call-start
scs
__scs_entry_jumppad:
0x0: {  	(pc) =	sbr.rel $0x88, $3  }
0x1: {  	(tag) =	ssettag $0x0;
	lr =	simm.s32 $0x1  }
0x2: {  	[smem:$0x3F93] =	sst lr;
	_ =	strace $0xD0000000  }
0x3: {  	_ = 	snop  }
0x4: {  	_ = 	snop  }
0x5: {  	_ = 	snop  }
0x6: {  	_ = 	snop  }
0x7: {  	_ = 	snop  }
__scs_overlays_trampoline_lowered:
0x8: {  	[smem:$0x3FA2] =	sst s0  }
0x9: {  	[smem:$0x3FA3] =	sst s1  }
0xa: {  	[smem:$0x3FA4] =	sst s2  }
0xb: {  	[smem:$0x3FA5] =	sst s3  }
0xc: {  	[smem:$0x3FA6] =	sst s4  }
0xd: {  	[smem:$0x3FA7] =	sst s5  }
0xe: {  	[smem:$0x3FA8] =	sst s6  }
0xf: {  	[smem:$0x3FA9] =	sst s7  }
0x10: {  	[smem:$0x3FAA] =	sst s8  }
0x11: {  	[smem:$0x3FAB] =	sst s9;
	s0 =	simm.s32 @!p0 $0x0  }
0x12: {  	s1 =	sld [smem:$0x3F91];
	s0 =	simm.s32 @p0 $0x1  }
0x13: {  	[smem:$0x3FAC] =	sst s0;
	s0 =	simm.s32 @!p1 $0x0  }
0x14: {  	s2 =	sld [smem:$0x3F90];
	s0 =	simm.s32 @p1 $0x1  }
0x15: {  	[smem:$0x3FAD] =	sst s0;
	s0 =	simm.s32 @!p2 $0x0  }
0x16: {  	s3 =	sld [smem:$0x3FDB];
	s0 =	simm.s32 @p2 $0x1  }
0x17: {  	s4 =	simm.s32 $0x1BF5;
	[smem:$0x3FAF] =	sst s0  }
0x18: {  	s0 =	sld [smem:$0x3F92];
	_ =	swait.ge [sflag:s4], $0x0  }
0x19: {  	s7 =	sld [smem:$0x3F93]  }
0x1a: {  	s8 =	sadd.s32 $0xFFFFE003, lr  }
0x1b: {  	s9 =	sadd.s32 $0xFFFFFEF7, lr;
	s5 =	simm.s32 $0xFFFFFFFF;
	p2 =	slt.u32 s8, $0xFFFFF086  }
0x1c: {  	p1 =	slt.u32 s9, $0xF7A;
	s5 =	simm.s32 @!p2 $0x0  }
0x1d: {  	s5 =	simm.s32 @p1 $0x1;
	p0 =	seq.s32 s7, s2  }
0x1e: {  	s7 =	smul.u32 @!p0 $0xF7A, s2;
	p2 =	seq.s32 @!p0 s5, $0x0  }
0x1f: {  	s9 =	smul.u32 $0xF7A, s1;
	s8 =	simm.s32 @!p0 $0x1BF5;
	p2 =	por !p2, p0  }
0x20: {  	[sflag:s8] =	ssyncset.s32 @!p0 $0xFFFFF086;
	s6 =	sadd.s32 @!p0 s3, s7;
	s7 =	simm.s32 @!p0 $0x108  }
0x21: {  	s3 =	sadd.s32 s3, s9;
	s6 =	sadd.s32 @!p0 $0x88, s6;
	s7 =	simm.s32 @p2 $0x1082  }
0x22: {  	[simem:s7], [sflag:s8] =	dma.local @!p0 [hbm:s6], $0xF7A  }
0x23: {  	s9 =	sor.u32 $0xD0000000, s2;
	s6 =	simm.s32 $0x108;
	_ =	swait.ge @!p0 [sflag:s8], $0x0  }
0x24: {  	s3 =	sadd.s32 $0x88, s3;
	s6 =	simm.s32 @!p1 $0x1082;
	[sflag:s4] =	ssyncset.s32 $0xFFFFF086  }
0x25: {  	[simem:s6], [sflag:s4] =	dma.local [hbm:s3], $0xF7A  }
0x26: {  	[smem:$0x3F93] =	sst s1;
	(tag) =	ssettag s2;
	_ =	strace s9  }
0x27: {  	s1 =	sld [smem:$0x3FA3]  }
0x28: {  	s2 =	sld [smem:$0x3FA4]  }
0x29: {  	s4 =	sld [smem:$0x3FA6]  }
0x2a: {  	p0 =	seq.s32 s5, $0x0;
	s5 =	sld [smem:$0x3FA7]  }
0x2b: {  	s6 =	sld [smem:$0x3FA8]  }
0x2c: {  	s7 =	sld [smem:$0x3FA9]  }
0x2d: {  	s3 =	simm.s32 $0x108;
	s8 =	sld [smem:$0x3FAA]  }
0x2e: {  	s3 =	simm.s32 @!p0 $0x1082;
	s9 =	sld [smem:$0x3FAB]  }
0x2f: {  	lr =	sadd.s32 s0, s3;
	s0 =	sld [smem:$0x3FA2]  }
0x30: {  	s3 =	sld [smem:$0x3FA5]  }
0x31: {  	[smem:$0x3FAE] =	sst s10  }
0x32: {  	s10 =	sld [smem:$0x3FAC];
	_ =	sdelay $0x3  }
0x33: {  	p0 =	seq.s32 s10, $0x1;
	s10 =	sld [smem:$0x3FAE];
	_ =	sdelay $0x3  }
0x34: {  	[smem:$0x3FAE] =	sst s10  }
0x35: {  	s10 =	sld [smem:$0x3FAD];
	_ =	sdelay $0x3  }
0x36: {  	p1 =	seq.s32 s10, $0x1;
	s10 =	sld [smem:$0x3FAE];
	_ =	sdelay $0x3  }
0x37: {  	[smem:$0x3FAE] =	sst s10  }
0x38: {  	s10 =	sld [smem:$0x3FAF]  }
0x39: {  	_ = 	snop;
	(pc) =	sbr.ind lr, $3  }
0x3a: {  	_ = 	snop  }
0x3b: {  	_ = 	snop  }
0x3c: {  	p2 =	seq.s32 s10, $0x1;
	s10 =	sld [smem:$0x3FAE]  }
0x3d: {  	_ =	shalt  }
0x3e: {  	_ =	shalt  }
0x3f: {  	_ =	shalt  }
0x40: {  	_ =	shalt  }
0x41: {  	_ =	shalt  }
0x42: {  	_ =	shalt  }
0x43: {  	_ =	shalt  }
0x44: {  	_ =	shalt  }
0x45: {  	_ =	shalt  }
0x46: {  	_ =	shalt  }
0x47: {  	_ =	shalt  }
0x48: {  	_ =	shalt  }
0x49: {  	_ =	shalt  }
0x4a: {  	_ =	shalt  }
0x4b: {  	_ =	shalt  }
0x4c: {  	_ =	shalt  }
0x4d: {  	_ =	shalt  }
0x4e: {  	_ =	shalt  }
0x4f: {  	_ =	shalt  }
0x50: {  	_ =	shalt  }
0x51: {  	_ =	shalt  }
0x52: {  	_ =	shalt  }
0x53: {  	_ =	shalt  }
0x54: {  	_ =	shalt  }
0x55: {  	_ =	shalt  }
0x56: {  	_ =	shalt  }
0x57: {  	_ =	shalt  }
0x58: {  	_ =	shalt  }
0x59: {  	_ =	shalt  }
0x5a: {  	_ =	shalt  }
0x5b: {  	_ =	shalt  }
0x5c: {  	_ =	shalt  }
0x5d: {  	_ =	shalt  }
0x5e: {  	_ =	shalt  }
0x5f: {  	_ =	shalt  }
0x60: {  	_ =	shalt  }
0x61: {  	_ =	shalt  }
0x62: {  	_ =	shalt  }
0x63: {  	_ =	shalt  }
0x64: {  	_ =	shalt  }
0x65: {  	_ =	shalt  }
0x66: {  	_ =	shalt  }
0x67: {  	_ =	shalt  }
0x68: {  	_ =	shalt  }
0x69: {  	_ =	shalt  }
0x6a: {  	_ =	shalt  }
0x6b: {  	_ =	shalt  }
0x6c: {  	_ =	shalt  }
0x6d: {  	_ =	shalt  }
0x6e: {  	_ =	shalt  }
0x6f: {  	_ =	shalt  }
0x70: {  	_ =	shalt  }
0x71: {  	_ =	shalt  }
0x72: {  	_ =	shalt  }
0x73: {  	_ =	shalt  }
0x74: {  	_ =	shalt  }
0x75: {  	_ =	shalt  }
0x76: {  	_ =	shalt  }
0x77: {  	_ =	shalt  }
0x78: {  	_ =	shalt  }
0x79: {  	_ =	shalt  }
0x7a: {  	_ =	shalt  }
0x7b: {  	_ =	shalt  }
0x7c: {  	_ =	shalt  }
0x7d: {  	_ =	shalt  }
0x7e: {  	_ =	shalt  }
0x7f: {  	_ =	shalt  }
0x80: {  	_ =	shalt  }
0x81: {  	_ =	shalt  }
0x82: {  	_ =	shalt  }
0x83: {  	_ =	shalt  }
0x84: {  	_ =	shalt  }
0x85: {  	_ =	shalt  }
0x86: {  	_ =	shalt  }
0x87: {  	_ =	shalt  }
.Lfunc_end0:
.L_simem_size_0:
called_computation_lowered:
.L_overlay_start_0:
0x88: {  	s2 =	sld [smem:$0x3FD9]  }
0x89: {  	s3 =	sld [smem:$0x3FFE];
	_ =	sdelay $0x1  }
0x8a: {  	s1 =	srdreg.scid  }
0x8b: {  	s0 =	sand.u32 $0x1, s1  }
0x8c: {  	s16 =	sshll.u32 s0, $0xA;
	s2 =	sadd.s32 s3, s2  }
0x8d: {  	s2 =	sadd.s32 s2, s16  }
0x8e: {  	[smem:$0x3FBA] =	sst s2  }
0x8f: {  	_ = 	snop  }
0x90: {  	(tm) =	ssettm $0x1  }
0x91: {  	s17 =	sld [smem:$0x3FFB];
	_ =	sdelay $0x3  }
0x92: {  	_ =	strace s17  }
0x93: {  	s2 =	sld [smem:$0x3FFC];
	_ =	sdelay $0x3  }
0x94: {  	_ =	strace s2  }
0x95: {  	s2 =	sld [smem:$0x3FFD];
	_ =	sdelay $0x3  }
0x96: {  	_ =	strace s2  }
0x97: {  	_ =	strace $0x8FFFFFFF  }
0x98: {  	s18 =	sld [smem:$0x3FDB];
	_ =	sdelay $0x1  }
0x99: {  	s19 =	simm.s32 $_scs_section_size  }
0x9a: {  	s4 =	simm.s32 $_size__tile_overlayer_lowered;
	s5 =	simm.s32 $_tile_overlayer_lowered  }
0x9b: {  	s22 =	simm.s32 $0x1BFF;
	s21 =	sshll.u32 s5, $0x1;
	s2 =	sadd.s32 s19, s18  }
0x9c: {  	s6 =	simm.s32 $0x0;
	s20 =	sshll.u32 s4, $0x1;
	s4 =	sadd.s32 s21, s2  }
0x9d: {  	[timem:s6], [sflag:s22] =	dma.local [hbm:s4], s20  }
0x9e: {  	_ =	swait.ge [sflag:s22], s20  }
0x9f: {  	s3 =	ssub.s32 $0x0, s20;
	[sflag:s22] =	ssyncset.done $0x0  }
0xa0: {  	[sflag:s22] =	ssyncadd.s32 s3;
	_ =	sdelay $0x1  }
0xa1: {  	s23 =	simm.s32 $0x1B8B  }
0xa2: {  	_ =	swait.ge [sflag:s23], $0x1  }
0xa3: {  	[sflag:s23] =	ssyncset.done $0x0  }
0xa4: {  	s25 =	simm.s32 $0x1B8E;
	s24 =	sld [smem:$0x3FFE];
	[sflag:s23] =	ssyncadd.s32 $0xFFFFFFFF  }
0xa5: {  	s26 =	simm.s32 $execute0_lowered;
	[smem:$0x3FD2] =	sst s25  }
0xa6: {  	s4 =	sshll.u32 s26, $0x1;
	_ =	strace $0x80000046;
	[dreg:$0x1] =	wrdreg $0xFFFFFFFF  }
0xa7: {  	s28 =	simm.s32 $_size_execute0_lowered;
	s2 =	sadd.s32 s2, s4;
	[dreg:$0x0] =	wrdreg $0x0  }
0xa8: {  	s4 =	sshll.u32 s28, $0x1;
	[dreg:$0x2] =	wrdreg s2  }
0xa9: {  	[dreg:$0x3] =	wrdreg s4  }
0xaa: {  	[dreg:$0x4] =	wrdreg $0xC0  }
0xab: {  	_ =	task [dreg:s6], $0x5FFFF  }
0xac: {  	[dreg:$0x1] =	wrdreg $0xFFFFFFFF  }
0xad: {  	[dreg:$0x0] =	wrdreg $0x60  }
0xae: {  	[dreg:$0x2] =	wrdreg s24  }
0xaf: {  	[dreg:$0x3] =	wrdreg $0xCF000  }
0xb0: {  	[dreg:$0x4] =	wrdreg $0x9  }
0xb1: {  	_ =	task.clear_ibuf [dreg:s6], $0x5FFFF;
	_ =	strace $0x90000046  }
0xb2: {  	s29 =	simm.s32 $0x9;
	_ =	strace $0x80000048  }
0xb3: {  	_ =	swait.ge [sflag:s29], $0x1  }
0xb4: {  	[sflag:s29] =	ssyncadd.s32 $0xFFFFFFFF  }
0xb5: {  	_ =	strace $0x90000048  }
0xb6: {  	_ =	sfence  }
0xb7: {  	s30 =	sld [smem:$0x0];
	_ =	sdelay $0x2  }
0xb8: {  	s31 =	sshll.u32 s1, $0xD;
	s1 =	sshrl.u32 s1, $0x2  }
0xb9: {  	s3 =	sand.u32 $0x4000, s31;
	s1 =	sadd.s32 s1, s30  }
0xba: {  	s0 =	sor.u32 s3, s0;
	s1 =	sshll.u32 s1, $0x11  }
0xbb: {  	s0 =	sor.u32 s1, s0  }
0xbc: {  	s0 =	sadd.s32 $0x8F2B, s0  }
0xbd: {  	[sflag:s0] =	ssyncadd.remote.s32 $0x1  }
0xbe: {  	_ =	sfence.sel $0xFFFF  }
0xbf: {  	[dreg:$0x0] =	wrdreg $0xFFFFFFFF;
	(pc) =	sbr.abs _section_cstart, $3  }
0xc0: {  	[dreg:$0x1] =	wrdreg $0xFFFFFFFF  }
0xc1: {  	_ =	task.clear_ibuf [dreg:s6], $0x2FFFF;
	_ =	strace $0x9FFFFFFF  }
0xc2: {  	(tm) =	ssettm $0x7FFFFFFF  }
0xc3: {  	_ =	shalt  }
tec
execute0_lowered:
.L_overlay_start_1:
0x0: {  	(tag) =	ssettag $0x1  }
0x1: {  	s0 =	srdreg.scid;
	s1 =	rddreg [dreg:$0x0]  }
0x2: {  	s2 =	rddreg [dreg:$0x1];
	s9 =	stileid.u32;
	s3 =	simm.s32 $0x0  }
0x3: {  	s12 =	simm.s32 $0x9;
	s13 =	simm.s32 $0x2800;
	s14 =	simm.s32 $0xCD00  }
0x4: {  	s15 =	simm.s32 $0x7D;
	s16 =	simm.s32 $0x5000;
	s21 =	simm.s32 $0x1  }
0x5: {  	s24 =	simm.s32 $0x5;
	s26 =	simm.s32 $0x6;
	s28 =	simm.s32 $0x7  }
0x6: {  	s29 =	simm.s32 $0x8;
	s30 =	simm.s32 $0x0;
	s0 =	sand.u32 $0x1, s0  }
0x7: {  	[smem:$0x7FF] =	sst s3;
	s8 =	smul.u32 $0x13C00, s9;
	p0 =	seq.s32 s9, $0xF  }
0x8: {  	s4 =	sshll.u32 s0, $0x4;
	s31 =	ssub.s32 $0x2, s0;
	s0 =	smul.u32 $0x138800, s0  }
0x9: {  	_ =	strace $0x80000047;
	s4 =	sor.u32 s9, s4;
	s9 =	smul.u32 $0x27800, s9  }
0xa: {  	s6 =	sshrl.u32 s31, $0x1;
	s5 =	smul.u32 $0x500, s4;
	s4 =	sadd.s32 $0x16A00, s1  }
0xb: {  	s11 =	ssub.s32 s31, s6;
	s6 =	simm.s32 $0x41;
	s8 =	sadd.s32 s8, s0  }
0xc: {  	s0 =	sshrl.u32 s0, $0x3;
	s6 =	simm.s32 @!p0 $0x4F;
	s9 =	sshrl.u32 s9, $0x2  }
0xd: {  	s10 =	sshrl.u32 s8, $0x3;
	s7 =	sadd.s32 s5, s1;
	s1 =	sadd.s32 $0x2A400, s1  }
0xe: {  	s11 =	smax.u32 s11, $0x1;
	s8 =	sadd.s32 s9, s2;
	s0 =	sadd.s32 s1, s0  }
0xf: {  	s9 =	sadd.s32 s1, s10;
	s10 =	sadd.s32 $0x25080, s0;
	s0 =	sadd.s32 $0x94200, s2  }
0x10: {  	v0 =	vimm.f32 $0.0e+00;
	s5 =	sadd.s32 $0x2A00, s7;
	s7 =	sadd.s32 $0xCA00, s7;
	s25 =	sshrl.u32 @p0 s0, $0x3  }
.LBB2_1:
0x11: {  	[tilespmem:s3], [sflag:$0x9] =	stream.linear.gather [hbm4b:s5+s3], $0x2800, $0x38;
	[tilespmem:$0x16B40] =	vst v63  }
0x12: {  	_ =	swait.ge [sflag:s12], $0x2800  }
0x13: {  	[sflag:s12] =	ssyncset.done $0x0  }
0x14: {  	[sflag:s12] =	ssyncadd.s32 $0xFFFFD800  }
0x15: {  	[tilespmem:s13], [sflag:$0x9] =	stream.linear.gather [hbm4b:s7+s3], $0x2800, $0x38;
	[tilespmem:$0x16B40] =	vst v63  }
0x16: {  	_ =	swait.ge [sflag:s12], $0x2800  }
0x17: {  	[sflag:s12] =	ssyncset.done $0x0  }
0x18: {  	[sflag:s12] =	ssyncadd.s32 $0xFFFFD800  }
0x19: {  	[tilespmem:$0xCD00] =	vst v0  }
0x1a: {  	[tilespmem:$0xCD10] =	vst v0  }
0x1b: {  	[tilespmem:$0xCD20] =	vst v0  }
0x1c: {  	[tilespmem:$0xCD30] =	vst v0  }
0x1d: {  	[tilespmem:$0xCD40] =	vst v0  }
0x1e: {  	[tilespmem:$0xCD50] =	vst v0  }
0x1f: {  	[tilespmem:$0xCD60] =	vst v0  }
0x20: {  	[tilespmem:$0xCD70] =	vst v0  }
0x21: {  	[tilespmem:$0xCD80] =	vst v0  }
0x22: {  	[tilespmem:$0xCD90] =	vst v0  }
0x23: {  	[tilespmem:$0xCDA0] =	vst v0  }
0x24: {  	[tilespmem:$0xCDB0] =	vst v0  }
0x25: {  	[tilespmem:$0xCDC0] =	vst v0  }
0x26: {  	[tilespmem:$0xCDD0] =	vst v0  }
0x27: {  	[tilespmem:$0xCDE0] =	vst v0  }
0x28: {  	[tilespmem:$0xCDF0] =	vst v0  }
0x29: {  	[tilespmem:$0xCE00] =	vst v0  }
0x2a: {  	[tilespmem:$0xCE10] =	vst v0  }
0x2b: {  	[tilespmem:$0xCE20] =	vst v0  }
0x2c: {  	[tilespmem:$0xCE30] =	vst v0  }
0x2d: {  	[tilespmem:$0xCE40] =	vst v0  }
0x2e: {  	[tilespmem:$0xCE50] =	vst v0  }
0x2f: {  	[tilespmem:$0xCE60] =	vst v0  }
0x30: {  	[tilespmem:$0xCE70] =	vst v0  }
0x31: {  	[tilespmem:$0xCE80] =	vst v0  }
0x32: {  	[tilespmem:$0xCE90] =	vst v0  }
0x33: {  	[tilespmem:$0xCEA0] =	vst v0  }
0x34: {  	[tilespmem:$0xCEB0] =	vst v0  }
0x35: {  	[tilespmem:$0xCEC0] =	vst v0  }
0x36: {  	p1 =	sne.s32 s6, $0x1;
	[tilespmem:$0xCED0] =	vst v0  }
.Ltmp0:
0x37: {  	[tilespmem:$0xCEE0] =	vst v0;
	(pc) =	sbr.rel @!p1 .LBB2_3-.Ltmp0, $4  }
0x38: {  	[tilespmem:$0xCEF0] =	vst v0  }
0x39: {  	[spmem:s8] =	stream.linear.scatter [tilespmem:s14], [sflag:$0x9], $0x200, $0x38;
	[tilespmem:$0x16B40] =	vst v63  }
0x3a: {  	_ =	swait.ge [sflag:s12], $0x200  }
0x3b: {  	s0 =	sadd.s32 $0xFFFFFFFF, s6;
	s1 =	smov.u32 s8;
	[sflag:s12] =	ssyncset.done $0x0  }
.LBB2_2:
0x3c: {  	p1 =	sne.s32 s0, $0x1;
	[sflag:s12] =	ssyncadd.s32 $0xFFFFFE00;
	s1 =	sadd.s32 $0x200, s1  }
.Ltmp1:
0x3d: {  	s0 =	sadd.s32 $0xFFFFFFFF, s0;
	(pc) =	sbr.rel @p1 .LBB2_2-.Ltmp1, $4  }
0x3e: {  	_ = 	snop  }
0x3f: {  	[spmem:s1] =	stream.linear.scatter [tilespmem:s14], [sflag:$0x9], $0x200, $0x38;
	[tilespmem:$0x16B40] =	vst v63  }
0x40: {  	_ =	swait.ge [sflag:s12], $0x200  }
0x41: {  	[sflag:s12] =	ssyncset.done $0x0  }
.LBB2_3:
0x42: {  	[sflag:s12] =	ssyncadd.s32 $0xFFFFFE00  }
0x43: {  	[bflag:$0x0] =	sbarrier.arrive $0xFFFF  }
0x44: {  	[tilespmem:s16], [sflag:$0x1] =	stream.indirect.gather [hbm4b:s4+s15], $0x40, s3, s15, $0xb8;
	[tilespmem:$0x16B40] =	vst v63  }
0x45: {  	s0 =	simm.s32 $0x80;
	s1 =	simm.s32 $0x6F40  }
0x46: {  	[tilespmem:s1], [sflag:$0x2] =	stream.indirect.gather [hbm4b:s4+s15], $0x40, s0, s15, $0xb8;
	[tilespmem:$0x16B40] =	vst v63  }
0x47: {  	s18 =	simm.s32 $0x100;
	s19 =	simm.s32 $0x8E80;
	s20 =	simm.s32 $0x180  }
0x48: {  	[tilespmem:s19], [sflag:$0x3] =	stream.indirect.gather [hbm4b:s4+s15], $0x40, s18, s15, $0xb8;
	[tilespmem:$0x16B40] =	vst v63  }
0x49: {  	s22 =	simm.s32 $0xADC0;
	s23 =	simm.s32 $0x1;
	_ =	swait.ge [sflag:s21], $0x1F40  }
0x4a: {  	s31 =	simm.s32 $0x200;
	p1 =	por $0x0, $0x0;
	[sflag:s21] =	ssyncset.done $0x0  }
0x4b: {  	s0 =	sand.u32 $0x3, s23;
	s1 =	simm.s32 $0x4;
	[sflag:s21] =	ssyncadd.s32 $0xFFFFE0C0  }
0x4c: {  	[spmem:s2] =	stream.indirect.scatter.add.f32 [tilespmem:s16], [sflag:$0x5], $0x40, s13, s15, $0xb8;
	[tilespmem:$0x16B40] =	vst v63  }
0x4d: {  	s17 =	smul.u32 $0x7D00, s0;
	s1 =	sand.u32 @!p1 $0x3, s1;
	s18 =	sadd.s32 $0x1, s0  }
0x4e: {  	[tilespmem:s22], [sflag:$0x4] =	stream.indirect.gather [hbm4b:s4+s15], $0x40, s20, s15, $0xb8;
	[tilespmem:$0x16B40] =	vst v63  }
0x4f: {  	s19 =	simm.s32 $0x2880;
	s17 =	sshrl.u32 s17, $0x2;
	_ =	swait.ge [sflag:s18], $0x1F40  }
0x50: {  	s0 =	sadd.s32 $0x5, s0;
	s17 =	sadd.s32 $0x5000, s17;
	[sflag:s18] =	ssyncset.done $0x0  }
0x51: {  	s20 =	smul.u32 @!p1 $0x7D00, s1;
	s22 =	simm.s32 @!p1 $0x7D;
	[sflag:s18] =	ssyncadd.s32 $0xFFFFE0C0  }
0x52: {  	[spmem:s2] =	stream.indirect.scatter.add.f32 [tilespmem:s17], [sflag:s0], $0x40, s19, s15, $0xb8;
	[tilespmem:$0x16B40] =	vst v63  }
0x53: {  	s18 =	sadd.s32 @!p1 $0x5, s1;
	s0 =	simm.s32 $0x5;
	s19 =	sadd.s32 @!p1 $0x1, s1  }
0x54: {  	s17 =	sshrl.u32 @!p1 s20, $0x2;
	s1 =	simm.s32 $0x2900;
	_ =	swait.ge @!p1 [sflag:s18], $0x1F40  }
0x55: {  	s20 =	sadd.s32 @!p1 $0x5000, s17;
	s17 =	simm.s32 $0x200;
	[sflag:s18] =	ssyncset.done @!p1 $0x0  }
.LBB2_4:
0x56: {  	[sflag:s18] =	ssyncadd.s32 @!p1 $0xFFFFE0C0  }
0x57: {  	s31 =	sadd.s32 $0x80, s31;
	s18 =	smov.u32 s0;
	s0 =	sadd.s32 $0x1, s0  }
0x58: {  	[tilespmem:s20], [sflag:s19] =	stream.indirect.gather @!p1 [hbm4b:s4+s22], $0x40, s17, s22, $0xb8;
	[tilespmem:$0x16B40] =	vst v63  }
0x59: {  	s19 =	sadd.s32 $0xFFFFFFFD, s18;
	p2 =	sne.s32 s0, $0x53;
	s17 =	smov.u32 s31  }
0x5a: {  	s20 =	sand.u32 $0x3, s19  }
0x5b: {  	s22 =	smul.u32 $0x7D00, s20;
	s23 =	sadd.s32 $0x1, s20  }
0x5c: {  	p1 =	sgt.u32 s19, $0x4C;
	s20 =	sadd.s32 $0x5, s20;
	_ =	swait.ge [sflag:s23], $0x1F40  }
0x5d: {  	s19 =	sand.u32 @!p1 $0x3, s18;
	s22 =	sshrl.u32 s22, $0x2;
	[sflag:s23] =	ssyncset.done $0x0  }
.Ltmp2:
0x5e: {  	s22 =	sadd.s32 $0x5000, s22;
	[sflag:s23] =	ssyncadd.s32 $0xFFFFE0C0;
	(pc) =	sbr.rel @p2 .LBB2_4-.Ltmp2, $4  }
0x5f: {  	s18 =	sadd.s32 @!p1 $0x5, s19;
	s23 =	smul.u32 @!p1 $0x7D00, s19;
	s19 =	sadd.s32 @!p1 $0x1, s19  }
0x60: {  	[spmem:s2] =	stream.indirect.scatter.add.f32 [tilespmem:s22], [sflag:s20], $0x40, s1, s15, $0xb8;
	[tilespmem:$0x16B40] =	vst v63  }
0x61: {  	s20 =	sshrl.u32 @!p1 s23, $0x2;
	s1 =	sadd.s32 $0x80, s1;
	_ =	swait.ge @!p1 [sflag:s18], $0x1F40  }
0x62: {  	s22 =	simm.s32 @!p1 $0x7D;
	s20 =	sadd.s32 @!p1 $0x5000, s20;
	[sflag:s18] =	ssyncset.done @!p1 $0x0  }
0x63: {  	[sflag:s18] =	ssyncadd.s32 @!p1 $0xFFFFE0C0  }
0x64: {  	[tilespmem:s20], [sflag:s19] =	stream.indirect.gather @!p1 [hbm4b:s4+s22], $0x40, s17, s22, $0xb8;
	[tilespmem:$0x16B40] =	vst v63  }
0x65: {  	_ =	swait.ge [sflag:s24], $0x1F40  }
0x66: {  	[sflag:s24] =	ssyncset.done $0x0  }
0x67: {  	[sflag:s24] =	ssyncadd.s32 $0xFFFFE0C0  }
0x68: {  	_ =	swait.ge [sflag:s26], $0x1F40  }
0x69: {  	[sflag:s26] =	ssyncset.done $0x0  }
0x6a: {  	[sflag:s26] =	ssyncadd.s32 $0xFFFFE0C0  }
0x6b: {  	_ =	swait.ge [sflag:s28], $0x1F40  }
0x6c: {  	[sflag:s28] =	ssyncset.done $0x0  }
0x6d: {  	[sflag:s28] =	ssyncadd.s32 $0xFFFFE0C0  }
0x6e: {  	_ =	swait.ge [sflag:s29], $0x1F40  }
0x6f: {  	s0 =	simm.s32 @p0 $0x1;
	[sflag:s29] =	ssyncset.done $0x0  }
0x70: {  	s1 =	simm.s32 @p0 $0x10;
	s18 =	simm.s32 @p0 $0x1FC9;
	[sflag:s29] =	ssyncadd.s32 $0xFFFFE0C0  }
0x71: {  	s30 =	sadd.s32 $0x1, s30;
	s17 =	simm.s32 @p0 $0x8;
	[bflag:$0x0] =	sbarrier.arrive $0xFFFF  }
0x72: {  	[hbm:s10@s1], [sflag:s18] =	dma.strided @p0 [spmem:s25@s17], $0x1040, s0, $0x8   }
0x73: {  	s19 =	simm.s32 @!p0 $0x8;
	p1 =	sne.s32 s30, s11;
	s0 =	simm.s32 @p0 $0x9  }
0x74: {  	s1 =	stileid.u32;
	s17 =	simm.s32 @!p0 $0x1;
	_ =	swait.ge @p0 [sflag:s0], $0x1040  }
0x75: {  	s18 =	simm.s32 @!p0 $0x10;
	s1 =	sshll.u32 @!p0 s1, $0x6;
	[sflag:s0] =	ssyncset.done @p0 $0x0  }
0x76: {  	[sflag:s0] =	ssyncadd.s32 @p0 $0xFFFFEFC0;
	s0 =	sor.u32 @!p0 $0x1C09, s1;
	s1 =	sshrl.u32 @!p0 s8, $0x3  }
0x77: {  	[hbm:s9@s18], [sflag:s0] =	dma.strided @!p0 [spmem:s1@s19], $0x13C0, s17, $0x8   }
.Ltmp3:
0x78: {  	_ = 	snop;
	(pc) =	sbr.rel @p1 .LBB2_1-.Ltmp3, $4  }
0x79: {  	s0 =	simm.s32 @!p0 $0x9  }
0x7a: {  	_ =	swait.ge @!p0 [sflag:s0], $0x13C0  }
0x7b: {  	[sflag:s0] =	ssyncset.done @!p0 $0x0  }
0x7c: {  	[sflag:s0] =	ssyncadd.s32 @!p0 $0xFFFFEC40  }
0x7d: {  	_ =	sfence.sel $0x180000  }
0x7e: {  	[bflag:$0x0] =	sbarrier.arrive $0xFFFF  }
0x7f: {  	_ =	strace $0x90000047  }
0x80: {  	s0 =	stileid.u32;
	[bflag:$0x2] =	sbarrier.arrive $0xFFFF  }
0x81: {  	p0 =	sne.s32 s0, $0x0;
	s0 =	rddreg [dreg:$0x2]  }
0x82: {  	s0 =	sadd.s32 @!p0 $0x100000, s0  }
0x83: {  	[sflag:s0] =	ssyncadd.tile.s32 @!p0 $0x1;
	_ =	shalt  }
.Lfunc_end2:
_tile_overlayer_lowered:
.L_overlay_start_2:
0x84: {  	(tag) =	ssettag $0x2  }
0x85: {  	s0 =	rddreg [dreg:$0x0];
	s2 =	stileid.u32  }
0x86: {  	s1 =	rddreg [dreg:$0x1];
	p0 =	sne.s32 s2, $0x0  }
0x87: {  	s3 =	rddreg [dreg:$0x2];
	[bflag:$0x3] =	sbarrier.arrive $0xFFFF;
	s2 =	simm.s32 @!p0 $0x1C09  }
0x88: {  	[timem:s3], [sflag:s2] =	dma.local @!p0 [hbm:s0], s1  }
0x89: {  	s0 =	simm.s32 @!p0 $0x9  }
0x8a: {  	_ =	swait.ge @!p0 [sflag:s0], s1  }
0x8b: {  	s1 =	ssub.s32 @!p0 $0x0, s1;
	[sflag:s0] =	ssyncset.done @!p0 $0x0  }
0x8c: {  	[sflag:s0] =	ssyncadd.s32 @!p0 s1  }
0x8d: {  	[bflag:$0x3] =	sbarrier.arrive $0xFFFF  }
0x8e: {  	_ =	shalt  }

</sc_bundles>
